<compile_context>
chip_gen: v7x
topology: tpu7x:2x2x1
jax: 0.10.2.dev20260603
libtpu: 0.0.44.dev20260713+nightly
codegen_flags: <defaults>
</compile_context>

<pallas_src>
import functools

import jax
import jax.numpy as jnp
from jax import lax
from jax.experimental import pallas as pl
from jax.experimental.pallas import tpu as pltpu
from jax.experimental.pallas import tpu_sc as plsc

NSEG = 10000
NNZ = 320000
D = 128
HALF = NSEG // 2
CHUNK = 128
NCHUNKS = NNZ // CHUNK
NS = 16
NSLOT = 4
LOOKAHEAD = 3
FPAD = 2560
FPT = FPAD // NS
TRASH = HALF
ACC_ROWS = HALF + 8
TILE_W = 312
WREM_OFF = NS * TILE_W
WREM = HALF - WREM_OFF
WSIZES = (64, 64, 64, 64, 56)


def _sc_segment_sum(values, ids, firsts):
    mesh = plsc.VectorSubcoreMesh(core_axis_name="c", subcore_axis_name="s")

    @functools.partial(
        pl.kernel,
        out_type=jax.ShapeDtypeStruct((NSEG, D), jnp.float32),
        mesh=mesh,
        scratch_types=[
            pltpu.VMEM_SHARED((ACC_ROWS, D), jnp.float32),
            *[pltpu.VMEM((CHUNK, D), jnp.float32) for _ in range(NSLOT)],
            *[pltpu.VMEM((CHUNK,), jnp.int32) for _ in range(NSLOT)],
            pltpu.VMEM((64, D), jnp.float32),
            pltpu.VMEM((FPT,), jnp.int32),
            pltpu.SMEM((1,), jnp.int32),
            *[pltpu.SemaphoreType.DMA for _ in range(NSLOT)],
            *[pltpu.SemaphoreType.DMA for _ in range(NSLOT)],
        ],
    )
    def k(values_hbm, ids_hbm, firsts_hbm, out_hbm, acc,
          vb0, vb1, vb2, vb3, ib0, ib1, ib2, ib3, zbuf, cbuf, cnt_smem,
          ls0, ls1, ls2, ls3, ss0, ss1, ss2, ss3):
        c = lax.axis_index("c")
        s = lax.axis_index("s")
        vbufs = (vb0, vb1, vb2, vb3)
        ibufs = (ib0, ib1, ib2, ib3)
        lsems = (ls0, ls1, ls2, ls3)
        ssems = (ss0, ss1, ss2, ss3)

        @pl.loop(0, 64)
        def _zero(i):
            for j in range(D // 16):
                zbuf[i, pl.ds(j * 16, 16)] = jnp.zeros((16,), jnp.float32)

        off = 0
        for sz in WSIZES:
            pltpu.async_copy(
                zbuf.at[pl.ds(0, sz)], acc.at[pl.ds(s * TILE_W + off, sz)],
                ss0)
            off += sz

        @pl.when(s == NS - 1)
        def _zero_rem():
            pltpu.async_copy(
                zbuf.at[pl.ds(0, WREM)], acc.at[pl.ds(WREM_OFF, WREM)], ss0)

        @pl.when(s == 0)
        def _zero_cnt():
            cnt_smem[0] = 0

        plsc.subcore_barrier()
        pltpu.sync_copy(firsts_hbm.at[pl.ds(s * FPT, FPT)], cbuf)
        ib0[pl.ds(0, 16)] = jnp.zeros((16,), jnp.int32)

        @pl.loop(0, FPT // 16)
        def _cnt(i):
            iv = cbuf[pl.ds(i * 16, 16)]
            one = jnp.ones((16,), jnp.int32)
            zero = jnp.zeros((16,), jnp.int32)
            ib0[pl.ds(0, 16)] = (
                ib0[pl.ds(0, 16)] + jnp.where(iv < HALF, one, zero))

        cv = ib0[pl.ds(0, 16)]
        my_cnt = cv[0]
        for l in range(1, 16):
            my_cnt = my_cnt + cv[l]
        plsc.fetch_and_add(cnt_smem, my_cnt, subcore_id=0)
        plsc.subcore_barrier()
        c0 = plsc.fetch_and_add(cnt_smem, 0, subcore_id=0)

        cs = jnp.where(c == 0, 0, jnp.maximum(c0 - 1, 0))
        ce = jnp.where(c == 0, c0, NCHUNKS)
        nk = jnp.maximum(ce - cs - s, 0)
        nk = (nk + NS - 1) // NS
        lo = c * HALF

        def _load(kk, slot):
            @pl.when(kk < nk)
            def _():
                base = (cs + s + NS * kk) * CHUNK
                pltpu.async_copy(
                    values_hbm.at[pl.ds(base, CHUNK)], vbufs[slot],
                    lsems[slot])
                pltpu.async_copy(
                    ids_hbm.at[pl.ds(base, CHUNK)], ibufs[slot], lsems[slot])

        for kk in range(LOOKAHEAD):
            _load(kk, kk)

        off = 0
        for sz in WSIZES:
            pltpu.make_async_copy(
                zbuf.at[pl.ds(0, sz)], acc.at[pl.ds(s * TILE_W + off, sz)],
                ss0).wait()
            off += sz

        @pl.when(s == NS - 1)
        def _zero_rem_wait():
            pltpu.make_async_copy(
                zbuf.at[pl.ds(0, WREM)], acc.at[pl.ds(WREM_OFF, WREM)],
                ss0).wait()

        plsc.subcore_barrier()

        nk4 = ((nk + NSLOT - 1) // NSLOT) * NSLOT

        @pl.loop(0, nk4, step=NSLOT)
        def _body(kk0):
            for b in range(NSLOT):
                vb, ib = vbufs[b], ibufs[b]
                kk = kk0 + b
                nxt = (b + LOOKAHEAD) % NSLOT

                @pl.when(kk < nk)
                def _():
                    pltpu.make_async_copy(
                        values_hbm.at[pl.ds(0, CHUNK)], vb, lsems[b]).wait()
                    pltpu.make_async_copy(
                        ids_hbm.at[pl.ds(0, CHUNK)], ib, lsems[b]).wait()
                    for j in range(CHUNK // 16):
                        iv = ib[pl.ds(j * 16, 16)]
                        loc = iv - lo
                        ok = (loc >= 0) & (loc < HALF)
                        trash = jnp.full((16,), TRASH, jnp.int32)
                        ib[pl.ds(j * 16, 16)] = jnp.where(ok, loc, trash)
                    pltpu.async_copy(vb, acc.at[ib], ssems[b], add=True)

                    @pl.when(kk >= 1)
                    def _():
                        pltpu.make_async_copy(
                            vbufs[nxt], acc.at[ibufs[nxt]], ssems[nxt]).wait()

                    _load(kk + LOOKAHEAD, nxt)

        @pl.when(nk > 0)
        def _drain():
            last = (nk - 1) % NSLOT
            for b in range(NSLOT):
                @pl.when(last == b)
                def _():
                    pltpu.make_async_copy(
                        vbufs[b], acc.at[ibufs[b]], ssems[b]).wait()

        plsc.subcore_barrier()

        pltpu.sync_copy(
            acc.at[pl.ds(s * TILE_W, TILE_W)],
            out_hbm.at[pl.ds(lo + s * TILE_W, TILE_W)])

        @pl.when(s == NS - 1)
        def _wb_rem():
            pltpu.sync_copy(
                acc.at[pl.ds(WREM_OFF, WREM)],
                out_hbm.at[pl.ds(lo + WREM_OFF, WREM)])

    return k(values, ids, firsts)


def kernel(values, segment_ids):
    ids = segment_ids.astype(jnp.int32)
    firsts = jnp.pad(
        ids.reshape(NCHUNKS, CHUNK)[:, 0], (0, FPAD - NCHUNKS),
        constant_values=NSEG)
    return _sc_segment_sum(values, ids, firsts)

# --- scband reference (transcript-rebuilt; emitter-appended) ---
"""Pipeline reference for scband-op-pooling-23184233463951 (READ-ONLY COPY).

The authoritative reference and input builder live on the scoring server;
editing this copy changes nothing except your own understanding.
"""

import jax, jax.numpy as jnp
import numpy as np

NUM_SEGMENTS = 10000
NNZ = 320000
D = 128

def setup_inputs(seed: int = 0) -> dict:
    key = jax.random.key(seed)
    k1, k2 = jax.random.split(key)
    values = jax.random.normal(k1, (NNZ, D), dtype=jnp.float32)
    segment_ids = jnp.sort(jax.random.randint(k2, (NNZ,), 0, NUM_SEGMENTS, dtype=jnp.int64))
    return {"values": values, "segment_ids": segment_ids}

def reference(values, segment_ids):
    # OpPooling(dims=[1], mode='S', pool='sum', return_sparse=False):
    # sparse subgraph tensor with indices (subgraph_id, node_id) and values [nnz, d];
    # pooling over dim 1 (node dim) == segment-sum of values keyed by subgraph id,
    # producing a dense [num_subgraphs, d] tensor.
    out = jax.ops.segment_sum(values, segment_ids, num_segments=NUM_SEGMENTS)
    return out

if __name__ == "__main__":
    import jax
    _d = setup_inputs()
    print(jax.jit(kernel)(*tuple(_d.values())))

</pallas_src>

<mosaic_0001>
#map = affine_map<(d0, d1) -> (0, 0)>
#map1 = affine_map<(d0, d1) -> (0)>
module attributes {stable_mosaic.version = 14 : i64} {
  func.func @k(%arg0: i32, %arg1: i32, %arg2: memref<320000x128xf32, #tpu.memory_space<hbm>>, %arg3: memref<320000xi32, #tpu.memory_space<hbm>>, %arg4: memref<2560xi32, #tpu.memory_space<hbm>>, %arg5: memref<10000x128xf32, #tpu.memory_space<hbm>>, %arg6: memref<5008x128xf32, #tpu.memory_space<vmem_shared>>, %arg7: memref<128x128xf32, #tpu.memory_space<vmem>>, %arg8: memref<128x128xf32, #tpu.memory_space<vmem>>, %arg9: memref<128x128xf32, #tpu.memory_space<vmem>>, %arg10: memref<128x128xf32, #tpu.memory_space<vmem>>, %arg11: memref<128xi32, #tpu.memory_space<vmem>>, %arg12: memref<128xi32, #tpu.memory_space<vmem>>, %arg13: memref<128xi32, #tpu.memory_space<vmem>>, %arg14: memref<128xi32, #tpu.memory_space<vmem>>, %arg15: memref<64x128xf32, #tpu.memory_space<vmem>>, %arg16: memref<160xi32, #tpu.memory_space<vmem>>, %arg17: memref<1xi32, #tpu.memory_space<smem>>, %arg18: memref<!tpu.dma_semaphore, #tpu.memory_space<semaphore_mem>>, %arg19: memref<!tpu.dma_semaphore, #tpu.memory_space<semaphore_mem>>, %arg20: memref<!tpu.dma_semaphore, #tpu.memory_space<semaphore_mem>>, %arg21: memref<!tpu.dma_semaphore, #tpu.memory_space<semaphore_mem>>, %arg22: memref<!tpu.dma_semaphore, #tpu.memory_space<semaphore_mem>>, %arg23: memref<!tpu.dma_semaphore, #tpu.memory_space<semaphore_mem>>, %arg24: memref<!tpu.dma_semaphore, #tpu.memory_space<semaphore_mem>>, %arg25: memref<!tpu.dma_semaphore, #tpu.memory_space<semaphore_mem>>) attributes {dimension_semantics = [#tpu.dimension_semantics<core_parallel>, #tpu.dimension_semantics<subcore_parallel>], iteration_bounds = array<i64: 2, 16>, scalar_prefetch = 0 : i64, scratch_operands = 20 : i64, tpu.core_type = #tpu.core_type<sc_vector_subcore>, window_params = [{transform_indices = #map}, {transform_indices = #map1}, {transform_indices = #map1}, {transform_indices = #map}]} {
    %scan3A = arith.constant 0 : i32
    %scan3A_0 = arith.constant 64 : i32
    %scan3A_1 = arith.addi %scan3A, %scan3A_0 : i32
    %scan3A_2 = arith.constant 1 : i32
    scf.for %scan3A_333 = %scan3A to %scan3A_1 step %scan3A_2  : i32 {
      %mul3A_334 = arith.constant 1 : i32
      %mul3A_335 = arith.muli %scan3A_333, %mul3A_334 : i32
      %add3A_336 = arith.constant 0 : i32
      %add3A_337 = arith.addi %add3A_336, %mul3A_335 : i32
      %broadcast_in_dim3A_338 = arith.constant 0.000000e+00 : f32
      %broadcast_in_dim3A_339 = vector.broadcast %broadcast_in_dim3A_338 : f32 to vector<16xf32>
      %swap3A_340 = arith.index_cast %add3A_337 : i32 to index
      %swap3A_341 = arith.constant 0 : index
      %swap3A_342 = tpu.vector_load %arg15[%swap3A_340, %swap3A_341] {strides = array<i32>} : memref<64x128xf32, #tpu.memory_space<vmem>>, vector<1x16xf32>,
      %swap3A_343 = vector.shape_cast %swap3A_342 : vector<1x16xf32> to vector<16xf32>
      %swap3A_344 = vector.shape_cast %broadcast_in_dim3A_339 : vector<16xf32> to vector<1x16xf32>
      tpu.vector_store %arg15[%swap3A_340, %swap3A_341], %swap3A_344 {strides = array<i32>} : memref<64x128xf32, #tpu.memory_space<vmem>>, vector<1x16xf32>,
      %broadcast_in_dim3A_345 = arith.constant 0.000000e+00 : f32
      %broadcast_in_dim3A_346 = vector.broadcast %broadcast_in_dim3A_345 : f32 to vector<16xf32>
      %swap3A_347 = arith.index_cast %add3A_337 : i32 to index
      %swap3A_348 = arith.constant 16 : index
      %swap3A_349 = tpu.vector_load %arg15[%swap3A_347, %swap3A_348] {strides = array<i32>} : memref<64x128xf32, #tpu.memory_space<vmem>>, vector<1x16xf32>,
      %swap3A_350 = vector.shape_cast %swap3A_349 : vector<1x16xf32> to vector<16xf32>
      %swap3A_351 = vector.shape_cast %broadcast_in_dim3A_346 : vector<16xf32> to vector<1x16xf32>
      tpu.vector_store %arg15[%swap3A_347, %swap3A_348], %swap3A_351 {strides = array<i32>} : memref<64x128xf32, #tpu.memory_space<vmem>>, vector<1x16xf32>,
      %broadcast_in_dim3A_352 = arith.constant 0.000000e+00 : f32
      %broadcast_in_dim3A_353 = vector.broadcast %broadcast_in_dim3A_352 : f32 to vector<16xf32>
      %swap3A_354 = arith.index_cast %add3A_337 : i32 to index
      %swap3A_355 = arith.constant 32 : index
      %swap3A_356 = tpu.vector_load %arg15[%swap3A_354, %swap3A_355] {strides = array<i32>} : memref<64x128xf32, #tpu.memory_space<vmem>>, vector<1x16xf32>,
      %swap3A_357 = vector.shape_cast %swap3A_356 : vector<1x16xf32> to vector<16xf32>
      %swap3A_358 = vector.shape_cast %broadcast_in_dim3A_353 : vector<16xf32> to vector<1x16xf32>
      tpu.vector_store %arg15[%swap3A_354, %swap3A_355], %swap3A_358 {strides = array<i32>} : memref<64x128xf32, #tpu.memory_space<vmem>>, vector<1x16xf32>,
      %broadcast_in_dim3A_359 = arith.constant 0.000000e+00 : f32
      %broadcast_in_dim3A_360 = vector.broadcast %broadcast_in_dim3A_359 : f32 to vector<16xf32>
      %swap3A_361 = arith.index_cast %add3A_337 : i32 to index
      %swap3A_362 = arith.constant 48 : index
      %swap3A_363 = tpu.vector_load %arg15[%swap3A_361, %swap3A_362] {strides = array<i32>} : memref<64x128xf32, #tpu.memory_space<vmem>>, vector<1x16xf32>,
      %swap3A_364 = vector.shape_cast %swap3A_363 : vector<1x16xf32> to vector<16xf32>
      %swap3A_365 = vector.shape_cast %broadcast_in_dim3A_360 : vector<16xf32> to vector<1x16xf32>
      tpu.vector_store %arg15[%swap3A_361, %swap3A_362], %swap3A_365 {strides = array<i32>} : memref<64x128xf32, #tpu.memory_space<vmem>>, vector<1x16xf32>,
      %broadcast_in_dim3A_366 = arith.constant 0.000000e+00 : f32
      %broadcast_in_dim3A_367 = vector.broadcast %broadcast_in_dim3A_366 : f32 to vector<16xf32>
      %swap3A_368 = arith.index_cast %add3A_337 : i32 to index
      %swap3A_369 = arith.constant 64 : index
      %swap3A_370 = tpu.vector_load %arg15[%swap3A_368, %swap3A_369] {strides = array<i32>} : memref<64x128xf32, #tpu.memory_space<vmem>>, vector<1x16xf32>,
      %swap3A_371 = vector.shape_cast %swap3A_370 : vector<1x16xf32> to vector<16xf32>
      %swap3A_372 = vector.shape_cast %broadcast_in_dim3A_367 : vector<16xf32> to vector<1x16xf32>
      tpu.vector_store %arg15[%swap3A_368, %swap3A_369], %swap3A_372 {strides = array<i32>} : memref<64x128xf32, #tpu.memory_space<vmem>>, vector<1x16xf32>,
      %broadcast_in_dim3A_373 = arith.constant 0.000000e+00 : f32
      %broadcast_in_dim3A_374 = vector.broadcast %broadcast_in_dim3A_373 : f32 to vector<16xf32>
      %swap3A_375 = arith.index_cast %add3A_337 : i32 to index
      %swap3A_376 = arith.constant 80 : index
      %swap3A_377 = tpu.vector_load %arg15[%swap3A_375, %swap3A_376] {strides = array<i32>} : memref<64x128xf32, #tpu.memory_space<vmem>>, vector<1x16xf32>,
      %swap3A_378 = vector.shape_cast %swap3A_377 : vector<1x16xf32> to vector<16xf32>
      %swap3A_379 = vector.shape_cast %broadcast_in_dim3A_374 : vector<16xf32> to vector<1x16xf32>
      tpu.vector_store %arg15[%swap3A_375, %swap3A_376], %swap3A_379 {strides = array<i32>} : memref<64x128xf32, #tpu.memory_space<vmem>>, vector<1x16xf32>,
      %broadcast_in_dim3A_380 = arith.constant 0.000000e+00 : f32
      %broadcast_in_dim3A_381 = vector.broadcast %broadcast_in_dim3A_380 : f32 to vector<16xf32>
      %swap3A_382 = arith.index_cast %add3A_337 : i32 to index
      %swap3A_383 = arith.constant 96 : index
      %swap3A_384 = tpu.vector_load %arg15[%swap3A_382, %swap3A_383] {strides = array<i32>} : memref<64x128xf32, #tpu.memory_space<vmem>>, vector<1x16xf32>,
      %swap3A_385 = vector.shape_cast %swap3A_384 : vector<1x16xf32> to vector<16xf32>
      %swap3A_386 = vector.shape_cast %broadcast_in_dim3A_381 : vector<16xf32> to vector<1x16xf32>
      tpu.vector_store %arg15[%swap3A_382, %swap3A_383], %swap3A_386 {strides = array<i32>} : memref<64x128xf32, #tpu.memory_space<vmem>>, vector<1x16xf32>,
      %broadcast_in_dim3A_387 = arith.constant 0.000000e+00 : f32
      %broadcast_in_dim3A_388 = vector.broadcast %broadcast_in_dim3A_387 : f32 to vector<16xf32>
      %swap3A_389 = arith.index_cast %add3A_337 : i32 to index
      %swap3A_390 = arith.constant 112 : index
      %swap3A_391 = tpu.vector_load %arg15[%swap3A_389, %swap3A_390] {strides = array<i32>} : memref<64x128xf32, #tpu.memory_space<vmem>>, vector<1x16xf32>,
      %swap3A_392 = vector.shape_cast %swap3A_391 : vector<1x16xf32> to vector<16xf32>
      %swap3A_393 = vector.shape_cast %broadcast_in_dim3A_388 : vector<16xf32> to vector<1x16xf32>
      tpu.vector_store %arg15[%swap3A_389, %swap3A_390], %swap3A_393 {strides = array<i32>} : memref<64x128xf32, #tpu.memory_space<vmem>>, vector<1x16xf32>,
    }
    %scan3A_3 = arith.constant 64 : i32
    %mul3A = arith.constant 312 : i32
    %mul3A_4 = arith.muli %arg1, %mul3A : i32
    %add3A = arith.constant 0 : i32
    %add3A_5 = arith.addi %mul3A_4, %add3A : i32
    %dma_start3A = arith.constant 0 : i32
    %dma_start3A_6 = arith.constant 0 : i32
    %dma_start3A_7 = tpu.memref_slice %arg15[%dma_start3A, %dma_start3A_6] : memref<64x128xf32, #tpu.memory_space<vmem>> -> memref<64x128xf32, #tpu.memory_space<vmem>>
    %dma_start3A_8 = arith.constant 0 : i32
    %dma_start3A_9 = tpu.memref_slice %arg6[%add3A_5, %dma_start3A_8] : memref<5008x128xf32, #tpu.memory_space<vmem_shared>> -> memref<64x128xf32, #tpu.memory_space<vmem_shared>>
    %dma_start3A_10 = arith.constant 0 : i32
    %dma_start3A_11 = tpu.memref_slice %arg6[%add3A_5, %dma_start3A_10] : memref<5008x128xf32, #tpu.memory_space<vmem_shared>> -> memref<64x128xf32, #tpu.memory_space<vmem_shared>>
    %dma_start3A_12 = arith.constant 0 : i32
    %dma_start3A_13 = arith.constant 0 : i32
    %dma_start3A_14 = tpu.memref_slice %arg15[%dma_start3A_12, %dma_start3A_13] : memref<64x128xf32, #tpu.memory_space<vmem>> -> memref<64x128xf32, #tpu.memory_space<vmem>>
    tpu.enqueue_dma source(%dma_start3A_14 : memref<64x128xf32, #tpu.memory_space<vmem>>) target(%dma_start3A_11 : memref<64x128xf32, #tpu.memory_space<vmem_shared>>) target_semaphore(%arg22 : memref<!tpu.dma_semaphore, #tpu.memory_space<semaphore_mem>>)
    %mul3A_15 = arith.constant 312 : i32
    %mul3A_16 = arith.muli %arg1, %mul3A_15 : i32
    %add3A_17 = arith.constant 64 : i32
    %add3A_18 = arith.addi %mul3A_16, %add3A_17 : i32
    %dma_start3A_19 = arith.constant 0 : i32
    %dma_start3A_20 = arith.constant 0 : i32
    %dma_start3A_21 = tpu.memref_slice %arg15[%dma_start3A_19, %dma_start3A_20] : memref<64x128xf32, #tpu.memory_space<vmem>> -> memref<64x128xf32, #tpu.memory_space<vmem>>
    %dma_start3A_22 = arith.constant 0 : i32
    %dma_start3A_23 = tpu.memref_slice %arg6[%add3A_18, %dma_start3A_22] : memref<5008x128xf32, #tpu.memory_space<vmem_shared>> -> memref<64x128xf32, #tpu.memory_space<vmem_shared>>
    %dma_start3A_24 = arith.constant 0 : i32
    %dma_start3A_25 = tpu.memref_slice %arg6[%add3A_18, %dma_start3A_24] : memref<5008x128xf32, #tpu.memory_space<vmem_shared>> -> memref<64x128xf32, #tpu.memory_space<vmem_shared>>
    %dma_start3A_26 = arith.constant 0 : i32
    %dma_start3A_27 = arith.constant 0 : i32
    %dma_start3A_28 = tpu.memref_slice %arg15[%dma_start3A_26, %dma_start3A_27] : memref<64x128xf32, #tpu.memory_space<vmem>> -> memref<64x128xf32, #tpu.memory_space<vmem>>
    tpu.enqueue_dma source(%dma_start3A_28 : memref<64x128xf32, #tpu.memory_space<vmem>>) target(%dma_start3A_25 : memref<64x128xf32, #tpu.memory_space<vmem_shared>>) target_semaphore(%arg22 : memref<!tpu.dma_semaphore, #tpu.memory_space<semaphore_mem>>)
    %mul3A_29 = arith.constant 312 : i32
    %mul3A_30 = arith.muli %arg1, %mul3A_29 : i32
    %add3A_31 = arith.constant 128 : i32
    %add3A_32 = arith.addi %mul3A_30, %add3A_31 : i32
    %dma_start3A_33 = arith.constant 0 : i32
    %dma_start3A_34 = arith.constant 0 : i32
    %dma_start3A_35 = tpu.memref_slice %arg15[%dma_start3A_33, %dma_start3A_34] : memref<64x128xf32, #tpu.memory_space<vmem>> -> memref<64x128xf32, #tpu.memory_space<vmem>>
    %dma_start3A_36 = arith.constant 0 : i32
    %dma_start3A_37 = tpu.memref_slice %arg6[%add3A_32, %dma_start3A_36] : memref<5008x128xf32, #tpu.memory_space<vmem_shared>> -> memref<64x128xf32, #tpu.memory_space<vmem_shared>>
    %dma_start3A_38 = arith.constant 0 : i32
    %dma_start3A_39 = tpu.memref_slice %arg6[%add3A_32, %dma_start3A_38] : memref<5008x128xf32, #tpu.memory_space<vmem_shared>> -> memref<64x128xf32, #tpu.memory_space<vmem_shared>>
    %dma_start3A_40 = arith.constant 0 : i32
    %dma_start3A_41 = arith.constant 0 : i32
    %dma_start3A_42 = tpu.memref_slice %arg15[%dma_start3A_40, %dma_start3A_41] : memref<64x128xf32, #tpu.memory_space<vmem>> -> memref<64x128xf32, #tpu.memory_space<vmem>>
    tpu.enqueue_dma source(%dma_start3A_42 : memref<64x128xf32, #tpu.memory_space<vmem>>) target(%dma_start3A_39 : memref<64x128xf32, #tpu.memory_space<vmem_shared>>) target_semaphore(%arg22 : memref<!tpu.dma_semaphore, #tpu.memory_space<semaphore_mem>>)
    %mul3A_43 = arith.constant 312 : i32
    %mul3A_44 = arith.muli %arg1, %mul3A_43 : i32
    %add3A_45 = arith.constant 192 : i32
    %add3A_46 = arith.addi %mul3A_44, %add3A_45 : i32
    %dma_start3A_47 = arith.constant 0 : i32
    %dma_start3A_48 = arith.constant 0 : i32
    %dma_start3A_49 = tpu.memref_slice %arg15[%dma_start3A_47, %dma_start3A_48] : memref<64x128xf32, #tpu.memory_space<vmem>> -> memref<64x128xf32, #tpu.memory_space<vmem>>
    %dma_start3A_50 = arith.constant 0 : i32
    %dma_start3A_51 = tpu.memref_slice %arg6[%add3A_46, %dma_start3A_50] : memref<5008x128xf32, #tpu.memory_space<vmem_shared>> -> memref<64x128xf32, #tpu.memory_space<vmem_shared>>
    %dma_start3A_52 = arith.constant 0 : i32
    %dma_start3A_53 = tpu.memref_slice %arg6[%add3A_46, %dma_start3A_52] : memref<5008x128xf32, #tpu.memory_space<vmem_shared>> -> memref<64x128xf32, #tpu.memory_space<vmem_shared>>
    %dma_start3A_54 = arith.constant 0 : i32
    %dma_start3A_55 = arith.constant 0 : i32
    %dma_start3A_56 = tpu.memref_slice %arg15[%dma_start3A_54, %dma_start3A_55] : memref<64x128xf32, #tpu.memory_space<vmem>> -> memref<64x128xf32, #tpu.memory_space<vmem>>
    tpu.enqueue_dma source(%dma_start3A_56 : memref<64x128xf32, #tpu.memory_space<vmem>>) target(%dma_start3A_53 : memref<64x128xf32, #tpu.memory_space<vmem_shared>>) target_semaphore(%arg22 : memref<!tpu.dma_semaphore, #tpu.memory_space<semaphore_mem>>)
    %mul3A_57 = arith.constant 312 : i32
    %mul3A_58 = arith.muli %arg1, %mul3A_57 : i32
    %add3A_59 = arith.constant 256 : i32
    %add3A_60 = arith.addi %mul3A_58, %add3A_59 : i32
    %dma_start3A_61 = arith.constant 0 : i32
    %dma_start3A_62 = arith.constant 0 : i32
    %dma_start3A_63 = tpu.memref_slice %arg15[%dma_start3A_61, %dma_start3A_62] : memref<64x128xf32, #tpu.memory_space<vmem>> -> memref<56x128xf32, #tpu.memory_space<vmem>>
    %dma_start3A_64 = arith.constant 0 : i32
    %dma_start3A_65 = tpu.memref_slice %arg6[%add3A_60, %dma_start3A_64] : memref<5008x128xf32, #tpu.memory_space<vmem_shared>> -> memref<56x128xf32, #tpu.memory_space<vmem_shared>>
    %dma_start3A_66 = arith.constant 0 : i32
    %dma_start3A_67 = tpu.memref_slice %arg6[%add3A_60, %dma_start3A_66] : memref<5008x128xf32, #tpu.memory_space<vmem_shared>> -> memref<56x128xf32, #tpu.memory_space<vmem_shared>>
    %dma_start3A_68 = arith.constant 0 : i32
    %dma_start3A_69 = arith.constant 0 : i32
    %dma_start3A_70 = tpu.memref_slice %arg15[%dma_start3A_68, %dma_start3A_69] : memref<64x128xf32, #tpu.memory_space<vmem>> -> memref<56x128xf32, #tpu.memory_space<vmem>>
    tpu.enqueue_dma source(%dma_start3A_70 : memref<56x128xf32, #tpu.memory_space<vmem>>) target(%dma_start3A_67 : memref<56x128xf32, #tpu.memory_space<vmem_shared>>) target_semaphore(%arg22 : memref<!tpu.dma_semaphore, #tpu.memory_space<semaphore_mem>>)
    %eq3A = arith.constant 15 : i32
    %eq3A_71 = arith.cmpi eq, %arg1, %eq3A : i32
    %convert_element_type3A = arith.extui %eq3A_71 : i1 to i32
    %cond3A = arith.constant 0 : i32
    %cond3A_72 = arith.cmpi ne, %convert_element_type3A, %cond3A : i32
    scf.if %cond3A_72 {
      %dma_start3A_333 = arith.constant 0 : i32
      %dma_start3A_334 = arith.constant 0 : i32
      %dma_start3A_335 = tpu.memref_slice %arg15[%dma_start3A_333, %dma_start3A_334] : memref<64x128xf32, #tpu.memory_space<vmem>> -> memref<8x128xf32, #tpu.memory_space<vmem>>
      %dma_start3A_336 = arith.constant 4992 : i32
      %dma_start3A_337 = arith.constant 0 : i32
      %dma_start3A_338 = tpu.memref_slice %arg6[%dma_start3A_336, %dma_start3A_337] : memref<5008x128xf32, #tpu.memory_space<vmem_shared>> -> memref<8x128xf32, #tpu.memory_space<vmem_shared>>
      %dma_start3A_339 = arith.constant 4992 : i32
      %dma_start3A_340 = arith.constant 0 : i32
      %dma_start3A_341 = tpu.memref_slice %arg6[%dma_start3A_339, %dma_start3A_340] : memref<5008x128xf32, #tpu.memory_space<vmem_shared>> -> memref<8x128xf32, #tpu.memory_space<vmem_shared>>
      %dma_start3A_342 = arith.constant 0 : i32
      %dma_start3A_343 = arith.constant 0 : i32
      %dma_start3A_344 = tpu.memref_slice %arg15[%dma_start3A_342, %dma_start3A_343] : memref<64x128xf32, #tpu.memory_space<vmem>> -> memref<8x128xf32, #tpu.memory_space<vmem>>
      tpu.enqueue_dma source(%dma_start3A_344 : memref<8x128xf32, #tpu.memory_space<vmem>>) target(%dma_start3A_341 : memref<8x128xf32, #tpu.memory_space<vmem_shared>>) target_semaphore(%arg22 : memref<!tpu.dma_semaphore, #tpu.memory_space<semaphore_mem>>)
    } else {
    }
    %eq3A_73 = arith.constant 0 : i32
    %eq3A_74 = arith.cmpi eq, %arg1, %eq3A_73 : i32
    %convert_element_type3A_75 = arith.extui %eq3A_74 : i1 to i32
    %cond3A_76 = arith.constant 0 : i32
    %cond3A_77 = arith.cmpi ne, %convert_element_type3A_75, %cond3A_76 : i32
    scf.if %cond3A_77 {
      %swap3A_333 = arith.constant 0 : i32
      %swap3A_334 = arith.constant 0 : i32
      %swap3A_335 = arith.index_cast %swap3A_334 : i32 to index
      %swap3A_336 = memref.load %arg17[%swap3A_335] : memref<1xi32, #tpu.memory_space<smem>>
      memref.store %swap3A_333, %arg17[%swap3A_335] : memref<1xi32, #tpu.memory_space<smem>>
    } else {
    }
    %barrier3A = arith.constant 0 : index
    tpu.barrier barrier_id(%barrier3A)
    %mul3A_78 = arith.constant 160 : i32
    %mul3A_79 = arith.muli %arg1, %mul3A_78 : i32
    "tpu.region"() ({
      %run_scoped3A = tpu.sem_alloc : memref<!tpu.dma_semaphore, #tpu.memory_space<semaphore_mem>>
      %dma_start3A_333 = tpu.memref_slice %arg4[%mul3A_79] : memref<2560xi32, #tpu.memory_space<hbm>> -> memref<160xi32, #tpu.memory_space<hbm>>
      %dma_start3A_334 = tpu.memref_slice %arg4[%mul3A_79] : memref<2560xi32, #tpu.memory_space<hbm>> -> memref<160xi32, #tpu.memory_space<hbm>>
      tpu.enqueue_dma source(%dma_start3A_334 : memref<160xi32, #tpu.memory_space<hbm>>) target(%arg16 : memref<160xi32, #tpu.memory_space<vmem>>) target_semaphore(%run_scoped3A : memref<!tpu.dma_semaphore, #tpu.memory_space<semaphore_mem>>)
      %dma_wait3A_335 = tpu.memref_slice %arg4[%mul3A_79] : memref<2560xi32, #tpu.memory_space<hbm>> -> memref<160xi32, #tpu.memory_space<hbm>>
      %dma_wait3A_336 = tpu.memref_slice %arg4[%mul3A_79] : memref<2560xi32, #tpu.memory_space<hbm>> -> memref<160xi32, #tpu.memory_space<hbm>>
      tpu.wait_dma2 semaphore(%run_scoped3A : memref<!tpu.dma_semaphore, #tpu.memory_space<semaphore_mem>>) src(%dma_wait3A_336 : memref<160xi32, #tpu.memory_space<hbm>>) dst(%arg16 : memref<160xi32, #tpu.memory_space<vmem>>)
      tpu.yield
    }) : () -> ()
    %broadcast_in_dim3A = arith.constant 0 : i32
    %broadcast_in_dim3A_80 = vector.broadcast %broadcast_in_dim3A : i32 to vector<16xi32>
    %swap3A = arith.constant 0 : index
    %swap3A_81 = tpu.vector_load %arg11[%swap3A] {strides = array<i32>} : memref<128xi32, #tpu.memory_space<vmem>>, vector<16xi32>,
    %swap3A_82 = vector.shape_cast %swap3A_81 : vector<16xi32> to vector<16xi32>
    %swap3A_83 = vector.shape_cast %broadcast_in_dim3A_80 : vector<16xi32> to vector<16xi32>
    tpu.vector_store %arg11[%swap3A], %swap3A_83 {strides = array<i32>} : memref<128xi32, #tpu.memory_space<vmem>>, vector<16xi32>,
    %scan3A_84 = arith.constant 0 : i32
    %scan3A_85 = arith.constant 10 : i32
    %scan3A_86 = arith.addi %scan3A_84, %scan3A_85 : i32
    %scan3A_87 = arith.constant 1 : i32
    scf.for %scan3A_333 = %scan3A_84 to %scan3A_86 step %scan3A_87  : i32 {
      %mul3A_334 = arith.constant 1 : i32
      %mul3A_335 = arith.muli %scan3A_333, %mul3A_334 : i32
      %add3A_336 = arith.constant 0 : i32
      %add3A_337 = arith.addi %add3A_336, %mul3A_335 : i32
      %mul3A_338 = arith.constant 16 : i32
      %mul3A_339 = arith.muli %add3A_337, %mul3A_338 : i32
      %get3A_340 = arith.index_cast %mul3A_339 : i32 to index
      %get3A_341 = tpu.vector_load %arg16[%get3A_340] {strides = array<i32>} : memref<160xi32, #tpu.memory_space<vmem>>, vector<16xi32>,
      %get3A_342 = vector.shape_cast %get3A_341 : vector<16xi32> to vector<16xi32>
      %broadcast_in_dim3A_343 = arith.constant 1 : i32
      %broadcast_in_dim3A_344 = vector.broadcast %broadcast_in_dim3A_343 : i32 to vector<16xi32>
      %broadcast_in_dim3A_345 = arith.constant 0 : i32
      %broadcast_in_dim3A_346 = vector.broadcast %broadcast_in_dim3A_345 : i32 to vector<16xi32>
      %get3A_347 = arith.constant 0 : index
      %get3A_348 = tpu.vector_load %arg11[%get3A_347] {strides = array<i32>} : memref<128xi32, #tpu.memory_space<vmem>>, vector<16xi32>,
      %get3A_349 = vector.shape_cast %get3A_348 : vector<16xi32> to vector<16xi32>
      %lt3A = arith.constant 5000 : i32
      %lt3A_350 = vector.broadcast %lt3A : i32 to vector<16xi32>
      %lt3A_351 = arith.cmpi slt, %get3A_342, %lt3A_350 : vector<16xi32>
      %select_n3A_352 = arith.select %lt3A_351, %broadcast_in_dim3A_344, %broadcast_in_dim3A_346 : vector<16xi1>, vector<16xi32>
      %add3A_353 = arith.addi %get3A_349, %select_n3A_352 : vector<16xi32>
      %swap3A_354 = arith.constant 0 : index
      %swap3A_355 = tpu.vector_load %arg11[%swap3A_354] {strides = array<i32>} : memref<128xi32, #tpu.memory_space<vmem>>, vector<16xi32>,
      %swap3A_356 = vector.shape_cast %swap3A_355 : vector<16xi32> to vector<16xi32>
      %swap3A_357 = vector.shape_cast %add3A_353 : vector<16xi32> to vector<16xi32>
      tpu.vector_store %arg11[%swap3A_354], %swap3A_357 {strides = array<i32>} : memref<128xi32, #tpu.memory_space<vmem>>, vector<16xi32>,
    }
    %scan3A_88 = arith.constant 10 : i32
    %get3A = arith.constant 0 : index
    %get3A_89 = tpu.vector_load %arg11[%get3A] {strides = array<i32>} : memref<128xi32, #tpu.memory_space<vmem>>, vector<16xi32>,
    %get3A_90 = vector.shape_cast %get3A_89 : vector<16xi32> to vector<16xi32>
    %slice3A = vector.extract_strided_slice %get3A_90 {offsets = [0], sizes = [1], strides = [1]} : vector<16xi32> to vector<1xi32>
    %squeeze3A = vector.extract %slice3A[0] : i32 from vector<1xi32>
    %slice3A_91 = vector.extract_strided_slice %get3A_90 {offsets = [1], sizes = [1], strides = [1]} : vector<16xi32> to vector<1xi32>
    %squeeze3A_92 = vector.extract %slice3A_91[0] : i32 from vector<1xi32>
    %add3A_93 = arith.addi %squeeze3A, %squeeze3A_92 : i32
    %slice3A_94 = vector.extract_strided_slice %get3A_90 {offsets = [2], sizes = [1], strides = [1]} : vector<16xi32> to vector<1xi32>
    %squeeze3A_95 = vector.extract %slice3A_94[0] : i32 from vector<1xi32>
    %add3A_96 = arith.addi %add3A_93, %squeeze3A_95 : i32
    %slice3A_97 = vector.extract_strided_slice %get3A_90 {offsets = [3], sizes = [1], strides = [1]} : vector<16xi32> to vector<1xi32>
    %squeeze3A_98 = vector.extract %slice3A_97[0] : i32 from vector<1xi32>
    %add3A_99 = arith.addi %add3A_96, %squeeze3A_98 : i32
    %slice3A_100 = vector.extract_strided_slice %get3A_90 {offsets = [4], sizes = [1], strides = [1]} : vector<16xi32> to vector<1xi32>
    %squeeze3A_101 = vector.extract %slice3A_100[0] : i32 from vector<1xi32>
    %add3A_102 = arith.addi %add3A_99, %squeeze3A_101 : i32
    %slice3A_103 = vector.extract_strided_slice %get3A_90 {offsets = [5], sizes = [1], strides = [1]} : vector<16xi32> to vector<1xi32>
    %squeeze3A_104 = vector.extract %slice3A_103[0] : i32 from vector<1xi32>
    %add3A_105 = arith.addi %add3A_102, %squeeze3A_104 : i32
    %slice3A_106 = vector.extract_strided_slice %get3A_90 {offsets = [6], sizes = [1], strides = [1]} : vector<16xi32> to vector<1xi32>
    %squeeze3A_107 = vector.extract %slice3A_106[0] : i32 from vector<1xi32>
    %add3A_108 = arith.addi %add3A_105, %squeeze3A_107 : i32
    %slice3A_109 = vector.extract_strided_slice %get3A_90 {offsets = [7], sizes = [1], strides = [1]} : vector<16xi32> to vector<1xi32>
    %squeeze3A_110 = vector.extract %slice3A_109[0] : i32 from vector<1xi32>
    %add3A_111 = arith.addi %add3A_108, %squeeze3A_110 : i32
    %slice3A_112 = vector.extract_strided_slice %get3A_90 {offsets = [8], sizes = [1], strides = [1]} : vector<16xi32> to vector<1xi32>
    %squeeze3A_113 = vector.extract %slice3A_112[0] : i32 from vector<1xi32>
    %add3A_114 = arith.addi %add3A_111, %squeeze3A_113 : i32
    %slice3A_115 = vector.extract_strided_slice %get3A_90 {offsets = [9], sizes = [1], strides = [1]} : vector<16xi32> to vector<1xi32>
    %squeeze3A_116 = vector.extract %slice3A_115[0] : i32 from vector<1xi32>
    %add3A_117 = arith.addi %add3A_114, %squeeze3A_116 : i32
    %slice3A_118 = vector.extract_strided_slice %get3A_90 {offsets = [10], sizes = [1], strides = [1]} : vector<16xi32> to vector<1xi32>
    %squeeze3A_119 = vector.extract %slice3A_118[0] : i32 from vector<1xi32>
    %add3A_120 = arith.addi %add3A_117, %squeeze3A_119 : i32
    %slice3A_121 = vector.extract_strided_slice %get3A_90 {offsets = [11], sizes = [1], strides = [1]} : vector<16xi32> to vector<1xi32>
    %squeeze3A_122 = vector.extract %slice3A_121[0] : i32 from vector<1xi32>
    %add3A_123 = arith.addi %add3A_120, %squeeze3A_122 : i32
    %slice3A_124 = vector.extract_strided_slice %get3A_90 {offsets = [12], sizes = [1], strides = [1]} : vector<16xi32> to vector<1xi32>
    %squeeze3A_125 = vector.extract %slice3A_124[0] : i32 from vector<1xi32>
    %add3A_126 = arith.addi %add3A_123, %squeeze3A_125 : i32
    %slice3A_127 = vector.extract_strided_slice %get3A_90 {offsets = [13], sizes = [1], strides = [1]} : vector<16xi32> to vector<1xi32>
    %squeeze3A_128 = vector.extract %slice3A_127[0] : i32 from vector<1xi32>
    %add3A_129 = arith.addi %add3A_126, %squeeze3A_128 : i32
    %slice3A_130 = vector.extract_strided_slice %get3A_90 {offsets = [14], sizes = [1], strides = [1]} : vector<16xi32> to vector<1xi32>
    %squeeze3A_131 = vector.extract %slice3A_130[0] : i32 from vector<1xi32>
    %add3A_132 = arith.addi %add3A_129, %squeeze3A_131 : i32
    %slice3A_133 = vector.extract_strided_slice %get3A_90 {offsets = [15], sizes = [1], strides = [1]} : vector<16xi32> to vector<1xi32>
    %squeeze3A_134 = vector.extract %slice3A_133[0] : i32 from vector<1xi32>
    %add3A_135 = arith.addi %add3A_132, %squeeze3A_134 : i32
    %sc_fetch_and_add3A = arith.constant 0 : i32
    %sc_fetch_and_add3A_136 = arith.constant 0 : i32
    %sc_fetch_and_add3A_137 = tpu.fetch_and_add_sync %arg17[%sc_fetch_and_add3A], %add3A_135, %sc_fetch_and_add3A_136 : memref<1xi32, #tpu.memory_space<smem>>, i32 -> i32
    %barrier3A_138 = arith.constant 0 : index
    tpu.barrier barrier_id(%barrier3A_138)
    %sc_fetch_and_add3A_139 = arith.constant 0 : i32
    %sc_fetch_and_add3A_140 = arith.constant 0 : i32
    %sc_fetch_and_add3A_141 = arith.constant 0 : i32
    %sc_fetch_and_add3A_142 = tpu.fetch_and_add_sync %arg17[%sc_fetch_and_add3A_140], %sc_fetch_and_add3A_139, %sc_fetch_and_add3A_141 : memref<1xi32, #tpu.memory_space<smem>>, i32 -> i32
    %eq3A_143 = arith.constant 0 : i32
    %eq3A_144 = arith.cmpi eq, %arg0, %eq3A_143 : i32
    %sub3A = arith.constant 1 : i32
    %sub3A_145 = arith.subi %sc_fetch_and_add3A_142, %sub3A : i32
    %max3A = arith.constant 0 : i32
    %max3A_146 = arith.maxsi %sub3A_145, %max3A : i32
    %jit3A = arith.constant 0 : i32
    %select_n3A = arith.select %eq3A_144, %jit3A, %max3A_146 : i32
    %eq3A_147 = arith.constant 0 : i32
    %eq3A_148 = arith.cmpi eq, %arg0, %eq3A_147 : i32
    %jit3A_149 = arith.constant 2500 : i32
    %select_n3A_150 = arith.select %eq3A_148, %sc_fetch_and_add3A_142, %jit3A_149 : i32
    %sub3A_151 = arith.subi %select_n3A_150, %select_n3A : i32
    %sub3A_152 = arith.subi %sub3A_151, %arg1 : i32
    %max3A_153 = arith.constant 0 : i32
    %max3A_154 = arith.maxsi %sub3A_152, %max3A_153 : i32
    %add3A_155 = arith.constant 16 : i32
    %add3A_156 = arith.addi %max3A_154, %add3A_155 : i32
    %sub3A_157 = arith.constant 1 : i32
    %sub3A_158 = arith.subi %add3A_156, %sub3A_157 : i32
    %jit3A_159 = arith.constant 16 : i32
    %div3A = arith.divsi %sub3A_158, %jit3A_159 : i32
    %sign3A = arith.constant 0 : i32
    %sign3A_160 = arith.cmpi sgt, %sub3A_158, %sign3A : i32
    %sign3A_161 = arith.extui %sign3A_160 : i1 to i32
    %sign3A_162 = arith.constant 0 : i32
    %sign3A_163 = arith.cmpi slt, %sub3A_158, %sign3A_162 : i32
    %sign3A_164 = arith.extui %sign3A_163 : i1 to i32
    %sign3A_165 = arith.subi %sign3A_161, %sign3A_164 : i32
    %sign3A_166 = arith.constant 0 : i32
    %sign3A_167 = arith.cmpi sgt, %jit3A_159, %sign3A_166 : i32
    %sign3A_168 = arith.extui %sign3A_167 : i1 to i32
    %sign3A_169 = arith.constant 0 : i32
    %sign3A_170 = arith.cmpi slt, %jit3A_159, %sign3A_169 : i32
    %sign3A_171 = arith.extui %sign3A_170 : i1 to i32
    %sign3A_172 = arith.subi %sign3A_168, %sign3A_171 : i32
    %ne3A = arith.cmpi ne, %sign3A_165, %sign3A_172 : i32
    %rem3A = arith.remsi %sub3A_158, %jit3A_159 : i32
    %ne3A_173 = arith.constant 0 : i32
    %ne3A_174 = arith.cmpi ne, %rem3A, %ne3A_173 : i32
    %and3A = arith.andi %ne3A, %ne3A_174 : i1
    %sub3A_175 = arith.constant 1 : i32
    %sub3A_176 = arith.subi %div3A, %sub3A_175 : i32
    %select_n3A_177 = arith.select %and3A, %sub3A_176, %div3A : i32
    %mul3A_178 = arith.constant 5000 : i32
    %mul3A_179 = arith.muli %arg0, %mul3A_178 : i32
    %gt3A = arith.constant 0 : i32
    %gt3A_180 = arith.cmpi sgt, %select_n3A_177, %gt3A : i32
    %convert_element_type3A_181 = arith.extui %gt3A_180 : i1 to i32
    %cond3A_182 = arith.constant 0 : i32
    %cond3A_183 = arith.cmpi ne, %convert_element_type3A_181, %cond3A_182 : i32
    scf.if %cond3A_183 {
      %add3A_333 = arith.addi %select_n3A, %arg1 : i32
      %add3A_334 = arith.constant 0 : i32
      %add3A_335 = arith.addi %add3A_333, %add3A_334 : i32
      %mul3A_336 = arith.constant 128 : i32
      %mul3A_337 = arith.muli %add3A_335, %mul3A_336 : i32
      %dma_start3A_338 = arith.constant 0 : i32
      %dma_start3A_339 = tpu.memref_slice %arg2[%mul3A_337, %dma_start3A_338] : memref<320000x128xf32, #tpu.memory_space<hbm>> -> memref<128x128xf32, #tpu.memory_space<hbm>>
      %dma_start3A_340 = arith.constant 0 : i32
      %dma_start3A_341 = tpu.memref_slice %arg2[%mul3A_337, %dma_start3A_340] : memref<320000x128xf32, #tpu.memory_space<hbm>> -> memref<128x128xf32, #tpu.memory_space<hbm>>
      tpu.enqueue_dma source(%dma_start3A_341 : memref<128x128xf32, #tpu.memory_space<hbm>>) target(%arg7 : memref<128x128xf32, #tpu.memory_space<vmem>>) target_semaphore(%arg18 : memref<!tpu.dma_semaphore, #tpu.memory_space<semaphore_mem>>)
      %dma_start3A_342 = tpu.memref_slice %arg3[%mul3A_337] : memref<320000xi32, #tpu.memory_space<hbm>> -> memref<128xi32, #tpu.memory_space<hbm>>
      %dma_start3A_343 = tpu.memref_slice %arg3[%mul3A_337] : memref<320000xi32, #tpu.memory_space<hbm>> -> memref<128xi32, #tpu.memory_space<hbm>>
      tpu.enqueue_dma source(%dma_start3A_343 : memref<128xi32, #tpu.memory_space<hbm>>) target(%arg11 : memref<128xi32, #tpu.memory_space<vmem>>) target_semaphore(%arg18 : memref<!tpu.dma_semaphore, #tpu.memory_space<semaphore_mem>>)
    } else {
    }
    %gt3A_184 = arith.constant 1 : i32
    %gt3A_185 = arith.cmpi sgt, %select_n3A_177, %gt3A_184 : i32
    %convert_element_type3A_186 = arith.extui %gt3A_185 : i1 to i32
    %cond3A_187 = arith.constant 0 : i32
    %cond3A_188 = arith.cmpi ne, %convert_element_type3A_186, %cond3A_187 : i32
    scf.if %cond3A_188 {
      %add3A_333 = arith.addi %select_n3A, %arg1 : i32
      %add3A_334 = arith.constant 16 : i32
      %add3A_335 = arith.addi %add3A_333, %add3A_334 : i32
      %mul3A_336 = arith.constant 128 : i32
      %mul3A_337 = arith.muli %add3A_335, %mul3A_336 : i32
      %dma_start3A_338 = arith.constant 0 : i32
      %dma_start3A_339 = tpu.memref_slice %arg2[%mul3A_337, %dma_start3A_338] : memref<320000x128xf32, #tpu.memory_space<hbm>> -> memref<128x128xf32, #tpu.memory_space<hbm>>
      %dma_start3A_340 = arith.constant 0 : i32
      %dma_start3A_341 = tpu.memref_slice %arg2[%mul3A_337, %dma_start3A_340] : memref<320000x128xf32, #tpu.memory_space<hbm>> -> memref<128x128xf32, #tpu.memory_space<hbm>>
      tpu.enqueue_dma source(%dma_start3A_341 : memref<128x128xf32, #tpu.memory_space<hbm>>) target(%arg8 : memref<128x128xf32, #tpu.memory_space<vmem>>) target_semaphore(%arg19 : memref<!tpu.dma_semaphore, #tpu.memory_space<semaphore_mem>>)
      %dma_start3A_342 = tpu.memref_slice %arg3[%mul3A_337] : memref<320000xi32, #tpu.memory_space<hbm>> -> memref<128xi32, #tpu.memory_space<hbm>>
      %dma_start3A_343 = tpu.memref_slice %arg3[%mul3A_337] : memref<320000xi32, #tpu.memory_space<hbm>> -> memref<128xi32, #tpu.memory_space<hbm>>
      tpu.enqueue_dma source(%dma_start3A_343 : memref<128xi32, #tpu.memory_space<hbm>>) target(%arg12 : memref<128xi32, #tpu.memory_space<vmem>>) target_semaphore(%arg19 : memref<!tpu.dma_semaphore, #tpu.memory_space<semaphore_mem>>)
    } else {
    }
    %gt3A_189 = arith.constant 2 : i32
    %gt3A_190 = arith.cmpi sgt, %select_n3A_177, %gt3A_189 : i32
    %convert_element_type3A_191 = arith.extui %gt3A_190 : i1 to i32
    %cond3A_192 = arith.constant 0 : i32
    %cond3A_193 = arith.cmpi ne, %convert_element_type3A_191, %cond3A_192 : i32
    scf.if %cond3A_193 {
      %add3A_333 = arith.addi %select_n3A, %arg1 : i32
      %add3A_334 = arith.constant 32 : i32
      %add3A_335 = arith.addi %add3A_333, %add3A_334 : i32
      %mul3A_336 = arith.constant 128 : i32
      %mul3A_337 = arith.muli %add3A_335, %mul3A_336 : i32
      %dma_start3A_338 = arith.constant 0 : i32
      %dma_start3A_339 = tpu.memref_slice %arg2[%mul3A_337, %dma_start3A_338] : memref<320000x128xf32, #tpu.memory_space<hbm>> -> memref<128x128xf32, #tpu.memory_space<hbm>>
      %dma_start3A_340 = arith.constant 0 : i32
      %dma_start3A_341 = tpu.memref_slice %arg2[%mul3A_337, %dma_start3A_340] : memref<320000x128xf32, #tpu.memory_space<hbm>> -> memref<128x128xf32, #tpu.memory_space<hbm>>
      tpu.enqueue_dma source(%dma_start3A_341 : memref<128x128xf32, #tpu.memory_space<hbm>>) target(%arg9 : memref<128x128xf32, #tpu.memory_space<vmem>>) target_semaphore(%arg20 : memref<!tpu.dma_semaphore, #tpu.memory_space<semaphore_mem>>)
      %dma_start3A_342 = tpu.memref_slice %arg3[%mul3A_337] : memref<320000xi32, #tpu.memory_space<hbm>> -> memref<128xi32, #tpu.memory_space<hbm>>
      %dma_start3A_343 = tpu.memref_slice %arg3[%mul3A_337] : memref<320000xi32, #tpu.memory_space<hbm>> -> memref<128xi32, #tpu.memory_space<hbm>>
      tpu.enqueue_dma source(%dma_start3A_343 : memref<128xi32, #tpu.memory_space<hbm>>) target(%arg13 : memref<128xi32, #tpu.memory_space<vmem>>) target_semaphore(%arg20 : memref<!tpu.dma_semaphore, #tpu.memory_space<semaphore_mem>>)
    } else {
    }
    %mul3A_194 = arith.constant 312 : i32
    %mul3A_195 = arith.muli %arg1, %mul3A_194 : i32
    %add3A_196 = arith.constant 0 : i32
    %add3A_197 = arith.addi %mul3A_195, %add3A_196 : i32
    %dma_wait3A = arith.constant 0 : i32
    %dma_wait3A_198 = arith.constant 0 : i32
    %dma_wait3A_199 = tpu.memref_slice %arg15[%dma_wait3A, %dma_wait3A_198] : memref<64x128xf32, #tpu.memory_space<vmem>> -> memref<64x128xf32, #tpu.memory_space<vmem>>
    %dma_wait3A_200 = arith.constant 0 : i32
    %dma_wait3A_201 = tpu.memref_slice %arg6[%add3A_197, %dma_wait3A_200] : memref<5008x128xf32, #tpu.memory_space<vmem_shared>> -> memref<64x128xf32, #tpu.memory_space<vmem_shared>>
    %dma_wait3A_202 = arith.constant 0 : i32
    %dma_wait3A_203 = tpu.memref_slice %arg6[%add3A_197, %dma_wait3A_202] : memref<5008x128xf32, #tpu.memory_space<vmem_shared>> -> memref<64x128xf32, #tpu.memory_space<vmem_shared>>
    %dma_wait3A_204 = arith.constant 0 : i32
    %dma_wait3A_205 = arith.constant 0 : i32
    %dma_wait3A_206 = tpu.memref_slice %arg15[%dma_wait3A_204, %dma_wait3A_205] : memref<64x128xf32, #tpu.memory_space<vmem>> -> memref<64x128xf32, #tpu.memory_space<vmem>>
    tpu.wait_dma2 semaphore(%arg22 : memref<!tpu.dma_semaphore, #tpu.memory_space<semaphore_mem>>) src(%dma_wait3A_206 : memref<64x128xf32, #tpu.memory_space<vmem>>) dst(%dma_wait3A_203 : memref<64x128xf32, #tpu.memory_space<vmem_shared>>)
    %mul3A_207 = arith.constant 312 : i32
    %mul3A_208 = arith.muli %arg1, %mul3A_207 : i32
    %add3A_209 = arith.constant 64 : i32
    %add3A_210 = arith.addi %mul3A_208, %add3A_209 : i32
    %dma_wait3A_211 = arith.constant 0 : i32
    %dma_wait3A_212 = arith.constant 0 : i32
    %dma_wait3A_213 = tpu.memref_slice %arg15[%dma_wait3A_211, %dma_wait3A_212] : memref<64x128xf32, #tpu.memory_space<vmem>> -> memref<64x128xf32, #tpu.memory_space<vmem>>
    %dma_wait3A_214 = arith.constant 0 : i32
    %dma_wait3A_215 = tpu.memref_slice %arg6[%add3A_210, %dma_wait3A_214] : memref<5008x128xf32, #tpu.memory_space<vmem_shared>> -> memref<64x128xf32, #tpu.memory_space<vmem_shared>>
    %dma_wait3A_216 = arith.constant 0 : i32
    %dma_wait3A_217 = tpu.memref_slice %arg6[%add3A_210, %dma_wait3A_216] : memref<5008x128xf32, #tpu.memory_space<vmem_shared>> -> memref<64x128xf32, #tpu.memory_space<vmem_shared>>
    %dma_wait3A_218 = arith.constant 0 : i32
    %dma_wait3A_219 = arith.constant 0 : i32
    %dma_wait3A_220 = tpu.memref_slice %arg15[%dma_wait3A_218, %dma_wait3A_219] : memref<64x128xf32, #tpu.memory_space<vmem>> -> memref<64x128xf32, #tpu.memory_space<vmem>>
    tpu.wait_dma2 semaphore(%arg22 : memref<!tpu.dma_semaphore, #tpu.memory_space<semaphore_mem>>) src(%dma_wait3A_220 : memref<64x128xf32, #tpu.memory_space<vmem>>) dst(%dma_wait3A_217 : memref<64x128xf32, #tpu.memory_space<vmem_shared>>)
    %mul3A_221 = arith.constant 312 : i32
    %mul3A_222 = arith.muli %arg1, %mul3A_221 : i32
    %add3A_223 = arith.constant 128 : i32
    %add3A_224 = arith.addi %mul3A_222, %add3A_223 : i32
    %dma_wait3A_225 = arith.constant 0 : i32
    %dma_wait3A_226 = arith.constant 0 : i32
    %dma_wait3A_227 = tpu.memref_slice %arg15[%dma_wait3A_225, %dma_wait3A_226] : memref<64x128xf32, #tpu.memory_space<vmem>> -> memref<64x128xf32, #tpu.memory_space<vmem>>
    %dma_wait3A_228 = arith.constant 0 : i32
    %dma_wait3A_229 = tpu.memref_slice %arg6[%add3A_224, %dma_wait3A_228] : memref<5008x128xf32, #tpu.memory_space<vmem_shared>> -> memref<64x128xf32, #tpu.memory_space<vmem_shared>>
    %dma_wait3A_230 = arith.constant 0 : i32
    %dma_wait3A_231 = tpu.memref_slice %arg6[%add3A_224, %dma_wait3A_230] : memref<5008x128xf32, #tpu.memory_space<vmem_shared>> -> memref<64x128xf32, #tpu.memory_space<vmem_shared>>
    %dma_wait3A_232 = arith.constant 0 : i32
    %dma_wait3A_233 = arith.constant 0 : i32
    %dma_wait3A_234 = tpu.memref_slice %arg15[%dma_wait3A_232, %dma_wait3A_233] : memref<64x128xf32, #tpu.memory_space<vmem>> -> memref<64x128xf32, #tpu.memory_space<vmem>>
    tpu.wait_dma2 semaphore(%arg22 : memref<!tpu.dma_semaphore, #tpu.memory_space<semaphore_mem>>) src(%dma_wait3A_234 : memref<64x128xf32, #tpu.memory_space<vmem>>) dst(%dma_wait3A_231 : memref<64x128xf32, #tpu.memory_space<vmem_shared>>)
    %mul3A_235 = arith.constant 312 : i32
    %mul3A_236 = arith.muli %arg1, %mul3A_235 : i32
    %add3A_237 = arith.constant 192 : i32
    %add3A_238 = arith.addi %mul3A_236, %add3A_237 : i32
    %dma_wait3A_239 = arith.constant 0 : i32
    %dma_wait3A_240 = arith.constant 0 : i32
    %dma_wait3A_241 = tpu.memref_slice %arg15[%dma_wait3A_239, %dma_wait3A_240] : memref<64x128xf32, #tpu.memory_space<vmem>> -> memref<64x128xf32, #tpu.memory_space<vmem>>
    %dma_wait3A_242 = arith.constant 0 : i32
    %dma_wait3A_243 = tpu.memref_slice %arg6[%add3A_238, %dma_wait3A_242] : memref<5008x128xf32, #tpu.memory_space<vmem_shared>> -> memref<64x128xf32, #tpu.memory_space<vmem_shared>>
    %dma_wait3A_244 = arith.constant 0 : i32
    %dma_wait3A_245 = tpu.memref_slice %arg6[%add3A_238, %dma_wait3A_244] : memref<5008x128xf32, #tpu.memory_space<vmem_shared>> -> memref<64x128xf32, #tpu.memory_space<vmem_shared>>
    %dma_wait3A_246 = arith.constant 0 : i32
    %dma_wait3A_247 = arith.constant 0 : i32
    %dma_wait3A_248 = tpu.memref_slice %arg15[%dma_wait3A_246, %dma_wait3A_247] : memref<64x128xf32, #tpu.memory_space<vmem>> -> memref<64x128xf32, #tpu.memory_space<vmem>>
    tpu.wait_dma2 semaphore(%arg22 : memref<!tpu.dma_semaphore, #tpu.memory_space<semaphore_mem>>) src(%dma_wait3A_248 : memref<64x128xf32, #tpu.memory_space<vmem>>) dst(%dma_wait3A_245 : memref<64x128xf32, #tpu.memory_space<vmem_shared>>)
    %mul3A_249 = arith.constant 312 : i32
    %mul3A_250 = arith.muli %arg1, %mul3A_249 : i32
    %add3A_251 = arith.constant 256 : i32
    %add3A_252 = arith.addi %mul3A_250, %add3A_251 : i32
    %dma_wait3A_253 = arith.constant 0 : i32
    %dma_wait3A_254 = arith.constant 0 : i32
    %dma_wait3A_255 = tpu.memref_slice %arg15[%dma_wait3A_253, %dma_wait3A_254] : memref<64x128xf32, #tpu.memory_space<vmem>> -> memref<56x128xf32, #tpu.memory_space<vmem>>
    %dma_wait3A_256 = arith.constant 0 : i32
    %dma_wait3A_257 = tpu.memref_slice %arg6[%add3A_252, %dma_wait3A_256] : memref<5008x128xf32, #tpu.memory_space<vmem_shared>> -> memref<56x128xf32, #tpu.memory_space<vmem_shared>>
    %dma_wait3A_258 = arith.constant 0 : i32
    %dma_wait3A_259 = tpu.memref_slice %arg6[%add3A_252, %dma_wait3A_258] : memref<5008x128xf32, #tpu.memory_space<vmem_shared>> -> memref<56x128xf32, #tpu.memory_space<vmem_shared>>
    %dma_wait3A_260 = arith.constant 0 : i32
    %dma_wait3A_261 = arith.constant 0 : i32
    %dma_wait3A_262 = tpu.memref_slice %arg15[%dma_wait3A_260, %dma_wait3A_261] : memref<64x128xf32, #tpu.memory_space<vmem>> -> memref<56x128xf32, #tpu.memory_space<vmem>>
    tpu.wait_dma2 semaphore(%arg22 : memref<!tpu.dma_semaphore, #tpu.memory_space<semaphore_mem>>) src(%dma_wait3A_262 : memref<56x128xf32, #tpu.memory_space<vmem>>) dst(%dma_wait3A_259 : memref<56x128xf32, #tpu.memory_space<vmem_shared>>)
    %eq3A_263 = arith.constant 15 : i32
    %eq3A_264 = arith.cmpi eq, %arg1, %eq3A_263 : i32
    %convert_element_type3A_265 = arith.extui %eq3A_264 : i1 to i32
    %cond3A_266 = arith.constant 0 : i32
    %cond3A_267 = arith.cmpi ne, %convert_element_type3A_265, %cond3A_266 : i32
    scf.if %cond3A_267 {
      %dma_wait3A_333 = arith.constant 0 : i32
      %dma_wait3A_334 = arith.constant 0 : i32
      %dma_wait3A_335 = tpu.memref_slice %arg15[%dma_wait3A_333, %dma_wait3A_334] : memref<64x128xf32, #tpu.memory_space<vmem>> -> memref<8x128xf32, #tpu.memory_space<vmem>>
      %dma_wait3A_336 = arith.constant 4992 : i32
      %dma_wait3A_337 = arith.constant 0 : i32
      %dma_wait3A_338 = tpu.memref_slice %arg6[%dma_wait3A_336, %dma_wait3A_337] : memref<5008x128xf32, #tpu.memory_space<vmem_shared>> -> memref<8x128xf32, #tpu.memory_space<vmem_shared>>
      %dma_wait3A_339 = arith.constant 4992 : i32
      %dma_wait3A_340 = arith.constant 0 : i32
      %dma_wait3A_341 = tpu.memref_slice %arg6[%dma_wait3A_339, %dma_wait3A_340] : memref<5008x128xf32, #tpu.memory_space<vmem_shared>> -> memref<8x128xf32, #tpu.memory_space<vmem_shared>>
      %dma_wait3A_342 = arith.constant 0 : i32
      %dma_wait3A_343 = arith.constant 0 : i32
      %dma_wait3A_344 = tpu.memref_slice %arg15[%dma_wait3A_342, %dma_wait3A_343] : memref<64x128xf32, #tpu.memory_space<vmem>> -> memref<8x128xf32, #tpu.memory_space<vmem>>
      tpu.wait_dma2 semaphore(%arg22 : memref<!tpu.dma_semaphore, #tpu.memory_space<semaphore_mem>>) src(%dma_wait3A_344 : memref<8x128xf32, #tpu.memory_space<vmem>>) dst(%dma_wait3A_341 : memref<8x128xf32, #tpu.memory_space<vmem_shared>>)
    } else {
    }
    %barrier3A_268 = arith.constant 0 : index
    tpu.barrier barrier_id(%barrier3A_268)
    %add3A_269 = arith.constant 4 : i32
    %add3A_270 = arith.addi %select_n3A_177, %add3A_269 : i32
    %sub3A_271 = arith.constant 1 : i32
    %sub3A_272 = arith.subi %add3A_270, %sub3A_271 : i32
    %jit3A_273 = arith.constant 4 : i32
    %div3A_274 = arith.divsi %sub3A_272, %jit3A_273 : i32
    %sign3A_275 = arith.constant 0 : i32
    %sign3A_276 = arith.cmpi sgt, %sub3A_272, %sign3A_275 : i32
    %sign3A_277 = arith.extui %sign3A_276 : i1 to i32
    %sign3A_278 = arith.constant 0 : i32
    %sign3A_279 = arith.cmpi slt, %sub3A_272, %sign3A_278 : i32
    %sign3A_280 = arith.extui %sign3A_279 : i1 to i32
    %sign3A_281 = arith.subi %sign3A_277, %sign3A_280 : i32
    %sign3A_282 = arith.constant 0 : i32
    %sign3A_283 = arith.cmpi sgt, %jit3A_273, %sign3A_282 : i32
    %sign3A_284 = arith.extui %sign3A_283 : i1 to i32
    %sign3A_285 = arith.constant 0 : i32
    %sign3A_286 = arith.cmpi slt, %jit3A_273, %sign3A_285 : i32
    %sign3A_287 = arith.extui %sign3A_286 : i1 to i32
    %sign3A_288 = arith.subi %sign3A_284, %sign3A_287 : i32
    %ne3A_289 = arith.cmpi ne, %sign3A_281, %sign3A_288 : i32
    %rem3A_290 = arith.remsi %sub3A_272, %jit3A_273 : i32
    %ne3A_291 = arith.constant 0 : i32
    %ne3A_292 = arith.cmpi ne, %rem3A_290, %ne3A_291 : i32
    %and3A_293 = arith.andi %ne3A_289, %ne3A_292 : i1
    %sub3A_294 = arith.constant 1 : i32
    %sub3A_295 = arith.subi %div3A_274, %sub3A_294 : i32
    %select_n3A_296 = arith.select %and3A_293, %sub3A_295, %div3A_274 : i32
    %mul3A_297 = arith.constant 4 : i32
    %mul3A_298 = arith.muli %select_n3A_296, %mul3A_297 : i32
    %sub3A_299 = arith.constant 0 : i32
    %sub3A_300 = arith.subi %mul3A_298, %sub3A_299 : i32
    %sub3A_301 = arith.constant 4 : i32
    %sub3A_302 = arith.constant 1 : i32
    %sub3A_303 = arith.subi %sub3A_301, %sub3A_302 : i32
    %add3A_304 = arith.addi %sub3A_300, %sub3A_303 : i32
    %div3A_305 = arith.constant 4 : i32
    %div3A_306 = arith.divsi %add3A_304, %div3A_305 : i32
    %while3A = arith.constant 4 : i32
    %while3A_307 = arith.constant 0 : i32
    %while3A_308 = arith.constant 0 : i32
    %while3A_309 = arith.subi %div3A_306, %while3A_308 : i32
    %while3A_310 = arith.addi %while3A_308, %while3A_309 : i32
    %while3A_311 = arith.constant 1 : i32
    %while3A_312 = arith.divsi %while3A_309, %while3A_311 : i32
    %while3A_313 = arith.muli %while3A_312, %while3A_311 : i32
    %while3A_314 = arith.addi %while3A_308, %while3A_313 : i32
    %while3A_315 = arith.constant 1 : i32
    scf.for %while3A_333 = %while3A_308 to %while3A_314 step %while3A_315  : i32 {
      %mul3A_334 = arith.muli %while3A_333, %while3A : i32
      %add3A_335 = arith.addi %while3A_307, %mul3A_334 : i32
      %add3A_336 = arith.constant 0 : i32
      %add3A_337 = arith.addi %add3A_335, %add3A_336 : i32
      %lt3A = arith.cmpi slt, %add3A_337, %select_n3A_177 : i32
      %convert_element_type3A_338 = arith.extui %lt3A : i1 to i32
      %cond3A_339 = arith.constant 0 : i32
      %cond3A_340 = arith.cmpi ne, %convert_element_type3A_338, %cond3A_339 : i32
      scf.if %cond3A_340 {
        %dma_wait3A_359 = arith.constant 0 : i32
        %dma_wait3A_360 = arith.constant 0 : i32
        %dma_wait3A_361 = tpu.memref_slice %arg2[%dma_wait3A_359, %dma_wait3A_360] : memref<320000x128xf32, #tpu.memory_space<hbm>> -> memref<128x128xf32, #tpu.memory_space<hbm>>
        %dma_wait3A_362 = arith.constant 0 : i32
        %dma_wait3A_363 = arith.constant 0 : i32
        %dma_wait3A_364 = tpu.memref_slice %arg2[%dma_wait3A_362, %dma_wait3A_363] : memref<320000x128xf32, #tpu.memory_space<hbm>> -> memref<128x128xf32, #tpu.memory_space<hbm>>
        tpu.wait_dma2 semaphore(%arg18 : memref<!tpu.dma_semaphore, #tpu.memory_space<semaphore_mem>>) src(%dma_wait3A_364 : memref<128x128xf32, #tpu.memory_space<hbm>>) dst(%arg7 : memref<128x128xf32, #tpu.memory_space<vmem>>)
        %dma_wait3A_365 = arith.constant 0 : i32
        %dma_wait3A_366 = tpu.memref_slice %arg3[%dma_wait3A_365] : memref<320000xi32, #tpu.memory_space<hbm>> -> memref<128xi32, #tpu.memory_space<hbm>>
        %dma_wait3A_367 = arith.constant 0 : i32
        %dma_wait3A_368 = tpu.memref_slice %arg3[%dma_wait3A_367] : memref<320000xi32, #tpu.memory_space<hbm>> -> memref<128xi32, #tpu.memory_space<hbm>>
        tpu.wait_dma2 semaphore(%arg18 : memref<!tpu.dma_semaphore, #tpu.memory_space<semaphore_mem>>) src(%dma_wait3A_368 : memref<128xi32, #tpu.memory_space<hbm>>) dst(%arg11 : memref<128xi32, #tpu.memory_space<vmem>>)
        %get3A_369 = arith.constant 0 : index
        %get3A_370 = tpu.vector_load %arg11[%get3A_369] {strides = array<i32>} : memref<128xi32, #tpu.memory_space<vmem>>, vector<16xi32>,
        %get3A_371 = vector.shape_cast %get3A_370 : vector<16xi32> to vector<16xi32>
        %sub3A_372 = vector.broadcast %mul3A_179 : i32 to vector<16xi32>
        %sub3A_373 = arith.subi %get3A_371, %sub3A_372 : vector<16xi32>
        %ge3A = arith.constant 0 : i32
        %ge3A_374 = vector.broadcast %ge3A : i32 to vector<16xi32>
        %ge3A_375 = arith.cmpi sge, %sub3A_373, %ge3A_374 : vector<16xi32>
        %lt3A_376 = arith.constant 5000 : i32
        %lt3A_377 = vector.broadcast %lt3A_376 : i32 to vector<16xi32>
        %lt3A_378 = arith.cmpi slt, %sub3A_373, %lt3A_377 : vector<16xi32>
        %and3A_379 = arith.andi %ge3A_375, %lt3A_378 : vector<16xi1>
        %broadcast_in_dim3A_380 = arith.constant 5000 : i32
        %broadcast_in_dim3A_381 = vector.broadcast %broadcast_in_dim3A_380 : i32 to vector<16xi32>
        %select_n3A_382 = arith.select %and3A_379, %sub3A_373, %broadcast_in_dim3A_381 : vector<16xi1>, vector<16xi32>
        %swap3A_383 = arith.constant 0 : index
        %swap3A_384 = tpu.vector_load %arg11[%swap3A_383] {strides = array<i32>} : memref<128xi32, #tpu.memory_space<vmem>>, vector<16xi32>,
        %swap3A_385 = vector.shape_cast %swap3A_384 : vector<16xi32> to vector<16xi32>
        %swap3A_386 = vector.shape_cast %select_n3A_382 : vector<16xi32> to vector<16xi32>
        tpu.vector_store %arg11[%swap3A_383], %swap3A_386 {strides = array<i32>} : memref<128xi32, #tpu.memory_space<vmem>>, vector<16xi32>,
        %get3A_387 = arith.constant 16 : index
        %get3A_388 = tpu.vector_load %arg11[%get3A_387] {strides = array<i32>} : memref<128xi32, #tpu.memory_space<vmem>>, vector<16xi32>,
        %get3A_389 = vector.shape_cast %get3A_388 : vector<16xi32> to vector<16xi32>
        %sub3A_390 = vector.broadcast %mul3A_179 : i32 to vector<16xi32>
        %sub3A_391 = arith.subi %get3A_389, %sub3A_390 : vector<16xi32>
        %ge3A_392 = arith.constant 0 : i32
        %ge3A_393 = vector.broadcast %ge3A_392 : i32 to vector<16xi32>
        %ge3A_394 = arith.cmpi sge, %sub3A_391, %ge3A_393 : vector<16xi32>
        %lt3A_395 = arith.constant 5000 : i32
        %lt3A_396 = vector.broadcast %lt3A_395 : i32 to vector<16xi32>
        %lt3A_397 = arith.cmpi slt, %sub3A_391, %lt3A_396 : vector<16xi32>
        %and3A_398 = arith.andi %ge3A_394, %lt3A_397 : vector<16xi1>
        %broadcast_in_dim3A_399 = arith.constant 5000 : i32
        %broadcast_in_dim3A_400 = vector.broadcast %broadcast_in_dim3A_399 : i32 to vector<16xi32>
        %select_n3A_401 = arith.select %and3A_398, %sub3A_391, %broadcast_in_dim3A_400 : vector<16xi1>, vector<16xi32>
        %swap3A_402 = arith.constant 16 : index
        %swap3A_403 = tpu.vector_load %arg11[%swap3A_402] {strides = array<i32>} : memref<128xi32, #tpu.memory_space<vmem>>, vector<16xi32>,
        %swap3A_404 = vector.shape_cast %swap3A_403 : vector<16xi32> to vector<16xi32>
        %swap3A_405 = vector.shape_cast %select_n3A_401 : vector<16xi32> to vector<16xi32>
        tpu.vector_store %arg11[%swap3A_402], %swap3A_405 {strides = array<i32>} : memref<128xi32, #tpu.memory_space<vmem>>, vector<16xi32>,
        %get3A_406 = arith.constant 32 : index
        %get3A_407 = tpu.vector_load %arg11[%get3A_406] {strides = array<i32>} : memref<128xi32, #tpu.memory_space<vmem>>, vector<16xi32>,
        %get3A_408 = vector.shape_cast %get3A_407 : vector<16xi32> to vector<16xi32>
        %sub3A_409 = vector.broadcast %mul3A_179 : i32 to vector<16xi32>
        %sub3A_410 = arith.subi %get3A_408, %sub3A_409 : vector<16xi32>
        %ge3A_411 = arith.constant 0 : i32
        %ge3A_412 = vector.broadcast %ge3A_411 : i32 to vector<16xi32>
        %ge3A_413 = arith.cmpi sge, %sub3A_410, %ge3A_412 : vector<16xi32>
        %lt3A_414 = arith.constant 5000 : i32
        %lt3A_415 = vector.broadcast %lt3A_414 : i32 to vector<16xi32>
        %lt3A_416 = arith.cmpi slt, %sub3A_410, %lt3A_415 : vector<16xi32>
        %and3A_417 = arith.andi %ge3A_413, %lt3A_416 : vector<16xi1>
        %broadcast_in_dim3A_418 = arith.constant 5000 : i32
        %broadcast_in_dim3A_419 = vector.broadcast %broadcast_in_dim3A_418 : i32 to vector<16xi32>
        %select_n3A_420 = arith.select %and3A_417, %sub3A_410, %broadcast_in_dim3A_419 : vector<16xi1>, vector<16xi32>
        %swap3A_421 = arith.constant 32 : index
        %swap3A_422 = tpu.vector_load %arg11[%swap3A_421] {strides = array<i32>} : memref<128xi32, #tpu.memory_space<vmem>>, vector<16xi32>,
        %swap3A_423 = vector.shape_cast %swap3A_422 : vector<16xi32> to vector<16xi32>
        %swap3A_424 = vector.shape_cast %select_n3A_420 : vector<16xi32> to vector<16xi32>
        tpu.vector_store %arg11[%swap3A_421], %swap3A_424 {strides = array<i32>} : memref<128xi32, #tpu.memory_space<vmem>>, vector<16xi32>,
        %get3A_425 = arith.constant 48 : index
        %get3A_426 = tpu.vector_load %arg11[%get3A_425] {strides = array<i32>} : memref<128xi32, #tpu.memory_space<vmem>>, vector<16xi32>,
        %get3A_427 = vector.shape_cast %get3A_426 : vector<16xi32> to vector<16xi32>
        %sub3A_428 = vector.broadcast %mul3A_179 : i32 to vector<16xi32>
        %sub3A_429 = arith.subi %get3A_427, %sub3A_428 : vector<16xi32>
        %ge3A_430 = arith.constant 0 : i32
        %ge3A_431 = vector.broadcast %ge3A_430 : i32 to vector<16xi32>
        %ge3A_432 = arith.cmpi sge, %sub3A_429, %ge3A_431 : vector<16xi32>
        %lt3A_433 = arith.constant 5000 : i32
        %lt3A_434 = vector.broadcast %lt3A_433 : i32 to vector<16xi32>
        %lt3A_435 = arith.cmpi slt, %sub3A_429, %lt3A_434 : vector<16xi32>
        %and3A_436 = arith.andi %ge3A_432, %lt3A_435 : vector<16xi1>
        %broadcast_in_dim3A_437 = arith.constant 5000 : i32
        %broadcast_in_dim3A_438 = vector.broadcast %broadcast_in_dim3A_437 : i32 to vector<16xi32>
        %select_n3A_439 = arith.select %and3A_436, %sub3A_429, %broadcast_in_dim3A_438 : vector<16xi1>, vector<16xi32>
        %swap3A_440 = arith.constant 48 : index
        %swap3A_441 = tpu.vector_load %arg11[%swap3A_440] {strides = array<i32>} : memref<128xi32, #tpu.memory_space<vmem>>, vector<16xi32>,
        %swap3A_442 = vector.shape_cast %swap3A_441 : vector<16xi32> to vector<16xi32>
        %swap3A_443 = vector.shape_cast %select_n3A_439 : vector<16xi32> to vector<16xi32>
        tpu.vector_store %arg11[%swap3A_440], %swap3A_443 {strides = array<i32>} : memref<128xi32, #tpu.memory_space<vmem>>, vector<16xi32>,
        %get3A_444 = arith.constant 64 : index
        %get3A_445 = tpu.vector_load %arg11[%get3A_444] {strides = array<i32>} : memref<128xi32, #tpu.memory_space<vmem>>, vector<16xi32>,
        %get3A_446 = vector.shape_cast %get3A_445 : vector<16xi32> to vector<16xi32>
        %sub3A_447 = vector.broadcast %mul3A_179 : i32 to vector<16xi32>
        %sub3A_448 = arith.subi %get3A_446, %sub3A_447 : vector<16xi32>
        %ge3A_449 = arith.constant 0 : i32
        %ge3A_450 = vector.broadcast %ge3A_449 : i32 to vector<16xi32>
        %ge3A_451 = arith.cmpi sge, %sub3A_448, %ge3A_450 : vector<16xi32>
        %lt3A_452 = arith.constant 5000 : i32
        %lt3A_453 = vector.broadcast %lt3A_452 : i32 to vector<16xi32>
        %lt3A_454 = arith.cmpi slt, %sub3A_448, %lt3A_453 : vector<16xi32>
        %and3A_455 = arith.andi %ge3A_451, %lt3A_454 : vector<16xi1>
        %broadcast_in_dim3A_456 = arith.constant 5000 : i32
        %broadcast_in_dim3A_457 = vector.broadcast %broadcast_in_dim3A_456 : i32 to vector<16xi32>
        %select_n3A_458 = arith.select %and3A_455, %sub3A_448, %broadcast_in_dim3A_457 : vector<16xi1>, vector<16xi32>
        %swap3A_459 = arith.constant 64 : index
        %swap3A_460 = tpu.vector_load %arg11[%swap3A_459] {strides = array<i32>} : memref<128xi32, #tpu.memory_space<vmem>>, vector<16xi32>,
        %swap3A_461 = vector.shape_cast %swap3A_460 : vector<16xi32> to vector<16xi32>
        %swap3A_462 = vector.shape_cast %select_n3A_458 : vector<16xi32> to vector<16xi32>
        tpu.vector_store %arg11[%swap3A_459], %swap3A_462 {strides = array<i32>} : memref<128xi32, #tpu.memory_space<vmem>>, vector<16xi32>,
        %get3A_463 = arith.constant 80 : index
        %get3A_464 = tpu.vector_load %arg11[%get3A_463] {strides = array<i32>} : memref<128xi32, #tpu.memory_space<vmem>>, vector<16xi32>,
        %get3A_465 = vector.shape_cast %get3A_464 : vector<16xi32> to vector<16xi32>
        %sub3A_466 = vector.broadcast %mul3A_179 : i32 to vector<16xi32>
        %sub3A_467 = arith.subi %get3A_465, %sub3A_466 : vector<16xi32>
        %ge3A_468 = arith.constant 0 : i32
        %ge3A_469 = vector.broadcast %ge3A_468 : i32 to vector<16xi32>
        %ge3A_470 = arith.cmpi sge, %sub3A_467, %ge3A_469 : vector<16xi32>
        %lt3A_471 = arith.constant 5000 : i32
        %lt3A_472 = vector.broadcast %lt3A_471 : i32 to vector<16xi32>
        %lt3A_473 = arith.cmpi slt, %sub3A_467, %lt3A_472 : vector<16xi32>
        %and3A_474 = arith.andi %ge3A_470, %lt3A_473 : vector<16xi1>
        %broadcast_in_dim3A_475 = arith.constant 5000 : i32
        %broadcast_in_dim3A_476 = vector.broadcast %broadcast_in_dim3A_475 : i32 to vector<16xi32>
        %select_n3A_477 = arith.select %and3A_474, %sub3A_467, %broadcast_in_dim3A_476 : vector<16xi1>, vector<16xi32>
        %swap3A_478 = arith.constant 80 : index
        %swap3A_479 = tpu.vector_load %arg11[%swap3A_478] {strides = array<i32>} : memref<128xi32, #tpu.memory_space<vmem>>, vector<16xi32>,
        %swap3A_480 = vector.shape_cast %swap3A_479 : vector<16xi32> to vector<16xi32>
        %swap3A_481 = vector.shape_cast %select_n3A_477 : vector<16xi32> to vector<16xi32>
        tpu.vector_store %arg11[%swap3A_478], %swap3A_481 {strides = array<i32>} : memref<128xi32, #tpu.memory_space<vmem>>, vector<16xi32>,
        %get3A_482 = arith.constant 96 : index
        %get3A_483 = tpu.vector_load %arg11[%get3A_482] {strides = array<i32>} : memref<128xi32, #tpu.memory_space<vmem>>, vector<16xi32>,
        %get3A_484 = vector.shape_cast %get3A_483 : vector<16xi32> to vector<16xi32>
        %sub3A_485 = vector.broadcast %mul3A_179 : i32 to vector<16xi32>
        %sub3A_486 = arith.subi %get3A_484, %sub3A_485 : vector<16xi32>
        %ge3A_487 = arith.constant 0 : i32
        %ge3A_488 = vector.broadcast %ge3A_487 : i32 to vector<16xi32>
        %ge3A_489 = arith.cmpi sge, %sub3A_486, %ge3A_488 : vector<16xi32>
        %lt3A_490 = arith.constant 5000 : i32
        %lt3A_491 = vector.broadcast %lt3A_490 : i32 to vector<16xi32>
        %lt3A_492 = arith.cmpi slt, %sub3A_486, %lt3A_491 : vector<16xi32>
        %and3A_493 = arith.andi %ge3A_489, %lt3A_492 : vector<16xi1>
        %broadcast_in_dim3A_494 = arith.constant 5000 : i32
        %broadcast_in_dim3A_495 = vector.broadcast %broadcast_in_dim3A_494 : i32 to vector<16xi32>
        %select_n3A_496 = arith.select %and3A_493, %sub3A_486, %broadcast_in_dim3A_495 : vector<16xi1>, vector<16xi32>
        %swap3A_497 = arith.constant 96 : index
        %swap3A_498 = tpu.vector_load %arg11[%swap3A_497] {strides = array<i32>} : memref<128xi32, #tpu.memory_space<vmem>>, vector<16xi32>,
        %swap3A_499 = vector.shape_cast %swap3A_498 : vector<16xi32> to vector<16xi32>
        %swap3A_500 = vector.shape_cast %select_n3A_496 : vector<16xi32> to vector<16xi32>
        tpu.vector_store %arg11[%swap3A_497], %swap3A_500 {strides = array<i32>} : memref<128xi32, #tpu.memory_space<vmem>>, vector<16xi32>,
        %get3A_501 = arith.constant 112 : index
        %get3A_502 = tpu.vector_load %arg11[%get3A_501] {strides = array<i32>} : memref<128xi32, #tpu.memory_space<vmem>>, vector<16xi32>,
        %get3A_503 = vector.shape_cast %get3A_502 : vector<16xi32> to vector<16xi32>
        %sub3A_504 = vector.broadcast %mul3A_179 : i32 to vector<16xi32>
        %sub3A_505 = arith.subi %get3A_503, %sub3A_504 : vector<16xi32>
        %ge3A_506 = arith.constant 0 : i32
        %ge3A_507 = vector.broadcast %ge3A_506 : i32 to vector<16xi32>
        %ge3A_508 = arith.cmpi sge, %sub3A_505, %ge3A_507 : vector<16xi32>
        %lt3A_509 = arith.constant 5000 : i32
        %lt3A_510 = vector.broadcast %lt3A_509 : i32 to vector<16xi32>
        %lt3A_511 = arith.cmpi slt, %sub3A_505, %lt3A_510 : vector<16xi32>
        %and3A_512 = arith.andi %ge3A_508, %lt3A_511 : vector<16xi1>
        %broadcast_in_dim3A_513 = arith.constant 5000 : i32
        %broadcast_in_dim3A_514 = vector.broadcast %broadcast_in_dim3A_513 : i32 to vector<16xi32>
        %select_n3A_515 = arith.select %and3A_512, %sub3A_505, %broadcast_in_dim3A_514 : vector<16xi1>, vector<16xi32>
        %swap3A_516 = arith.constant 112 : index
        %swap3A_517 = tpu.vector_load %arg11[%swap3A_516] {strides = array<i32>} : memref<128xi32, #tpu.memory_space<vmem>>, vector<16xi32>,
        %swap3A_518 = vector.shape_cast %swap3A_517 : vector<16xi32> to vector<16xi32>
        %swap3A_519 = vector.shape_cast %select_n3A_515 : vector<16xi32> to vector<16xi32>
        tpu.vector_store %arg11[%swap3A_516], %swap3A_519 {strides = array<i32>} : memref<128xi32, #tpu.memory_space<vmem>>, vector<16xi32>,
        %dma_start3A_520 = arith.constant 0 : i32
        %dma_start3A_521 = arith.constant 0 : i32
        %dma_start3A_522 = tpu.memref_slice %arg6[%dma_start3A_520, %dma_start3A_521] : memref<5008x128xf32, #tpu.memory_space<vmem_shared>> -> memref<5008x128xf32, #tpu.memory_space<vmem_shared>>
        tpu.enqueue_indirect_dma source(%arg7 : memref<128x128xf32, #tpu.memory_space<vmem>>) target(%dma_start3A_522 : memref<5008x128xf32, #tpu.memory_space<vmem_shared>>) offsets(%arg11 : memref<128xi32, #tpu.memory_space<vmem>>) semaphore(%arg22 : memref<!tpu.dma_semaphore, #tpu.memory_space<semaphore_mem>>) {add = true}
        %ge3A_523 = arith.constant 1 : i32
        %ge3A_524 = arith.cmpi sge, %add3A_337, %ge3A_523 : i32
        %convert_element_type3A_525 = arith.extui %ge3A_524 : i1 to i32
        %cond3A_526 = arith.constant 0 : i32
        %cond3A_527 = arith.cmpi ne, %convert_element_type3A_525, %cond3A_526 : i32
        scf.if %cond3A_527 {
          %dma_wait3A_534 = arith.constant 0 : i32
          %dma_wait3A_535 = arith.constant 0 : i32
          %dma_wait3A_536 = tpu.memref_slice %arg6[%dma_wait3A_534, %dma_wait3A_535] : memref<5008x128xf32, #tpu.memory_space<vmem_shared>> -> memref<5008x128xf32, #tpu.memory_space<vmem_shared>>
          tpu.wait_indirect_dma semaphore(%arg25 : memref<!tpu.dma_semaphore, #tpu.memory_space<semaphore_mem>>) src(%arg10 : memref<128x128xf32, #tpu.memory_space<vmem>>) dst(%dma_wait3A_536 : memref<5008x128xf32, #tpu.memory_space<vmem_shared>>)
        } else {
        }
        %add3A_528 = arith.constant 3 : i32
        %add3A_529 = arith.addi %add3A_337, %add3A_528 : i32
        %lt3A_530 = arith.cmpi slt, %add3A_529, %select_n3A_177 : i32
        %convert_element_type3A_531 = arith.extui %lt3A_530 : i1 to i32
        %cond3A_532 = arith.constant 0 : i32
        %cond3A_533 = arith.cmpi ne, %convert_element_type3A_531, %cond3A_532 : i32
        scf.if %cond3A_533 {
          %add3A_534 = arith.addi %select_n3A, %arg1 : i32
          %mul3A_535 = arith.constant 16 : i32
          %mul3A_536 = arith.muli %mul3A_535, %add3A_529 : i32
          %add3A_537 = arith.addi %add3A_534, %mul3A_536 : i32
          %mul3A_538 = arith.constant 128 : i32
          %mul3A_539 = arith.muli %add3A_537, %mul3A_538 : i32
          %dma_start3A_540 = arith.constant 0 : i32
          %dma_start3A_541 = tpu.memref_slice %arg2[%mul3A_539, %dma_start3A_540] : memref<320000x128xf32, #tpu.memory_space<hbm>> -> memref<128x128xf32, #tpu.memory_space<hbm>>
          %dma_start3A_542 = arith.constant 0 : i32
          %dma_start3A_543 = tpu.memref_slice %arg2[%mul3A_539, %dma_start3A_542] : memref<320000x128xf32, #tpu.memory_space<hbm>> -> memref<128x128xf32, #tpu.memory_space<hbm>>
          tpu.enqueue_dma source(%dma_start3A_543 : memref<128x128xf32, #tpu.memory_space<hbm>>) target(%arg10 : memref<128x128xf32, #tpu.memory_space<vmem>>) target_semaphore(%arg21 : memref<!tpu.dma_semaphore, #tpu.memory_space<semaphore_mem>>)
          %dma_start3A_544 = tpu.memref_slice %arg3[%mul3A_539] : memref<320000xi32, #tpu.memory_space<hbm>> -> memref<128xi32, #tpu.memory_space<hbm>>
          %dma_start3A_545 = tpu.memref_slice %arg3[%mul3A_539] : memref<320000xi32, #tpu.memory_space<hbm>> -> memref<128xi32, #tpu.memory_space<hbm>>
          tpu.enqueue_dma source(%dma_start3A_545 : memref<128xi32, #tpu.memory_space<hbm>>) target(%arg14 : memref<128xi32, #tpu.memory_space<vmem>>) target_semaphore(%arg21 : memref<!tpu.dma_semaphore, #tpu.memory_space<semaphore_mem>>)
        } else {
        }
      } else {
      }
      %add3A_341 = arith.constant 1 : i32
      %add3A_342 = arith.addi %add3A_335, %add3A_341 : i32
      %lt3A_343 = arith.cmpi slt, %add3A_342, %select_n3A_177 : i32
      %convert_element_type3A_344 = arith.extui %lt3A_343 : i1 to i32
      %cond3A_345 = arith.constant 0 : i32
      %cond3A_346 = arith.cmpi ne, %convert_element_type3A_344, %cond3A_345 : i32
      scf.if %cond3A_346 {
        %dma_wait3A_359 = arith.constant 0 : i32
        %dma_wait3A_360 = arith.constant 0 : i32
        %dma_wait3A_361 = tpu.memref_slice %arg2[%dma_wait3A_359, %dma_wait3A_360] : memref<320000x128xf32, #tpu.memory_space<hbm>> -> memref<128x128xf32, #tpu.memory_space<hbm>>
        %dma_wait3A_362 = arith.constant 0 : i32
        %dma_wait3A_363 = arith.constant 0 : i32
        %dma_wait3A_364 = tpu.memref_slice %arg2[%dma_wait3A_362, %dma_wait3A_363] : memref<320000x128xf32, #tpu.memory_space<hbm>> -> memref<128x128xf32, #tpu.memory_space<hbm>>
        tpu.wait_dma2 semaphore(%arg19 : memref<!tpu.dma_semaphore, #tpu.memory_space<semaphore_mem>>) src(%dma_wait3A_364 : memref<128x128xf32, #tpu.memory_space<hbm>>) dst(%arg8 : memref<128x128xf32, #tpu.memory_space<vmem>>)
        %dma_wait3A_365 = arith.constant 0 : i32
        %dma_wait3A_366 = tpu.memref_slice %arg3[%dma_wait3A_365] : memref<320000xi32, #tpu.memory_space<hbm>> -> memref<128xi32, #tpu.memory_space<hbm>>
        %dma_wait3A_367 = arith.constant 0 : i32
        %dma_wait3A_368 = tpu.memref_slice %arg3[%dma_wait3A_367] : memref<320000xi32, #tpu.memory_space<hbm>> -> memref<128xi32, #tpu.memory_space<hbm>>
        tpu.wait_dma2 semaphore(%arg19 : memref<!tpu.dma_semaphore, #tpu.memory_space<semaphore_mem>>) src(%dma_wait3A_368 : memref<128xi32, #tpu.memory_space<hbm>>) dst(%arg12 : memref<128xi32, #tpu.memory_space<vmem>>)
        %get3A_369 = arith.constant 0 : index
        %get3A_370 = tpu.vector_load %arg12[%get3A_369] {strides = array<i32>} : memref<128xi32, #tpu.memory_space<vmem>>, vector<16xi32>,
        %get3A_371 = vector.shape_cast %get3A_370 : vector<16xi32> to vector<16xi32>
        %sub3A_372 = vector.broadcast %mul3A_179 : i32 to vector<16xi32>
        %sub3A_373 = arith.subi %get3A_371, %sub3A_372 : vector<16xi32>
        %ge3A = arith.constant 0 : i32
        %ge3A_374 = vector.broadcast %ge3A : i32 to vector<16xi32>
        %ge3A_375 = arith.cmpi sge, %sub3A_373, %ge3A_374 : vector<16xi32>
        %lt3A_376 = arith.constant 5000 : i32
        %lt3A_377 = vector.broadcast %lt3A_376 : i32 to vector<16xi32>
        %lt3A_378 = arith.cmpi slt, %sub3A_373, %lt3A_377 : vector<16xi32>
        %and3A_379 = arith.andi %ge3A_375, %lt3A_378 : vector<16xi1>
        %broadcast_in_dim3A_380 = arith.constant 5000 : i32
        %broadcast_in_dim3A_381 = vector.broadcast %broadcast_in_dim3A_380 : i32 to vector<16xi32>
        %select_n3A_382 = arith.select %and3A_379, %sub3A_373, %broadcast_in_dim3A_381 : vector<16xi1>, vector<16xi32>
        %swap3A_383 = arith.constant 0 : index
        %swap3A_384 = tpu.vector_load %arg12[%swap3A_383] {strides = array<i32>} : memref<128xi32, #tpu.memory_space<vmem>>, vector<16xi32>,
        %swap3A_385 = vector.shape_cast %swap3A_384 : vector<16xi32> to vector<16xi32>
        %swap3A_386 = vector.shape_cast %select_n3A_382 : vector<16xi32> to vector<16xi32>
        tpu.vector_store %arg12[%swap3A_383], %swap3A_386 {strides = array<i32>} : memref<128xi32, #tpu.memory_space<vmem>>, vector<16xi32>,
        %get3A_387 = arith.constant 16 : index
        %get3A_388 = tpu.vector_load %arg12[%get3A_387] {strides = array<i32>} : memref<128xi32, #tpu.memory_space<vmem>>, vector<16xi32>,
        %get3A_389 = vector.shape_cast %get3A_388 : vector<16xi32> to vector<16xi32>
        %sub3A_390 = vector.broadcast %mul3A_179 : i32 to vector<16xi32>
        %sub3A_391 = arith.subi %get3A_389, %sub3A_390 : vector<16xi32>
        %ge3A_392 = arith.constant 0 : i32
        %ge3A_393 = vector.broadcast %ge3A_392 : i32 to vector<16xi32>
        %ge3A_394 = arith.cmpi sge, %sub3A_391, %ge3A_393 : vector<16xi32>
        %lt3A_395 = arith.constant 5000 : i32
        %lt3A_396 = vector.broadcast %lt3A_395 : i32 to vector<16xi32>
        %lt3A_397 = arith.cmpi slt, %sub3A_391, %lt3A_396 : vector<16xi32>
        %and3A_398 = arith.andi %ge3A_394, %lt3A_397 : vector<16xi1>
        %broadcast_in_dim3A_399 = arith.constant 5000 : i32
        %broadcast_in_dim3A_400 = vector.broadcast %broadcast_in_dim3A_399 : i32 to vector<16xi32>
        %select_n3A_401 = arith.select %and3A_398, %sub3A_391, %broadcast_in_dim3A_400 : vector<16xi1>, vector<16xi32>
        %swap3A_402 = arith.constant 16 : index
        %swap3A_403 = tpu.vector_load %arg12[%swap3A_402] {strides = array<i32>} : memref<128xi32, #tpu.memory_space<vmem>>, vector<16xi32>,
        %swap3A_404 = vector.shape_cast %swap3A_403 : vector<16xi32> to vector<16xi32>
        %swap3A_405 = vector.shape_cast %select_n3A_401 : vector<16xi32> to vector<16xi32>
        tpu.vector_store %arg12[%swap3A_402], %swap3A_405 {strides = array<i32>} : memref<128xi32, #tpu.memory_space<vmem>>, vector<16xi32>,
        %get3A_406 = arith.constant 32 : index
        %get3A_407 = tpu.vector_load %arg12[%get3A_406] {strides = array<i32>} : memref<128xi32, #tpu.memory_space<vmem>>, vector<16xi32>,
        %get3A_408 = vector.shape_cast %get3A_407 : vector<16xi32> to vector<16xi32>
        %sub3A_409 = vector.broadcast %mul3A_179 : i32 to vector<16xi32>
        %sub3A_410 = arith.subi %get3A_408, %sub3A_409 : vector<16xi32>
        %ge3A_411 = arith.constant 0 : i32
        %ge3A_412 = vector.broadcast %ge3A_411 : i32 to vector<16xi32>
        %ge3A_413 = arith.cmpi sge, %sub3A_410, %ge3A_412 : vector<16xi32>
        %lt3A_414 = arith.constant 5000 : i32
        %lt3A_415 = vector.broadcast %lt3A_414 : i32 to vector<16xi32>
        %lt3A_416 = arith.cmpi slt, %sub3A_410, %lt3A_415 : vector<16xi32>
        %and3A_417 = arith.andi %ge3A_413, %lt3A_416 : vector<16xi1>
        %broadcast_in_dim3A_418 = arith.constant 5000 : i32
        %broadcast_in_dim3A_419 = vector.broadcast %broadcast_in_dim3A_418 : i32 to vector<16xi32>
        %select_n3A_420 = arith.select %and3A_417, %sub3A_410, %broadcast_in_dim3A_419 : vector<16xi1>, vector<16xi32>
        %swap3A_421 = arith.constant 32 : index
        %swap3A_422 = tpu.vector_load %arg12[%swap3A_421] {strides = array<i32>} : memref<128xi32, #tpu.memory_space<vmem>>, vector<16xi32>,
        %swap3A_423 = vector.shape_cast %swap3A_422 : vector<16xi32> to vector<16xi32>
        %swap3A_424 = vector.shape_cast %select_n3A_420 : vector<16xi32> to vector<16xi32>
        tpu.vector_store %arg12[%swap3A_421], %swap3A_424 {strides = array<i32>} : memref<128xi32, #tpu.memory_space<vmem>>, vector<16xi32>,
        %get3A_425 = arith.constant 48 : index
        %get3A_426 = tpu.vector_load %arg12[%get3A_425] {strides = array<i32>} : memref<128xi32, #tpu.memory_space<vmem>>, vector<16xi32>,
        %get3A_427 = vector.shape_cast %get3A_426 : vector<16xi32> to vector<16xi32>
        %sub3A_428 = vector.broadcast %mul3A_179 : i32 to vector<16xi32>
        %sub3A_429 = arith.subi %get3A_427, %sub3A_428 : vector<16xi32>
        %ge3A_430 = arith.constant 0 : i32
        %ge3A_431 = vector.broadcast %ge3A_430 : i32 to vector<16xi32>
        %ge3A_432 = arith.cmpi sge, %sub3A_429, %ge3A_431 : vector<16xi32>
        %lt3A_433 = arith.constant 5000 : i32
        %lt3A_434 = vector.broadcast %lt3A_433 : i32 to vector<16xi32>
        %lt3A_435 = arith.cmpi slt, %sub3A_429, %lt3A_434 : vector<16xi32>
        %and3A_436 = arith.andi %ge3A_432, %lt3A_435 : vector<16xi1>
        %broadcast_in_dim3A_437 = arith.constant 5000 : i32
        %broadcast_in_dim3A_438 = vector.broadcast %broadcast_in_dim3A_437 : i32 to vector<16xi32>
        %select_n3A_439 = arith.select %and3A_436, %sub3A_429, %broadcast_in_dim3A_438 : vector<16xi1>, vector<16xi32>
        %swap3A_440 = arith.constant 48 : index
        %swap3A_441 = tpu.vector_load %arg12[%swap3A_440] {strides = array<i32>} : memref<128xi32, #tpu.memory_space<vmem>>, vector<16xi32>,
        %swap3A_442 = vector.shape_cast %swap3A_441 : vector<16xi32> to vector<16xi32>
        %swap3A_443 = vector.shape_cast %select_n3A_439 : vector<16xi32> to vector<16xi32>
        tpu.vector_store %arg12[%swap3A_440], %swap3A_443 {strides = array<i32>} : memref<128xi32, #tpu.memory_space<vmem>>, vector<16xi32>,
        %get3A_444 = arith.constant 64 : index
        %get3A_445 = tpu.vector_load %arg12[%get3A_444] {strides = array<i32>} : memref<128xi32, #tpu.memory_space<vmem>>, vector<16xi32>,
        %get3A_446 = vector.shape_cast %get3A_445 : vector<16xi32> to vector<16xi32>
        %sub3A_447 = vector.broadcast %mul3A_179 : i32 to vector<16xi32>
        %sub3A_448 = arith.subi %get3A_446, %sub3A_447 : vector<16xi32>
        %ge3A_449 = arith.constant 0 : i32
        %ge3A_450 = vector.broadcast %ge3A_449 : i32 to vector<16xi32>
        %ge3A_451 = arith.cmpi sge, %sub3A_448, %ge3A_450 : vector<16xi32>
        %lt3A_452 = arith.constant 5000 : i32
        %lt3A_453 = vector.broadcast %lt3A_452 : i32 to vector<16xi32>
        %lt3A_454 = arith.cmpi slt, %sub3A_448, %lt3A_453 : vector<16xi32>
        %and3A_455 = arith.andi %ge3A_451, %lt3A_454 : vector<16xi1>
        %broadcast_in_dim3A_456 = arith.constant 5000 : i32
        %broadcast_in_dim3A_457 = vector.broadcast %broadcast_in_dim3A_456 : i32 to vector<16xi32>
        %select_n3A_458 = arith.select %and3A_455, %sub3A_448, %broadcast_in_dim3A_457 : vector<16xi1>, vector<16xi32>
        %swap3A_459 = arith.constant 64 : index
        %swap3A_460 = tpu.vector_load %arg12[%swap3A_459] {strides = array<i32>} : memref<128xi32, #tpu.memory_space<vmem>>, vector<16xi32>,
        %swap3A_461 = vector.shape_cast %swap3A_460 : vector<16xi32> to vector<16xi32>
        %swap3A_462 = vector.shape_cast %select_n3A_458 : vector<16xi32> to vector<16xi32>
        tpu.vector_store %arg12[%swap3A_459], %swap3A_462 {strides = array<i32>} : memref<128xi32, #tpu.memory_space<vmem>>, vector<16xi32>,
        %get3A_463 = arith.constant 80 : index
        %get3A_464 = tpu.vector_load %arg12[%get3A_463] {strides = array<i32>} : memref<128xi32, #tpu.memory_space<vmem>>, vector<16xi32>,
        %get3A_465 = vector.shape_cast %get3A_464 : vector<16xi32> to vector<16xi32>
        %sub3A_466 = vector.broadcast %mul3A_179 : i32 to vector<16xi32>
        %sub3A_467 = arith.subi %get3A_465, %sub3A_466 : vector<16xi32>
        %ge3A_468 = arith.constant 0 : i32
        %ge3A_469 = vector.broadcast %ge3A_468 : i32 to vector<16xi32>
        %ge3A_470 = arith.cmpi sge, %sub3A_467, %ge3A_469 : vector<16xi32>
        %lt3A_471 = arith.constant 5000 : i32
        %lt3A_472 = vector.broadcast %lt3A_471 : i32 to vector<16xi32>
        %lt3A_473 = arith.cmpi slt, %sub3A_467, %lt3A_472 : vector<16xi32>
        %and3A_474 = arith.andi %ge3A_470, %lt3A_473 : vector<16xi1>
        %broadcast_in_dim3A_475 = arith.constant 5000 : i32
        %broadcast_in_dim3A_476 = vector.broadcast %broadcast_in_dim3A_475 : i32 to vector<16xi32>
        %select_n3A_477 = arith.select %and3A_474, %sub3A_467, %broadcast_in_dim3A_476 : vector<16xi1>, vector<16xi32>
        %swap3A_478 = arith.constant 80 : index
        %swap3A_479 = tpu.vector_load %arg12[%swap3A_478] {strides = array<i32>} : memref<128xi32, #tpu.memory_space<vmem>>, vector<16xi32>,
        %swap3A_480 = vector.shape_cast %swap3A_479 : vector<16xi32> to vector<16xi32>
        %swap3A_481 = vector.shape_cast %select_n3A_477 : vector<16xi32> to vector<16xi32>
        tpu.vector_store %arg12[%swap3A_478], %swap3A_481 {strides = array<i32>} : memref<128xi32, #tpu.memory_space<vmem>>, vector<16xi32>,
        %get3A_482 = arith.constant 96 : index
        %get3A_483 = tpu.vector_load %arg12[%get3A_482] {strides = array<i32>} : memref<128xi32, #tpu.memory_space<vmem>>, vector<16xi32>,
        %get3A_484 = vector.shape_cast %get3A_483 : vector<16xi32> to vector<16xi32>
        %sub3A_485 = vector.broadcast %mul3A_179 : i32 to vector<16xi32>
        %sub3A_486 = arith.subi %get3A_484, %sub3A_485 : vector<16xi32>
        %ge3A_487 = arith.constant 0 : i32
        %ge3A_488 = vector.broadcast %ge3A_487 : i32 to vector<16xi32>
        %ge3A_489 = arith.cmpi sge, %sub3A_486, %ge3A_488 : vector<16xi32>
        %lt3A_490 = arith.constant 5000 : i32
        %lt3A_491 = vector.broadcast %lt3A_490 : i32 to vector<16xi32>
        %lt3A_492 = arith.cmpi slt, %sub3A_486, %lt3A_491 : vector<16xi32>
        %and3A_493 = arith.andi %ge3A_489, %lt3A_492 : vector<16xi1>
        %broadcast_in_dim3A_494 = arith.constant 5000 : i32
        %broadcast_in_dim3A_495 = vector.broadcast %broadcast_in_dim3A_494 : i32 to vector<16xi32>
        %select_n3A_496 = arith.select %and3A_493, %sub3A_486, %broadcast_in_dim3A_495 : vector<16xi1>, vector<16xi32>
        %swap3A_497 = arith.constant 96 : index
        %swap3A_498 = tpu.vector_load %arg12[%swap3A_497] {strides = array<i32>} : memref<128xi32, #tpu.memory_space<vmem>>, vector<16xi32>,
        %swap3A_499 = vector.shape_cast %swap3A_498 : vector<16xi32> to vector<16xi32>
        %swap3A_500 = vector.shape_cast %select_n3A_496 : vector<16xi32> to vector<16xi32>
        tpu.vector_store %arg12[%swap3A_497], %swap3A_500 {strides = array<i32>} : memref<128xi32, #tpu.memory_space<vmem>>, vector<16xi32>,
        %get3A_501 = arith.constant 112 : index
        %get3A_502 = tpu.vector_load %arg12[%get3A_501] {strides = array<i32>} : memref<128xi32, #tpu.memory_space<vmem>>, vector<16xi32>,
        %get3A_503 = vector.shape_cast %get3A_502 : vector<16xi32> to vector<16xi32>
        %sub3A_504 = vector.broadcast %mul3A_179 : i32 to vector<16xi32>
        %sub3A_505 = arith.subi %get3A_503, %sub3A_504 : vector<16xi32>
        %ge3A_506 = arith.constant 0 : i32
        %ge3A_507 = vector.broadcast %ge3A_506 : i32 to vector<16xi32>
        %ge3A_508 = arith.cmpi sge, %sub3A_505, %ge3A_507 : vector<16xi32>
        %lt3A_509 = arith.constant 5000 : i32
        %lt3A_510 = vector.broadcast %lt3A_509 : i32 to vector<16xi32>
        %lt3A_511 = arith.cmpi slt, %sub3A_505, %lt3A_510 : vector<16xi32>
        %and3A_512 = arith.andi %ge3A_508, %lt3A_511 : vector<16xi1>
        %broadcast_in_dim3A_513 = arith.constant 5000 : i32
        %broadcast_in_dim3A_514 = vector.broadcast %broadcast_in_dim3A_513 : i32 to vector<16xi32>
        %select_n3A_515 = arith.select %and3A_512, %sub3A_505, %broadcast_in_dim3A_514 : vector<16xi1>, vector<16xi32>
        %swap3A_516 = arith.constant 112 : index
        %swap3A_517 = tpu.vector_load %arg12[%swap3A_516] {strides = array<i32>} : memref<128xi32, #tpu.memory_space<vmem>>, vector<16xi32>,
        %swap3A_518 = vector.shape_cast %swap3A_517 : vector<16xi32> to vector<16xi32>
        %swap3A_519 = vector.shape_cast %select_n3A_515 : vector<16xi32> to vector<16xi32>
        tpu.vector_store %arg12[%swap3A_516], %swap3A_519 {strides = array<i32>} : memref<128xi32, #tpu.memory_space<vmem>>, vector<16xi32>,
        %dma_start3A_520 = arith.constant 0 : i32
        %dma_start3A_521 = arith.constant 0 : i32
        %dma_start3A_522 = tpu.memref_slice %arg6[%dma_start3A_520, %dma_start3A_521] : memref<5008x128xf32, #tpu.memory_space<vmem_shared>> -> memref<5008x128xf32, #tpu.memory_space<vmem_shared>>
        tpu.enqueue_indirect_dma source(%arg8 : memref<128x128xf32, #tpu.memory_space<vmem>>) target(%dma_start3A_522 : memref<5008x128xf32, #tpu.memory_space<vmem_shared>>) offsets(%arg12 : memref<128xi32, #tpu.memory_space<vmem>>) semaphore(%arg23 : memref<!tpu.dma_semaphore, #tpu.memory_space<semaphore_mem>>) {add = true}
        %ge3A_523 = arith.constant 1 : i32
        %ge3A_524 = arith.cmpi sge, %add3A_342, %ge3A_523 : i32
        %convert_element_type3A_525 = arith.extui %ge3A_524 : i1 to i32
        %cond3A_526 = arith.constant 0 : i32
        %cond3A_527 = arith.cmpi ne, %convert_element_type3A_525, %cond3A_526 : i32
        scf.if %cond3A_527 {
          %dma_wait3A_534 = arith.constant 0 : i32
          %dma_wait3A_535 = arith.constant 0 : i32
          %dma_wait3A_536 = tpu.memref_slice %arg6[%dma_wait3A_534, %dma_wait3A_535] : memref<5008x128xf32, #tpu.memory_space<vmem_shared>> -> memref<5008x128xf32, #tpu.memory_space<vmem_shared>>
          tpu.wait_indirect_dma semaphore(%arg22 : memref<!tpu.dma_semaphore, #tpu.memory_space<semaphore_mem>>) src(%arg7 : memref<128x128xf32, #tpu.memory_space<vmem>>) dst(%dma_wait3A_536 : memref<5008x128xf32, #tpu.memory_space<vmem_shared>>)
        } else {
        }
        %add3A_528 = arith.constant 3 : i32
        %add3A_529 = arith.addi %add3A_342, %add3A_528 : i32
        %lt3A_530 = arith.cmpi slt, %add3A_529, %select_n3A_177 : i32
        %convert_element_type3A_531 = arith.extui %lt3A_530 : i1 to i32
        %cond3A_532 = arith.constant 0 : i32
        %cond3A_533 = arith.cmpi ne, %convert_element_type3A_531, %cond3A_532 : i32
        scf.if %cond3A_533 {
          %add3A_534 = arith.addi %select_n3A, %arg1 : i32
          %mul3A_535 = arith.constant 16 : i32
          %mul3A_536 = arith.muli %mul3A_535, %add3A_529 : i32
          %add3A_537 = arith.addi %add3A_534, %mul3A_536 : i32
          %mul3A_538 = arith.constant 128 : i32
          %mul3A_539 = arith.muli %add3A_537, %mul3A_538 : i32
          %dma_start3A_540 = arith.constant 0 : i32
          %dma_start3A_541 = tpu.memref_slice %arg2[%mul3A_539, %dma_start3A_540] : memref<320000x128xf32, #tpu.memory_space<hbm>> -> memref<128x128xf32, #tpu.memory_space<hbm>>
          %dma_start3A_542 = arith.constant 0 : i32
          %dma_start3A_543 = tpu.memref_slice %arg2[%mul3A_539, %dma_start3A_542] : memref<320000x128xf32, #tpu.memory_space<hbm>> -> memref<128x128xf32, #tpu.memory_space<hbm>>
          tpu.enqueue_dma source(%dma_start3A_543 : memref<128x128xf32, #tpu.memory_space<hbm>>) target(%arg7 : memref<128x128xf32, #tpu.memory_space<vmem>>) target_semaphore(%arg18 : memref<!tpu.dma_semaphore, #tpu.memory_space<semaphore_mem>>)
          %dma_start3A_544 = tpu.memref_slice %arg3[%mul3A_539] : memref<320000xi32, #tpu.memory_space<hbm>> -> memref<128xi32, #tpu.memory_space<hbm>>
          %dma_start3A_545 = tpu.memref_slice %arg3[%mul3A_539] : memref<320000xi32, #tpu.memory_space<hbm>> -> memref<128xi32, #tpu.memory_space<hbm>>
          tpu.enqueue_dma source(%dma_start3A_545 : memref<128xi32, #tpu.memory_space<hbm>>) target(%arg11 : memref<128xi32, #tpu.memory_space<vmem>>) target_semaphore(%arg18 : memref<!tpu.dma_semaphore, #tpu.memory_space<semaphore_mem>>)
        } else {
        }
      } else {
      }
      %add3A_347 = arith.constant 2 : i32
      %add3A_348 = arith.addi %add3A_335, %add3A_347 : i32
      %lt3A_349 = arith.cmpi slt, %add3A_348, %select_n3A_177 : i32
      %convert_element_type3A_350 = arith.extui %lt3A_349 : i1 to i32
      %cond3A_351 = arith.constant 0 : i32
      %cond3A_352 = arith.cmpi ne, %convert_element_type3A_350, %cond3A_351 : i32
      scf.if %cond3A_352 {
        %dma_wait3A_359 = arith.constant 0 : i32
        %dma_wait3A_360 = arith.constant 0 : i32
        %dma_wait3A_361 = tpu.memref_slice %arg2[%dma_wait3A_359, %dma_wait3A_360] : memref<320000x128xf32, #tpu.memory_space<hbm>> -> memref<128x128xf32, #tpu.memory_space<hbm>>
        %dma_wait3A_362 = arith.constant 0 : i32
        %dma_wait3A_363 = arith.constant 0 : i32
        %dma_wait3A_364 = tpu.memref_slice %arg2[%dma_wait3A_362, %dma_wait3A_363] : memref<320000x128xf32, #tpu.memory_space<hbm>> -> memref<128x128xf32, #tpu.memory_space<hbm>>
        tpu.wait_dma2 semaphore(%arg20 : memref<!tpu.dma_semaphore, #tpu.memory_space<semaphore_mem>>) src(%dma_wait3A_364 : memref<128x128xf32, #tpu.memory_space<hbm>>) dst(%arg9 : memref<128x128xf32, #tpu.memory_space<vmem>>)
        %dma_wait3A_365 = arith.constant 0 : i32
        %dma_wait3A_366 = tpu.memref_slice %arg3[%dma_wait3A_365] : memref<320000xi32, #tpu.memory_space<hbm>> -> memref<128xi32, #tpu.memory_space<hbm>>
        %dma_wait3A_367 = arith.constant 0 : i32
        %dma_wait3A_368 = tpu.memref_slice %arg3[%dma_wait3A_367] : memref<320000xi32, #tpu.memory_space<hbm>> -> memref<128xi32, #tpu.memory_space<hbm>>
        tpu.wait_dma2 semaphore(%arg20 : memref<!tpu.dma_semaphore, #tpu.memory_space<semaphore_mem>>) src(%dma_wait3A_368 : memref<128xi32, #tpu.memory_space<hbm>>) dst(%arg13 : memref<128xi32, #tpu.memory_space<vmem>>)
        %get3A_369 = arith.constant 0 : index
        %get3A_370 = tpu.vector_load %arg13[%get3A_369] {strides = array<i32>} : memref<128xi32, #tpu.memory_space<vmem>>, vector<16xi32>,
        %get3A_371 = vector.shape_cast %get3A_370 : vector<16xi32> to vector<16xi32>
        %sub3A_372 = vector.broadcast %mul3A_179 : i32 to vector<16xi32>
        %sub3A_373 = arith.subi %get3A_371, %sub3A_372 : vector<16xi32>
        %ge3A = arith.constant 0 : i32
        %ge3A_374 = vector.broadcast %ge3A : i32 to vector<16xi32>
        %ge3A_375 = arith.cmpi sge, %sub3A_373, %ge3A_374 : vector<16xi32>
        %lt3A_376 = arith.constant 5000 : i32
        %lt3A_377 = vector.broadcast %lt3A_376 : i32 to vector<16xi32>
        %lt3A_378 = arith.cmpi slt, %sub3A_373, %lt3A_377 : vector<16xi32>
        %and3A_379 = arith.andi %ge3A_375, %lt3A_378 : vector<16xi1>
        %broadcast_in_dim3A_380 = arith.constant 5000 : i32
        %broadcast_in_dim3A_381 = vector.broadcast %broadcast_in_dim3A_380 : i32 to vector<16xi32>
        %select_n3A_382 = arith.select %and3A_379, %sub3A_373, %broadcast_in_dim3A_381 : vector<16xi1>, vector<16xi32>
        %swap3A_383 = arith.constant 0 : index
        %swap3A_384 = tpu.vector_load %arg13[%swap3A_383] {strides = array<i32>} : memref<128xi32, #tpu.memory_space<vmem>>, vector<16xi32>,
        %swap3A_385 = vector.shape_cast %swap3A_384 : vector<16xi32> to vector<16xi32>
        %swap3A_386 = vector.shape_cast %select_n3A_382 : vector<16xi32> to vector<16xi32>
        tpu.vector_store %arg13[%swap3A_383], %swap3A_386 {strides = array<i32>} : memref<128xi32, #tpu.memory_space<vmem>>, vector<16xi32>,
        %get3A_387 = arith.constant 16 : index
        %get3A_388 = tpu.vector_load %arg13[%get3A_387] {strides = array<i32>} : memref<128xi32, #tpu.memory_space<vmem>>, vector<16xi32>,
        %get3A_389 = vector.shape_cast %get3A_388 : vector<16xi32> to vector<16xi32>
        %sub3A_390 = vector.broadcast %mul3A_179 : i32 to vector<16xi32>
        %sub3A_391 = arith.subi %get3A_389, %sub3A_390 : vector<16xi32>
        %ge3A_392 = arith.constant 0 : i32
        %ge3A_393 = vector.broadcast %ge3A_392 : i32 to vector<16xi32>
        %ge3A_394 = arith.cmpi sge, %sub3A_391, %ge3A_393 : vector<16xi32>
        %lt3A_395 = arith.constant 5000 : i32
        %lt3A_396 = vector.broadcast %lt3A_395 : i32 to vector<16xi32>
        %lt3A_397 = arith.cmpi slt, %sub3A_391, %lt3A_396 : vector<16xi32>
        %and3A_398 = arith.andi %ge3A_394, %lt3A_397 : vector<16xi1>
        %broadcast_in_dim3A_399 = arith.constant 5000 : i32
        %broadcast_in_dim3A_400 = vector.broadcast %broadcast_in_dim3A_399 : i32 to vector<16xi32>
        %select_n3A_401 = arith.select %and3A_398, %sub3A_391, %broadcast_in_dim3A_400 : vector<16xi1>, vector<16xi32>
        %swap3A_402 = arith.constant 16 : index
        %swap3A_403 = tpu.vector_load %arg13[%swap3A_402] {strides = array<i32>} : memref<128xi32, #tpu.memory_space<vmem>>, vector<16xi32>,
        %swap3A_404 = vector.shape_cast %swap3A_403 : vector<16xi32> to vector<16xi32>
        %swap3A_405 = vector.shape_cast %select_n3A_401 : vector<16xi32> to vector<16xi32>
        tpu.vector_store %arg13[%swap3A_402], %swap3A_405 {strides = array<i32>} : memref<128xi32, #tpu.memory_space<vmem>>, vector<16xi32>,
        %get3A_406 = arith.constant 32 : index
        %get3A_407 = tpu.vector_load %arg13[%get3A_406] {strides = array<i32>} : memref<128xi32, #tpu.memory_space<vmem>>, vector<16xi32>,
        %get3A_408 = vector.shape_cast %get3A_407 : vector<16xi32> to vector<16xi32>
        %sub3A_409 = vector.broadcast %mul3A_179 : i32 to vector<16xi32>
        %sub3A_410 = arith.subi %get3A_408, %sub3A_409 : vector<16xi32>
        %ge3A_411 = arith.constant 0 : i32
        %ge3A_412 = vector.broadcast %ge3A_411 : i32 to vector<16xi32>
        %ge3A_413 = arith.cmpi sge, %sub3A_410, %ge3A_412 : vector<16xi32>
        %lt3A_414 = arith.constant 5000 : i32
        %lt3A_415 = vector.broadcast %lt3A_414 : i32 to vector<16xi32>
        %lt3A_416 = arith.cmpi slt, %sub3A_410, %lt3A_415 : vector<16xi32>
        %and3A_417 = arith.andi %ge3A_413, %lt3A_416 : vector<16xi1>
        %broadcast_in_dim3A_418 = arith.constant 5000 : i32
        %broadcast_in_dim3A_419 = vector.broadcast %broadcast_in_dim3A_418 : i32 to vector<16xi32>
        %select_n3A_420 = arith.select %and3A_417, %sub3A_410, %broadcast_in_dim3A_419 : vector<16xi1>, vector<16xi32>
        %swap3A_421 = arith.constant 32 : index
        %swap3A_422 = tpu.vector_load %arg13[%swap3A_421] {strides = array<i32>} : memref<128xi32, #tpu.memory_space<vmem>>, vector<16xi32>,
        %swap3A_423 = vector.shape_cast %swap3A_422 : vector<16xi32> to vector<16xi32>
        %swap3A_424 = vector.shape_cast %select_n3A_420 : vector<16xi32> to vector<16xi32>
        tpu.vector_store %arg13[%swap3A_421], %swap3A_424 {strides = array<i32>} : memref<128xi32, #tpu.memory_space<vmem>>, vector<16xi32>,
        %get3A_425 = arith.constant 48 : index
        %get3A_426 = tpu.vector_load %arg13[%get3A_425] {strides = array<i32>} : memref<128xi32, #tpu.memory_space<vmem>>, vector<16xi32>,
        %get3A_427 = vector.shape_cast %get3A_426 : vector<16xi32> to vector<16xi32>
        %sub3A_428 = vector.broadcast %mul3A_179 : i32 to vector<16xi32>
        %sub3A_429 = arith.subi %get3A_427, %sub3A_428 : vector<16xi32>
        %ge3A_430 = arith.constant 0 : i32
        %ge3A_431 = vector.broadcast %ge3A_430 : i32 to vector<16xi32>
        %ge3A_432 = arith.cmpi sge, %sub3A_429, %ge3A_431 : vector<16xi32>
        %lt3A_433 = arith.constant 5000 : i32
        %lt3A_434 = vector.broadcast %lt3A_433 : i32 to vector<16xi32>
        %lt3A_435 = arith.cmpi slt, %sub3A_429, %lt3A_434 : vector<16xi32>
        %and3A_436 = arith.andi %ge3A_432, %lt3A_435 : vector<16xi1>
        %broadcast_in_dim3A_437 = arith.constant 5000 : i32
        %broadcast_in_dim3A_438 = vector.broadcast %broadcast_in_dim3A_437 : i32 to vector<16xi32>
        %select_n3A_439 = arith.select %and3A_436, %sub3A_429, %broadcast_in_dim3A_438 : vector<16xi1>, vector<16xi32>
        %swap3A_440 = arith.constant 48 : index
        %swap3A_441 = tpu.vector_load %arg13[%swap3A_440] {strides = array<i32>} : memref<128xi32, #tpu.memory_space<vmem>>, vector<16xi32>,
        %swap3A_442 = vector.shape_cast %swap3A_441 : vector<16xi32> to vector<16xi32>
        %swap3A_443 = vector.shape_cast %select_n3A_439 : vector<16xi32> to vector<16xi32>
        tpu.vector_store %arg13[%swap3A_440], %swap3A_443 {strides = array<i32>} : memref<128xi32, #tpu.memory_space<vmem>>, vector<16xi32>,
        %get3A_444 = arith.constant 64 : index
        %get3A_445 = tpu.vector_load %arg13[%get3A_444] {strides = array<i32>} : memref<128xi32, #tpu.memory_space<vmem>>, vector<16xi32>,
        %get3A_446 = vector.shape_cast %get3A_445 : vector<16xi32> to vector<16xi32>
        %sub3A_447 = vector.broadcast %mul3A_179 : i32 to vector<16xi32>
        %sub3A_448 = arith.subi %get3A_446, %sub3A_447 : vector<16xi32>
        %ge3A_449 = arith.constant 0 : i32
        %ge3A_450 = vector.broadcast %ge3A_449 : i32 to vector<16xi32>
        %ge3A_451 = arith.cmpi sge, %sub3A_448, %ge3A_450 : vector<16xi32>
        %lt3A_452 = arith.constant 5000 : i32
        %lt3A_453 = vector.broadcast %lt3A_452 : i32 to vector<16xi32>
        %lt3A_454 = arith.cmpi slt, %sub3A_448, %lt3A_453 : vector<16xi32>
        %and3A_455 = arith.andi %ge3A_451, %lt3A_454 : vector<16xi1>
        %broadcast_in_dim3A_456 = arith.constant 5000 : i32
        %broadcast_in_dim3A_457 = vector.broadcast %broadcast_in_dim3A_456 : i32 to vector<16xi32>
        %select_n3A_458 = arith.select %and3A_455, %sub3A_448, %broadcast_in_dim3A_457 : vector<16xi1>, vector<16xi32>
        %swap3A_459 = arith.constant 64 : index
        %swap3A_460 = tpu.vector_load %arg13[%swap3A_459] {strides = array<i32>} : memref<128xi32, #tpu.memory_space<vmem>>, vector<16xi32>,
        %swap3A_461 = vector.shape_cast %swap3A_460 : vector<16xi32> to vector<16xi32>
        %swap3A_462 = vector.shape_cast %select_n3A_458 : vector<16xi32> to vector<16xi32>
        tpu.vector_store %arg13[%swap3A_459], %swap3A_462 {strides = array<i32>} : memref<128xi32, #tpu.memory_space<vmem>>, vector<16xi32>,
        %get3A_463 = arith.constant 80 : index
        %get3A_464 = tpu.vector_load %arg13[%get3A_463] {strides = array<i32>} : memref<128xi32, #tpu.memory_space<vmem>>, vector<16xi32>,
        %get3A_465 = vector.shape_cast %get3A_464 : vector<16xi32> to vector<16xi32>
        %sub3A_466 = vector.broadcast %mul3A_179 : i32 to vector<16xi32>
        %sub3A_467 = arith.subi %get3A_465, %sub3A_466 : vector<16xi32>
        %ge3A_468 = arith.constant 0 : i32
        %ge3A_469 = vector.broadcast %ge3A_468 : i32 to vector<16xi32>
        %ge3A_470 = arith.cmpi sge, %sub3A_467, %ge3A_469 : vector<16xi32>
        %lt3A_471 = arith.constant 5000 : i32
        %lt3A_472 = vector.broadcast %lt3A_471 : i32 to vector<16xi32>
        %lt3A_473 = arith.cmpi slt, %sub3A_467, %lt3A_472 : vector<16xi32>
        %and3A_474 = arith.andi %ge3A_470, %lt3A_473 : vector<16xi1>
        %broadcast_in_dim3A_475 = arith.constant 5000 : i32
        %broadcast_in_dim3A_476 = vector.broadcast %broadcast_in_dim3A_475 : i32 to vector<16xi32>
        %select_n3A_477 = arith.select %and3A_474, %sub3A_467, %broadcast_in_dim3A_476 : vector<16xi1>, vector<16xi32>
        %swap3A_478 = arith.constant 80 : index
        %swap3A_479 = tpu.vector_load %arg13[%swap3A_478] {strides = array<i32>} : memref<128xi32, #tpu.memory_space<vmem>>, vector<16xi32>,
        %swap3A_480 = vector.shape_cast %swap3A_479 : vector<16xi32> to vector<16xi32>
        %swap3A_481 = vector.shape_cast %select_n3A_477 : vector<16xi32> to vector<16xi32>
        tpu.vector_store %arg13[%swap3A_478], %swap3A_481 {strides = array<i32>} : memref<128xi32, #tpu.memory_space<vmem>>, vector<16xi32>,
        %get3A_482 = arith.constant 96 : index
        %get3A_483 = tpu.vector_load %arg13[%get3A_482] {strides = array<i32>} : memref<128xi32, #tpu.memory_space<vmem>>, vector<16xi32>,
        %get3A_484 = vector.shape_cast %get3A_483 : vector<16xi32> to vector<16xi32>
        %sub3A_485 = vector.broadcast %mul3A_179 : i32 to vector<16xi32>
        %sub3A_486 = arith.subi %get3A_484, %sub3A_485 : vector<16xi32>
        %ge3A_487 = arith.constant 0 : i32
        %ge3A_488 = vector.broadcast %ge3A_487 : i32 to vector<16xi32>
        %ge3A_489 = arith.cmpi sge, %sub3A_486, %ge3A_488 : vector<16xi32>
        %lt3A_490 = arith.constant 5000 : i32
        %lt3A_491 = vector.broadcast %lt3A_490 : i32 to vector<16xi32>
        %lt3A_492 = arith.cmpi slt, %sub3A_486, %lt3A_491 : vector<16xi32>
        %and3A_493 = arith.andi %ge3A_489, %lt3A_492 : vector<16xi1>
        %broadcast_in_dim3A_494 = arith.constant 5000 : i32
        %broadcast_in_dim3A_495 = vector.broadcast %broadcast_in_dim3A_494 : i32 to vector<16xi32>
        %select_n3A_496 = arith.select %and3A_493, %sub3A_486, %broadcast_in_dim3A_495 : vector<16xi1>, vector<16xi32>
        %swap3A_497 = arith.constant 96 : index
        %swap3A_498 = tpu.vector_load %arg13[%swap3A_497] {strides = array<i32>} : memref<128xi32, #tpu.memory_space<vmem>>, vector<16xi32>,
        %swap3A_499 = vector.shape_cast %swap3A_498 : vector<16xi32> to vector<16xi32>
        %swap3A_500 = vector.shape_cast %select_n3A_496 : vector<16xi32> to vector<16xi32>
        tpu.vector_store %arg13[%swap3A_497], %swap3A_500 {strides = array<i32>} : memref<128xi32, #tpu.memory_space<vmem>>, vector<16xi32>,
        %get3A_501 = arith.constant 112 : index
        %get3A_502 = tpu.vector_load %arg13[%get3A_501] {strides = array<i32>} : memref<128xi32, #tpu.memory_space<vmem>>, vector<16xi32>,
        %get3A_503 = vector.shape_cast %get3A_502 : vector<16xi32> to vector<16xi32>
        %sub3A_504 = vector.broadcast %mul3A_179 : i32 to vector<16xi32>
        %sub3A_505 = arith.subi %get3A_503, %sub3A_504 : vector<16xi32>
        %ge3A_506 = arith.constant 0 : i32
        %ge3A_507 = vector.broadcast %ge3A_506 : i32 to vector<16xi32>
        %ge3A_508 = arith.cmpi sge, %sub3A_505, %ge3A_507 : vector<16xi32>
        %lt3A_509 = arith.constant 5000 : i32
        %lt3A_510 = vector.broadcast %lt3A_509 : i32 to vector<16xi32>
        %lt3A_511 = arith.cmpi slt, %sub3A_505, %lt3A_510 : vector<16xi32>
        %and3A_512 = arith.andi %ge3A_508, %lt3A_511 : vector<16xi1>
        %broadcast_in_dim3A_513 = arith.constant 5000 : i32
        %broadcast_in_dim3A_514 = vector.broadcast %broadcast_in_dim3A_513 : i32 to vector<16xi32>
        %select_n3A_515 = arith.select %and3A_512, %sub3A_505, %broadcast_in_dim3A_514 : vector<16xi1>, vector<16xi32>
        %swap3A_516 = arith.constant 112 : index
        %swap3A_517 = tpu.vector_load %arg13[%swap3A_516] {strides = array<i32>} : memref<128xi32, #tpu.memory_space<vmem>>, vector<16xi32>,
        %swap3A_518 = vector.shape_cast %swap3A_517 : vector<16xi32> to vector<16xi32>
        %swap3A_519 = vector.shape_cast %select_n3A_515 : vector<16xi32> to vector<16xi32>
        tpu.vector_store %arg13[%swap3A_516], %swap3A_519 {strides = array<i32>} : memref<128xi32, #tpu.memory_space<vmem>>, vector<16xi32>,
        %dma_start3A_520 = arith.constant 0 : i32
        %dma_start3A_521 = arith.constant 0 : i32
        %dma_start3A_522 = tpu.memref_slice %arg6[%dma_start3A_520, %dma_start3A_521] : memref<5008x128xf32, #tpu.memory_space<vmem_shared>> -> memref<5008x128xf32, #tpu.memory_space<vmem_shared>>
        tpu.enqueue_indirect_dma source(%arg9 : memref<128x128xf32, #tpu.memory_space<vmem>>) target(%dma_start3A_522 : memref<5008x128xf32, #tpu.memory_space<vmem_shared>>) offsets(%arg13 : memref<128xi32, #tpu.memory_space<vmem>>) semaphore(%arg24 : memref<!tpu.dma_semaphore, #tpu.memory_space<semaphore_mem>>) {add = true}
        %ge3A_523 = arith.constant 1 : i32
        %ge3A_524 = arith.cmpi sge, %add3A_348, %ge3A_523 : i32
        %convert_element_type3A_525 = arith.extui %ge3A_524 : i1 to i32
        %cond3A_526 = arith.constant 0 : i32
        %cond3A_527 = arith.cmpi ne, %convert_element_type3A_525, %cond3A_526 : i32
        scf.if %cond3A_527 {
          %dma_wait3A_534 = arith.constant 0 : i32
          %dma_wait3A_535 = arith.constant 0 : i32
          %dma_wait3A_536 = tpu.memref_slice %arg6[%dma_wait3A_534, %dma_wait3A_535] : memref<5008x128xf32, #tpu.memory_space<vmem_shared>> -> memref<5008x128xf32, #tpu.memory_space<vmem_shared>>
          tpu.wait_indirect_dma semaphore(%arg23 : memref<!tpu.dma_semaphore, #tpu.memory_space<semaphore_mem>>) src(%arg8 : memref<128x128xf32, #tpu.memory_space<vmem>>) dst(%dma_wait3A_536 : memref<5008x128xf32, #tpu.memory_space<vmem_shared>>)
        } else {
        }
        %add3A_528 = arith.constant 3 : i32
        %add3A_529 = arith.addi %add3A_348, %add3A_528 : i32
        %lt3A_530 = arith.cmpi slt, %add3A_529, %select_n3A_177 : i32
        %convert_element_type3A_531 = arith.extui %lt3A_530 : i1 to i32
        %cond3A_532 = arith.constant 0 : i32
        %cond3A_533 = arith.cmpi ne, %convert_element_type3A_531, %cond3A_532 : i32
        scf.if %cond3A_533 {
          %add3A_534 = arith.addi %select_n3A, %arg1 : i32
          %mul3A_535 = arith.constant 16 : i32
          %mul3A_536 = arith.muli %mul3A_535, %add3A_529 : i32
          %add3A_537 = arith.addi %add3A_534, %mul3A_536 : i32
          %mul3A_538 = arith.constant 128 : i32
          %mul3A_539 = arith.muli %add3A_537, %mul3A_538 : i32
          %dma_start3A_540 = arith.constant 0 : i32
          %dma_start3A_541 = tpu.memref_slice %arg2[%mul3A_539, %dma_start3A_540] : memref<320000x128xf32, #tpu.memory_space<hbm>> -> memref<128x128xf32, #tpu.memory_space<hbm>>
          %dma_start3A_542 = arith.constant 0 : i32
          %dma_start3A_543 = tpu.memref_slice %arg2[%mul3A_539, %dma_start3A_542] : memref<320000x128xf32, #tpu.memory_space<hbm>> -> memref<128x128xf32, #tpu.memory_space<hbm>>
          tpu.enqueue_dma source(%dma_start3A_543 : memref<128x128xf32, #tpu.memory_space<hbm>>) target(%arg8 : memref<128x128xf32, #tpu.memory_space<vmem>>) target_semaphore(%arg19 : memref<!tpu.dma_semaphore, #tpu.memory_space<semaphore_mem>>)
          %dma_start3A_544 = tpu.memref_slice %arg3[%mul3A_539] : memref<320000xi32, #tpu.memory_space<hbm>> -> memref<128xi32, #tpu.memory_space<hbm>>
          %dma_start3A_545 = tpu.memref_slice %arg3[%mul3A_539] : memref<320000xi32, #tpu.memory_space<hbm>> -> memref<128xi32, #tpu.memory_space<hbm>>
          tpu.enqueue_dma source(%dma_start3A_545 : memref<128xi32, #tpu.memory_space<hbm>>) target(%arg12 : memref<128xi32, #tpu.memory_space<vmem>>) target_semaphore(%arg19 : memref<!tpu.dma_semaphore, #tpu.memory_space<semaphore_mem>>)
        } else {
        }
      } else {
      }
      %add3A_353 = arith.constant 3 : i32
      %add3A_354 = arith.addi %add3A_335, %add3A_353 : i32
      %lt3A_355 = arith.cmpi slt, %add3A_354, %select_n3A_177 : i32
      %convert_element_type3A_356 = arith.extui %lt3A_355 : i1 to i32
      %cond3A_357 = arith.constant 0 : i32
      %cond3A_358 = arith.cmpi ne, %convert_element_type3A_356, %cond3A_357 : i32
      scf.if %cond3A_358 {
        %dma_wait3A_359 = arith.constant 0 : i32
        %dma_wait3A_360 = arith.constant 0 : i32
        %dma_wait3A_361 = tpu.memref_slice %arg2[%dma_wait3A_359, %dma_wait3A_360] : memref<320000x128xf32, #tpu.memory_space<hbm>> -> memref<128x128xf32, #tpu.memory_space<hbm>>
        %dma_wait3A_362 = arith.constant 0 : i32
        %dma_wait3A_363 = arith.constant 0 : i32
        %dma_wait3A_364 = tpu.memref_slice %arg2[%dma_wait3A_362, %dma_wait3A_363] : memref<320000x128xf32, #tpu.memory_space<hbm>> -> memref<128x128xf32, #tpu.memory_space<hbm>>
        tpu.wait_dma2 semaphore(%arg21 : memref<!tpu.dma_semaphore, #tpu.memory_space<semaphore_mem>>) src(%dma_wait3A_364 : memref<128x128xf32, #tpu.memory_space<hbm>>) dst(%arg10 : memref<128x128xf32, #tpu.memory_space<vmem>>)
        %dma_wait3A_365 = arith.constant 0 : i32
        %dma_wait3A_366 = tpu.memref_slice %arg3[%dma_wait3A_365] : memref<320000xi32, #tpu.memory_space<hbm>> -> memref<128xi32, #tpu.memory_space<hbm>>
        %dma_wait3A_367 = arith.constant 0 : i32
        %dma_wait3A_368 = tpu.memref_slice %arg3[%dma_wait3A_367] : memref<320000xi32, #tpu.memory_space<hbm>> -> memref<128xi32, #tpu.memory_space<hbm>>
        tpu.wait_dma2 semaphore(%arg21 : memref<!tpu.dma_semaphore, #tpu.memory_space<semaphore_mem>>) src(%dma_wait3A_368 : memref<128xi32, #tpu.memory_space<hbm>>) dst(%arg14 : memref<128xi32, #tpu.memory_space<vmem>>)
        %get3A_369 = arith.constant 0 : index
        %get3A_370 = tpu.vector_load %arg14[%get3A_369] {strides = array<i32>} : memref<128xi32, #tpu.memory_space<vmem>>, vector<16xi32>,
        %get3A_371 = vector.shape_cast %get3A_370 : vector<16xi32> to vector<16xi32>
        %sub3A_372 = vector.broadcast %mul3A_179 : i32 to vector<16xi32>
        %sub3A_373 = arith.subi %get3A_371, %sub3A_372 : vector<16xi32>
        %ge3A = arith.constant 0 : i32
        %ge3A_374 = vector.broadcast %ge3A : i32 to vector<16xi32>
        %ge3A_375 = arith.cmpi sge, %sub3A_373, %ge3A_374 : vector<16xi32>
        %lt3A_376 = arith.constant 5000 : i32
        %lt3A_377 = vector.broadcast %lt3A_376 : i32 to vector<16xi32>
        %lt3A_378 = arith.cmpi slt, %sub3A_373, %lt3A_377 : vector<16xi32>
        %and3A_379 = arith.andi %ge3A_375, %lt3A_378 : vector<16xi1>
        %broadcast_in_dim3A_380 = arith.constant 5000 : i32
        %broadcast_in_dim3A_381 = vector.broadcast %broadcast_in_dim3A_380 : i32 to vector<16xi32>
        %select_n3A_382 = arith.select %and3A_379, %sub3A_373, %broadcast_in_dim3A_381 : vector<16xi1>, vector<16xi32>
        %swap3A_383 = arith.constant 0 : index
        %swap3A_384 = tpu.vector_load %arg14[%swap3A_383] {strides = array<i32>} : memref<128xi32, #tpu.memory_space<vmem>>, vector<16xi32>,
        %swap3A_385 = vector.shape_cast %swap3A_384 : vector<16xi32> to vector<16xi32>
        %swap3A_386 = vector.shape_cast %select_n3A_382 : vector<16xi32> to vector<16xi32>
        tpu.vector_store %arg14[%swap3A_383], %swap3A_386 {strides = array<i32>} : memref<128xi32, #tpu.memory_space<vmem>>, vector<16xi32>,
        %get3A_387 = arith.constant 16 : index
        %get3A_388 = tpu.vector_load %arg14[%get3A_387] {strides = array<i32>} : memref<128xi32, #tpu.memory_space<vmem>>, vector<16xi32>,
        %get3A_389 = vector.shape_cast %get3A_388 : vector<16xi32> to vector<16xi32>
        %sub3A_390 = vector.broadcast %mul3A_179 : i32 to vector<16xi32>
        %sub3A_391 = arith.subi %get3A_389, %sub3A_390 : vector<16xi32>
        %ge3A_392 = arith.constant 0 : i32
        %ge3A_393 = vector.broadcast %ge3A_392 : i32 to vector<16xi32>
        %ge3A_394 = arith.cmpi sge, %sub3A_391, %ge3A_393 : vector<16xi32>
        %lt3A_395 = arith.constant 5000 : i32
        %lt3A_396 = vector.broadcast %lt3A_395 : i32 to vector<16xi32>
        %lt3A_397 = arith.cmpi slt, %sub3A_391, %lt3A_396 : vector<16xi32>
        %and3A_398 = arith.andi %ge3A_394, %lt3A_397 : vector<16xi1>
        %broadcast_in_dim3A_399 = arith.constant 5000 : i32
        %broadcast_in_dim3A_400 = vector.broadcast %broadcast_in_dim3A_399 : i32 to vector<16xi32>
        %select_n3A_401 = arith.select %and3A_398, %sub3A_391, %broadcast_in_dim3A_400 : vector<16xi1>, vector<16xi32>
        %swap3A_402 = arith.constant 16 : index
        %swap3A_403 = tpu.vector_load %arg14[%swap3A_402] {strides = array<i32>} : memref<128xi32, #tpu.memory_space<vmem>>, vector<16xi32>,
        %swap3A_404 = vector.shape_cast %swap3A_403 : vector<16xi32> to vector<16xi32>
        %swap3A_405 = vector.shape_cast %select_n3A_401 : vector<16xi32> to vector<16xi32>
        tpu.vector_store %arg14[%swap3A_402], %swap3A_405 {strides = array<i32>} : memref<128xi32, #tpu.memory_space<vmem>>, vector<16xi32>,
        %get3A_406 = arith.constant 32 : index
        %get3A_407 = tpu.vector_load %arg14[%get3A_406] {strides = array<i32>} : memref<128xi32, #tpu.memory_space<vmem>>, vector<16xi32>,
        %get3A_408 = vector.shape_cast %get3A_407 : vector<16xi32> to vector<16xi32>
        %sub3A_409 = vector.broadcast %mul3A_179 : i32 to vector<16xi32>
        %sub3A_410 = arith.subi %get3A_408, %sub3A_409 : vector<16xi32>
        %ge3A_411 = arith.constant 0 : i32
        %ge3A_412 = vector.broadcast %ge3A_411 : i32 to vector<16xi32>
        %ge3A_413 = arith.cmpi sge, %sub3A_410, %ge3A_412 : vector<16xi32>
        %lt3A_414 = arith.constant 5000 : i32
        %lt3A_415 = vector.broadcast %lt3A_414 : i32 to vector<16xi32>
        %lt3A_416 = arith.cmpi slt, %sub3A_410, %lt3A_415 : vector<16xi32>
        %and3A_417 = arith.andi %ge3A_413, %lt3A_416 : vector<16xi1>
        %broadcast_in_dim3A_418 = arith.constant 5000 : i32
        %broadcast_in_dim3A_419 = vector.broadcast %broadcast_in_dim3A_418 : i32 to vector<16xi32>
        %select_n3A_420 = arith.select %and3A_417, %sub3A_410, %broadcast_in_dim3A_419 : vector<16xi1>, vector<16xi32>
        %swap3A_421 = arith.constant 32 : index
        %swap3A_422 = tpu.vector_load %arg14[%swap3A_421] {strides = array<i32>} : memref<128xi32, #tpu.memory_space<vmem>>, vector<16xi32>,
        %swap3A_423 = vector.shape_cast %swap3A_422 : vector<16xi32> to vector<16xi32>
        %swap3A_424 = vector.shape_cast %select_n3A_420 : vector<16xi32> to vector<16xi32>
        tpu.vector_store %arg14[%swap3A_421], %swap3A_424 {strides = array<i32>} : memref<128xi32, #tpu.memory_space<vmem>>, vector<16xi32>,
        %get3A_425 = arith.constant 48 : index
        %get3A_426 = tpu.vector_load %arg14[%get3A_425] {strides = array<i32>} : memref<128xi32, #tpu.memory_space<vmem>>, vector<16xi32>,
        %get3A_427 = vector.shape_cast %get3A_426 : vector<16xi32> to vector<16xi32>
        %sub3A_428 = vector.broadcast %mul3A_179 : i32 to vector<16xi32>
        %sub3A_429 = arith.subi %get3A_427, %sub3A_428 : vector<16xi32>
        %ge3A_430 = arith.constant 0 : i32
        %ge3A_431 = vector.broadcast %ge3A_430 : i32 to vector<16xi32>
        %ge3A_432 = arith.cmpi sge, %sub3A_429, %ge3A_431 : vector<16xi32>
        %lt3A_433 = arith.constant 5000 : i32
        %lt3A_434 = vector.broadcast %lt3A_433 : i32 to vector<16xi32>
        %lt3A_435 = arith.cmpi slt, %sub3A_429, %lt3A_434 : vector<16xi32>
        %and3A_436 = arith.andi %ge3A_432, %lt3A_435 : vector<16xi1>
        %broadcast_in_dim3A_437 = arith.constant 5000 : i32
        %broadcast_in_dim3A_438 = vector.broadcast %broadcast_in_dim3A_437 : i32 to vector<16xi32>
        %select_n3A_439 = arith.select %and3A_436, %sub3A_429, %broadcast_in_dim3A_438 : vector<16xi1>, vector<16xi32>
        %swap3A_440 = arith.constant 48 : index
        %swap3A_441 = tpu.vector_load %arg14[%swap3A_440] {strides = array<i32>} : memref<128xi32, #tpu.memory_space<vmem>>, vector<16xi32>,
        %swap3A_442 = vector.shape_cast %swap3A_441 : vector<16xi32> to vector<16xi32>
        %swap3A_443 = vector.shape_cast %select_n3A_439 : vector<16xi32> to vector<16xi32>
        tpu.vector_store %arg14[%swap3A_440], %swap3A_443 {strides = array<i32>} : memref<128xi32, #tpu.memory_space<vmem>>, vector<16xi32>,
        %get3A_444 = arith.constant 64 : index
        %get3A_445 = tpu.vector_load %arg14[%get3A_444] {strides = array<i32>} : memref<128xi32, #tpu.memory_space<vmem>>, vector<16xi32>,
        %get3A_446 = vector.shape_cast %get3A_445 : vector<16xi32> to vector<16xi32>
        %sub3A_447 = vector.broadcast %mul3A_179 : i32 to vector<16xi32>
        %sub3A_448 = arith.subi %get3A_446, %sub3A_447 : vector<16xi32>
        %ge3A_449 = arith.constant 0 : i32
        %ge3A_450 = vector.broadcast %ge3A_449 : i32 to vector<16xi32>
        %ge3A_451 = arith.cmpi sge, %sub3A_448, %ge3A_450 : vector<16xi32>
        %lt3A_452 = arith.constant 5000 : i32
        %lt3A_453 = vector.broadcast %lt3A_452 : i32 to vector<16xi32>
        %lt3A_454 = arith.cmpi slt, %sub3A_448, %lt3A_453 : vector<16xi32>
        %and3A_455 = arith.andi %ge3A_451, %lt3A_454 : vector<16xi1>
        %broadcast_in_dim3A_456 = arith.constant 5000 : i32
        %broadcast_in_dim3A_457 = vector.broadcast %broadcast_in_dim3A_456 : i32 to vector<16xi32>
        %select_n3A_458 = arith.select %and3A_455, %sub3A_448, %broadcast_in_dim3A_457 : vector<16xi1>, vector<16xi32>
        %swap3A_459 = arith.constant 64 : index
        %swap3A_460 = tpu.vector_load %arg14[%swap3A_459] {strides = array<i32>} : memref<128xi32, #tpu.memory_space<vmem>>, vector<16xi32>,
        %swap3A_461 = vector.shape_cast %swap3A_460 : vector<16xi32> to vector<16xi32>
        %swap3A_462 = vector.shape_cast %select_n3A_458 : vector<16xi32> to vector<16xi32>
        tpu.vector_store %arg14[%swap3A_459], %swap3A_462 {strides = array<i32>} : memref<128xi32, #tpu.memory_space<vmem>>, vector<16xi32>,
        %get3A_463 = arith.constant 80 : index
        %get3A_464 = tpu.vector_load %arg14[%get3A_463] {strides = array<i32>} : memref<128xi32, #tpu.memory_space<vmem>>, vector<16xi32>,
        %get3A_465 = vector.shape_cast %get3A_464 : vector<16xi32> to vector<16xi32>
        %sub3A_466 = vector.broadcast %mul3A_179 : i32 to vector<16xi32>
        %sub3A_467 = arith.subi %get3A_465, %sub3A_466 : vector<16xi32>
        %ge3A_468 = arith.constant 0 : i32
        %ge3A_469 = vector.broadcast %ge3A_468 : i32 to vector<16xi32>
        %ge3A_470 = arith.cmpi sge, %sub3A_467, %ge3A_469 : vector<16xi32>
        %lt3A_471 = arith.constant 5000 : i32
        %lt3A_472 = vector.broadcast %lt3A_471 : i32 to vector<16xi32>
        %lt3A_473 = arith.cmpi slt, %sub3A_467, %lt3A_472 : vector<16xi32>
        %and3A_474 = arith.andi %ge3A_470, %lt3A_473 : vector<16xi1>
        %broadcast_in_dim3A_475 = arith.constant 5000 : i32
        %broadcast_in_dim3A_476 = vector.broadcast %broadcast_in_dim3A_475 : i32 to vector<16xi32>
        %select_n3A_477 = arith.select %and3A_474, %sub3A_467, %broadcast_in_dim3A_476 : vector<16xi1>, vector<16xi32>
        %swap3A_478 = arith.constant 80 : index
        %swap3A_479 = tpu.vector_load %arg14[%swap3A_478] {strides = array<i32>} : memref<128xi32, #tpu.memory_space<vmem>>, vector<16xi32>,
        %swap3A_480 = vector.shape_cast %swap3A_479 : vector<16xi32> to vector<16xi32>
        %swap3A_481 = vector.shape_cast %select_n3A_477 : vector<16xi32> to vector<16xi32>
        tpu.vector_store %arg14[%swap3A_478], %swap3A_481 {strides = array<i32>} : memref<128xi32, #tpu.memory_space<vmem>>, vector<16xi32>,
        %get3A_482 = arith.constant 96 : index
        %get3A_483 = tpu.vector_load %arg14[%get3A_482] {strides = array<i32>} : memref<128xi32, #tpu.memory_space<vmem>>, vector<16xi32>,
        %get3A_484 = vector.shape_cast %get3A_483 : vector<16xi32> to vector<16xi32>
        %sub3A_485 = vector.broadcast %mul3A_179 : i32 to vector<16xi32>
        %sub3A_486 = arith.subi %get3A_484, %sub3A_485 : vector<16xi32>
        %ge3A_487 = arith.constant 0 : i32
        %ge3A_488 = vector.broadcast %ge3A_487 : i32 to vector<16xi32>
        %ge3A_489 = arith.cmpi sge, %sub3A_486, %ge3A_488 : vector<16xi32>
        %lt3A_490 = arith.constant 5000 : i32
        %lt3A_491 = vector.broadcast %lt3A_490 : i32 to vector<16xi32>
        %lt3A_492 = arith.cmpi slt, %sub3A_486, %lt3A_491 : vector<16xi32>
        %and3A_493 = arith.andi %ge3A_489, %lt3A_492 : vector<16xi1>
        %broadcast_in_dim3A_494 = arith.constant 5000 : i32
        %broadcast_in_dim3A_495 = vector.broadcast %broadcast_in_dim3A_494 : i32 to vector<16xi32>
        %select_n3A_496 = arith.select %and3A_493, %sub3A_486, %broadcast_in_dim3A_495 : vector<16xi1>, vector<16xi32>
        %swap3A_497 = arith.constant 96 : index
        %swap3A_498 = tpu.vector_load %arg14[%swap3A_497] {strides = array<i32>} : memref<128xi32, #tpu.memory_space<vmem>>, vector<16xi32>,
        %swap3A_499 = vector.shape_cast %swap3A_498 : vector<16xi32> to vector<16xi32>
        %swap3A_500 = vector.shape_cast %select_n3A_496 : vector<16xi32> to vector<16xi32>
        tpu.vector_store %arg14[%swap3A_497], %swap3A_500 {strides = array<i32>} : memref<128xi32, #tpu.memory_space<vmem>>, vector<16xi32>,
        %get3A_501 = arith.constant 112 : index
        %get3A_502 = tpu.vector_load %arg14[%get3A_501] {strides = array<i32>} : memref<128xi32, #tpu.memory_space<vmem>>, vector<16xi32>,
        %get3A_503 = vector.shape_cast %get3A_502 : vector<16xi32> to vector<16xi32>
        %sub3A_504 = vector.broadcast %mul3A_179 : i32 to vector<16xi32>
        %sub3A_505 = arith.subi %get3A_503, %sub3A_504 : vector<16xi32>
        %ge3A_506 = arith.constant 0 : i32
        %ge3A_507 = vector.broadcast %ge3A_506 : i32 to vector<16xi32>
        %ge3A_508 = arith.cmpi sge, %sub3A_505, %ge3A_507 : vector<16xi32>
        %lt3A_509 = arith.constant 5000 : i32
        %lt3A_510 = vector.broadcast %lt3A_509 : i32 to vector<16xi32>
        %lt3A_511 = arith.cmpi slt, %sub3A_505, %lt3A_510 : vector<16xi32>
        %and3A_512 = arith.andi %ge3A_508, %lt3A_511 : vector<16xi1>
        %broadcast_in_dim3A_513 = arith.constant 5000 : i32
        %broadcast_in_dim3A_514 = vector.broadcast %broadcast_in_dim3A_513 : i32 to vector<16xi32>
        %select_n3A_515 = arith.select %and3A_512, %sub3A_505, %broadcast_in_dim3A_514 : vector<16xi1>, vector<16xi32>
        %swap3A_516 = arith.constant 112 : index
        %swap3A_517 = tpu.vector_load %arg14[%swap3A_516] {strides = array<i32>} : memref<128xi32, #tpu.memory_space<vmem>>, vector<16xi32>,
        %swap3A_518 = vector.shape_cast %swap3A_517 : vector<16xi32> to vector<16xi32>
        %swap3A_519 = vector.shape_cast %select_n3A_515 : vector<16xi32> to vector<16xi32>
        tpu.vector_store %arg14[%swap3A_516], %swap3A_519 {strides = array<i32>} : memref<128xi32, #tpu.memory_space<vmem>>, vector<16xi32>,
        %dma_start3A_520 = arith.constant 0 : i32
        %dma_start3A_521 = arith.constant 0 : i32
        %dma_start3A_522 = tpu.memref_slice %arg6[%dma_start3A_520, %dma_start3A_521] : memref<5008x128xf32, #tpu.memory_space<vmem_shared>> -> memref<5008x128xf32, #tpu.memory_space<vmem_shared>>
        tpu.enqueue_indirect_dma source(%arg10 : memref<128x128xf32, #tpu.memory_space<vmem>>) target(%dma_start3A_522 : memref<5008x128xf32, #tpu.memory_space<vmem_shared>>) offsets(%arg14 : memref<128xi32, #tpu.memory_space<vmem>>) semaphore(%arg25 : memref<!tpu.dma_semaphore, #tpu.memory_space<semaphore_mem>>) {add = true}
        %ge3A_523 = arith.constant 1 : i32
        %ge3A_524 = arith.cmpi sge, %add3A_354, %ge3A_523 : i32
        %convert_element_type3A_525 = arith.extui %ge3A_524 : i1 to i32
        %cond3A_526 = arith.constant 0 : i32
        %cond3A_527 = arith.cmpi ne, %convert_element_type3A_525, %cond3A_526 : i32
        scf.if %cond3A_527 {
          %dma_wait3A_534 = arith.constant 0 : i32
          %dma_wait3A_535 = arith.constant 0 : i32
          %dma_wait3A_536 = tpu.memref_slice %arg6[%dma_wait3A_534, %dma_wait3A_535] : memref<5008x128xf32, #tpu.memory_space<vmem_shared>> -> memref<5008x128xf32, #tpu.memory_space<vmem_shared>>
          tpu.wait_indirect_dma semaphore(%arg24 : memref<!tpu.dma_semaphore, #tpu.memory_space<semaphore_mem>>) src(%arg9 : memref<128x128xf32, #tpu.memory_space<vmem>>) dst(%dma_wait3A_536 : memref<5008x128xf32, #tpu.memory_space<vmem_shared>>)
        } else {
        }
        %add3A_528 = arith.constant 3 : i32
        %add3A_529 = arith.addi %add3A_354, %add3A_528 : i32
        %lt3A_530 = arith.cmpi slt, %add3A_529, %select_n3A_177 : i32
        %convert_element_type3A_531 = arith.extui %lt3A_530 : i1 to i32
        %cond3A_532 = arith.constant 0 : i32
        %cond3A_533 = arith.cmpi ne, %convert_element_type3A_531, %cond3A_532 : i32
        scf.if %cond3A_533 {
          %add3A_534 = arith.addi %select_n3A, %arg1 : i32
          %mul3A_535 = arith.constant 16 : i32
          %mul3A_536 = arith.muli %mul3A_535, %add3A_529 : i32
          %add3A_537 = arith.addi %add3A_534, %mul3A_536 : i32
          %mul3A_538 = arith.constant 128 : i32
          %mul3A_539 = arith.muli %add3A_537, %mul3A_538 : i32
          %dma_start3A_540 = arith.constant 0 : i32
          %dma_start3A_541 = tpu.memref_slice %arg2[%mul3A_539, %dma_start3A_540] : memref<320000x128xf32, #tpu.memory_space<hbm>> -> memref<128x128xf32, #tpu.memory_space<hbm>>
          %dma_start3A_542 = arith.constant 0 : i32
          %dma_start3A_543 = tpu.memref_slice %arg2[%mul3A_539, %dma_start3A_542] : memref<320000x128xf32, #tpu.memory_space<hbm>> -> memref<128x128xf32, #tpu.memory_space<hbm>>
          tpu.enqueue_dma source(%dma_start3A_543 : memref<128x128xf32, #tpu.memory_space<hbm>>) target(%arg9 : memref<128x128xf32, #tpu.memory_space<vmem>>) target_semaphore(%arg20 : memref<!tpu.dma_semaphore, #tpu.memory_space<semaphore_mem>>)
          %dma_start3A_544 = tpu.memref_slice %arg3[%mul3A_539] : memref<320000xi32, #tpu.memory_space<hbm>> -> memref<128xi32, #tpu.memory_space<hbm>>
          %dma_start3A_545 = tpu.memref_slice %arg3[%mul3A_539] : memref<320000xi32, #tpu.memory_space<hbm>> -> memref<128xi32, #tpu.memory_space<hbm>>
          tpu.enqueue_dma source(%dma_start3A_545 : memref<128xi32, #tpu.memory_space<hbm>>) target(%arg13 : memref<128xi32, #tpu.memory_space<vmem>>) target_semaphore(%arg20 : memref<!tpu.dma_semaphore, #tpu.memory_space<semaphore_mem>>)
        } else {
        }
      } else {
      }
    }
    %while3A_316 = arith.constant 1 : i32
    scf.for %while3A_333 = %while3A_314 to %while3A_310 step %while3A_316  : i32 {
      %mul3A_334 = arith.muli %while3A_333, %while3A : i32
      %add3A_335 = arith.addi %while3A_307, %mul3A_334 : i32
      %add3A_336 = arith.constant 0 : i32
      %add3A_337 = arith.addi %add3A_335, %add3A_336 : i32
      %lt3A = arith.cmpi slt, %add3A_337, %select_n3A_177 : i32
      %convert_element_type3A_338 = arith.extui %lt3A : i1 to i32
      %cond3A_339 = arith.constant 0 : i32
      %cond3A_340 = arith.cmpi ne, %convert_element_type3A_338, %cond3A_339 : i32
      scf.if %cond3A_340 {
        %dma_wait3A_359 = arith.constant 0 : i32
        %dma_wait3A_360 = arith.constant 0 : i32
        %dma_wait3A_361 = tpu.memref_slice %arg2[%dma_wait3A_359, %dma_wait3A_360] : memref<320000x128xf32, #tpu.memory_space<hbm>> -> memref<128x128xf32, #tpu.memory_space<hbm>>
        %dma_wait3A_362 = arith.constant 0 : i32
        %dma_wait3A_363 = arith.constant 0 : i32
        %dma_wait3A_364 = tpu.memref_slice %arg2[%dma_wait3A_362, %dma_wait3A_363] : memref<320000x128xf32, #tpu.memory_space<hbm>> -> memref<128x128xf32, #tpu.memory_space<hbm>>
        tpu.wait_dma2 semaphore(%arg18 : memref<!tpu.dma_semaphore, #tpu.memory_space<semaphore_mem>>) src(%dma_wait3A_364 : memref<128x128xf32, #tpu.memory_space<hbm>>) dst(%arg7 : memref<128x128xf32, #tpu.memory_space<vmem>>)
        %dma_wait3A_365 = arith.constant 0 : i32
        %dma_wait3A_366 = tpu.memref_slice %arg3[%dma_wait3A_365] : memref<320000xi32, #tpu.memory_space<hbm>> -> memref<128xi32, #tpu.memory_space<hbm>>
        %dma_wait3A_367 = arith.constant 0 : i32
        %dma_wait3A_368 = tpu.memref_slice %arg3[%dma_wait3A_367] : memref<320000xi32, #tpu.memory_space<hbm>> -> memref<128xi32, #tpu.memory_space<hbm>>
        tpu.wait_dma2 semaphore(%arg18 : memref<!tpu.dma_semaphore, #tpu.memory_space<semaphore_mem>>) src(%dma_wait3A_368 : memref<128xi32, #tpu.memory_space<hbm>>) dst(%arg11 : memref<128xi32, #tpu.memory_space<vmem>>)
        %get3A_369 = arith.constant 0 : index
        %get3A_370 = tpu.vector_load %arg11[%get3A_369] {strides = array<i32>} : memref<128xi32, #tpu.memory_space<vmem>>, vector<16xi32>,
        %get3A_371 = vector.shape_cast %get3A_370 : vector<16xi32> to vector<16xi32>
        %sub3A_372 = vector.broadcast %mul3A_179 : i32 to vector<16xi32>
        %sub3A_373 = arith.subi %get3A_371, %sub3A_372 : vector<16xi32>
        %ge3A = arith.constant 0 : i32
        %ge3A_374 = vector.broadcast %ge3A : i32 to vector<16xi32>
        %ge3A_375 = arith.cmpi sge, %sub3A_373, %ge3A_374 : vector<16xi32>
        %lt3A_376 = arith.constant 5000 : i32
        %lt3A_377 = vector.broadcast %lt3A_376 : i32 to vector<16xi32>
        %lt3A_378 = arith.cmpi slt, %sub3A_373, %lt3A_377 : vector<16xi32>
        %and3A_379 = arith.andi %ge3A_375, %lt3A_378 : vector<16xi1>
        %broadcast_in_dim3A_380 = arith.constant 5000 : i32
        %broadcast_in_dim3A_381 = vector.broadcast %broadcast_in_dim3A_380 : i32 to vector<16xi32>
        %select_n3A_382 = arith.select %and3A_379, %sub3A_373, %broadcast_in_dim3A_381 : vector<16xi1>, vector<16xi32>
        %swap3A_383 = arith.constant 0 : index
        %swap3A_384 = tpu.vector_load %arg11[%swap3A_383] {strides = array<i32>} : memref<128xi32, #tpu.memory_space<vmem>>, vector<16xi32>,
        %swap3A_385 = vector.shape_cast %swap3A_384 : vector<16xi32> to vector<16xi32>
        %swap3A_386 = vector.shape_cast %select_n3A_382 : vector<16xi32> to vector<16xi32>
        tpu.vector_store %arg11[%swap3A_383], %swap3A_386 {strides = array<i32>} : memref<128xi32, #tpu.memory_space<vmem>>, vector<16xi32>,
        %get3A_387 = arith.constant 16 : index
        %get3A_388 = tpu.vector_load %arg11[%get3A_387] {strides = array<i32>} : memref<128xi32, #tpu.memory_space<vmem>>, vector<16xi32>,
        %get3A_389 = vector.shape_cast %get3A_388 : vector<16xi32> to vector<16xi32>
        %sub3A_390 = vector.broadcast %mul3A_179 : i32 to vector<16xi32>
        %sub3A_391 = arith.subi %get3A_389, %sub3A_390 : vector<16xi32>
        %ge3A_392 = arith.constant 0 : i32
        %ge3A_393 = vector.broadcast %ge3A_392 : i32 to vector<16xi32>
        %ge3A_394 = arith.cmpi sge, %sub3A_391, %ge3A_393 : vector<16xi32>
        %lt3A_395 = arith.constant 5000 : i32
        %lt3A_396 = vector.broadcast %lt3A_395 : i32 to vector<16xi32>
        %lt3A_397 = arith.cmpi slt, %sub3A_391, %lt3A_396 : vector<16xi32>
        %and3A_398 = arith.andi %ge3A_394, %lt3A_397 : vector<16xi1>
        %broadcast_in_dim3A_399 = arith.constant 5000 : i32
        %broadcast_in_dim3A_400 = vector.broadcast %broadcast_in_dim3A_399 : i32 to vector<16xi32>
        %select_n3A_401 = arith.select %and3A_398, %sub3A_391, %broadcast_in_dim3A_400 : vector<16xi1>, vector<16xi32>
        %swap3A_402 = arith.constant 16 : index
        %swap3A_403 = tpu.vector_load %arg11[%swap3A_402] {strides = array<i32>} : memref<128xi32, #tpu.memory_space<vmem>>, vector<16xi32>,
        %swap3A_404 = vector.shape_cast %swap3A_403 : vector<16xi32> to vector<16xi32>
        %swap3A_405 = vector.shape_cast %select_n3A_401 : vector<16xi32> to vector<16xi32>
        tpu.vector_store %arg11[%swap3A_402], %swap3A_405 {strides = array<i32>} : memref<128xi32, #tpu.memory_space<vmem>>, vector<16xi32>,
        %get3A_406 = arith.constant 32 : index
        %get3A_407 = tpu.vector_load %arg11[%get3A_406] {strides = array<i32>} : memref<128xi32, #tpu.memory_space<vmem>>, vector<16xi32>,
        %get3A_408 = vector.shape_cast %get3A_407 : vector<16xi32> to vector<16xi32>
        %sub3A_409 = vector.broadcast %mul3A_179 : i32 to vector<16xi32>
        %sub3A_410 = arith.subi %get3A_408, %sub3A_409 : vector<16xi32>
        %ge3A_411 = arith.constant 0 : i32
        %ge3A_412 = vector.broadcast %ge3A_411 : i32 to vector<16xi32>
        %ge3A_413 = arith.cmpi sge, %sub3A_410, %ge3A_412 : vector<16xi32>
        %lt3A_414 = arith.constant 5000 : i32
        %lt3A_415 = vector.broadcast %lt3A_414 : i32 to vector<16xi32>
        %lt3A_416 = arith.cmpi slt, %sub3A_410, %lt3A_415 : vector<16xi32>
        %and3A_417 = arith.andi %ge3A_413, %lt3A_416 : vector<16xi1>
        %broadcast_in_dim3A_418 = arith.constant 5000 : i32
        %broadcast_in_dim3A_419 = vector.broadcast %broadcast_in_dim3A_418 : i32 to vector<16xi32>
        %select_n3A_420 = arith.select %and3A_417, %sub3A_410, %broadcast_in_dim3A_419 : vector<16xi1>, vector<16xi32>
        %swap3A_421 = arith.constant 32 : index
        %swap3A_422 = tpu.vector_load %arg11[%swap3A_421] {strides = array<i32>} : memref<128xi32, #tpu.memory_space<vmem>>, vector<16xi32>,
        %swap3A_423 = vector.shape_cast %swap3A_422 : vector<16xi32> to vector<16xi32>
        %swap3A_424 = vector.shape_cast %select_n3A_420 : vector<16xi32> to vector<16xi32>
        tpu.vector_store %arg11[%swap3A_421], %swap3A_424 {strides = array<i32>} : memref<128xi32, #tpu.memory_space<vmem>>, vector<16xi32>,
        %get3A_425 = arith.constant 48 : index
        %get3A_426 = tpu.vector_load %arg11[%get3A_425] {strides = array<i32>} : memref<128xi32, #tpu.memory_space<vmem>>, vector<16xi32>,
        %get3A_427 = vector.shape_cast %get3A_426 : vector<16xi32> to vector<16xi32>
        %sub3A_428 = vector.broadcast %mul3A_179 : i32 to vector<16xi32>
        %sub3A_429 = arith.subi %get3A_427, %sub3A_428 : vector<16xi32>
        %ge3A_430 = arith.constant 0 : i32
        %ge3A_431 = vector.broadcast %ge3A_430 : i32 to vector<16xi32>
        %ge3A_432 = arith.cmpi sge, %sub3A_429, %ge3A_431 : vector<16xi32>
        %lt3A_433 = arith.constant 5000 : i32
        %lt3A_434 = vector.broadcast %lt3A_433 : i32 to vector<16xi32>
        %lt3A_435 = arith.cmpi slt, %sub3A_429, %lt3A_434 : vector<16xi32>
        %and3A_436 = arith.andi %ge3A_432, %lt3A_435 : vector<16xi1>
        %broadcast_in_dim3A_437 = arith.constant 5000 : i32
        %broadcast_in_dim3A_438 = vector.broadcast %broadcast_in_dim3A_437 : i32 to vector<16xi32>
        %select_n3A_439 = arith.select %and3A_436, %sub3A_429, %broadcast_in_dim3A_438 : vector<16xi1>, vector<16xi32>
        %swap3A_440 = arith.constant 48 : index
        %swap3A_441 = tpu.vector_load %arg11[%swap3A_440] {strides = array<i32>} : memref<128xi32, #tpu.memory_space<vmem>>, vector<16xi32>,
        %swap3A_442 = vector.shape_cast %swap3A_441 : vector<16xi32> to vector<16xi32>
        %swap3A_443 = vector.shape_cast %select_n3A_439 : vector<16xi32> to vector<16xi32>
        tpu.vector_store %arg11[%swap3A_440], %swap3A_443 {strides = array<i32>} : memref<128xi32, #tpu.memory_space<vmem>>, vector<16xi32>,
        %get3A_444 = arith.constant 64 : index
        %get3A_445 = tpu.vector_load %arg11[%get3A_444] {strides = array<i32>} : memref<128xi32, #tpu.memory_space<vmem>>, vector<16xi32>,
        %get3A_446 = vector.shape_cast %get3A_445 : vector<16xi32> to vector<16xi32>
        %sub3A_447 = vector.broadcast %mul3A_179 : i32 to vector<16xi32>
        %sub3A_448 = arith.subi %get3A_446, %sub3A_447 : vector<16xi32>
        %ge3A_449 = arith.constant 0 : i32
        %ge3A_450 = vector.broadcast %ge3A_449 : i32 to vector<16xi32>
        %ge3A_451 = arith.cmpi sge, %sub3A_448, %ge3A_450 : vector<16xi32>
        %lt3A_452 = arith.constant 5000 : i32
        %lt3A_453 = vector.broadcast %lt3A_452 : i32 to vector<16xi32>
        %lt3A_454 = arith.cmpi slt, %sub3A_448, %lt3A_453 : vector<16xi32>
        %and3A_455 = arith.andi %ge3A_451, %lt3A_454 : vector<16xi1>
        %broadcast_in_dim3A_456 = arith.constant 5000 : i32
        %broadcast_in_dim3A_457 = vector.broadcast %broadcast_in_dim3A_456 : i32 to vector<16xi32>
        %select_n3A_458 = arith.select %and3A_455, %sub3A_448, %broadcast_in_dim3A_457 : vector<16xi1>, vector<16xi32>
        %swap3A_459 = arith.constant 64 : index
        %swap3A_460 = tpu.vector_load %arg11[%swap3A_459] {strides = array<i32>} : memref<128xi32, #tpu.memory_space<vmem>>, vector<16xi32>,
        %swap3A_461 = vector.shape_cast %swap3A_460 : vector<16xi32> to vector<16xi32>
        %swap3A_462 = vector.shape_cast %select_n3A_458 : vector<16xi32> to vector<16xi32>
        tpu.vector_store %arg11[%swap3A_459], %swap3A_462 {strides = array<i32>} : memref<128xi32, #tpu.memory_space<vmem>>, vector<16xi32>,
        %get3A_463 = arith.constant 80 : index
        %get3A_464 = tpu.vector_load %arg11[%get3A_463] {strides = array<i32>} : memref<128xi32, #tpu.memory_space<vmem>>, vector<16xi32>,
        %get3A_465 = vector.shape_cast %get3A_464 : vector<16xi32> to vector<16xi32>
        %sub3A_466 = vector.broadcast %mul3A_179 : i32 to vector<16xi32>
        %sub3A_467 = arith.subi %get3A_465, %sub3A_466 : vector<16xi32>
        %ge3A_468 = arith.constant 0 : i32
        %ge3A_469 = vector.broadcast %ge3A_468 : i32 to vector<16xi32>
        %ge3A_470 = arith.cmpi sge, %sub3A_467, %ge3A_469 : vector<16xi32>
        %lt3A_471 = arith.constant 5000 : i32
        %lt3A_472 = vector.broadcast %lt3A_471 : i32 to vector<16xi32>
        %lt3A_473 = arith.cmpi slt, %sub3A_467, %lt3A_472 : vector<16xi32>
        %and3A_474 = arith.andi %ge3A_470, %lt3A_473 : vector<16xi1>
        %broadcast_in_dim3A_475 = arith.constant 5000 : i32
        %broadcast_in_dim3A_476 = vector.broadcast %broadcast_in_dim3A_475 : i32 to vector<16xi32>
        %select_n3A_477 = arith.select %and3A_474, %sub3A_467, %broadcast_in_dim3A_476 : vector<16xi1>, vector<16xi32>
        %swap3A_478 = arith.constant 80 : index
        %swap3A_479 = tpu.vector_load %arg11[%swap3A_478] {strides = array<i32>} : memref<128xi32, #tpu.memory_space<vmem>>, vector<16xi32>,
        %swap3A_480 = vector.shape_cast %swap3A_479 : vector<16xi32> to vector<16xi32>
        %swap3A_481 = vector.shape_cast %select_n3A_477 : vector<16xi32> to vector<16xi32>
        tpu.vector_store %arg11[%swap3A_478], %swap3A_481 {strides = array<i32>} : memref<128xi32, #tpu.memory_space<vmem>>, vector<16xi32>,
        %get3A_482 = arith.constant 96 : index
        %get3A_483 = tpu.vector_load %arg11[%get3A_482] {strides = array<i32>} : memref<128xi32, #tpu.memory_space<vmem>>, vector<16xi32>,
        %get3A_484 = vector.shape_cast %get3A_483 : vector<16xi32> to vector<16xi32>
        %sub3A_485 = vector.broadcast %mul3A_179 : i32 to vector<16xi32>
        %sub3A_486 = arith.subi %get3A_484, %sub3A_485 : vector<16xi32>
        %ge3A_487 = arith.constant 0 : i32
        %ge3A_488 = vector.broadcast %ge3A_487 : i32 to vector<16xi32>
        %ge3A_489 = arith.cmpi sge, %sub3A_486, %ge3A_488 : vector<16xi32>
        %lt3A_490 = arith.constant 5000 : i32
        %lt3A_491 = vector.broadcast %lt3A_490 : i32 to vector<16xi32>
        %lt3A_492 = arith.cmpi slt, %sub3A_486, %lt3A_491 : vector<16xi32>
        %and3A_493 = arith.andi %ge3A_489, %lt3A_492 : vector<16xi1>
        %broadcast_in_dim3A_494 = arith.constant 5000 : i32
        %broadcast_in_dim3A_495 = vector.broadcast %broadcast_in_dim3A_494 : i32 to vector<16xi32>
        %select_n3A_496 = arith.select %and3A_493, %sub3A_486, %broadcast_in_dim3A_495 : vector<16xi1>, vector<16xi32>
        %swap3A_497 = arith.constant 96 : index
        %swap3A_498 = tpu.vector_load %arg11[%swap3A_497] {strides = array<i32>} : memref<128xi32, #tpu.memory_space<vmem>>, vector<16xi32>,
        %swap3A_499 = vector.shape_cast %swap3A_498 : vector<16xi32> to vector<16xi32>
        %swap3A_500 = vector.shape_cast %select_n3A_496 : vector<16xi32> to vector<16xi32>
        tpu.vector_store %arg11[%swap3A_497], %swap3A_500 {strides = array<i32>} : memref<128xi32, #tpu.memory_space<vmem>>, vector<16xi32>,
        %get3A_501 = arith.constant 112 : index
        %get3A_502 = tpu.vector_load %arg11[%get3A_501] {strides = array<i32>} : memref<128xi32, #tpu.memory_space<vmem>>, vector<16xi32>,
        %get3A_503 = vector.shape_cast %get3A_502 : vector<16xi32> to vector<16xi32>
        %sub3A_504 = vector.broadcast %mul3A_179 : i32 to vector<16xi32>
        %sub3A_505 = arith.subi %get3A_503, %sub3A_504 : vector<16xi32>
        %ge3A_506 = arith.constant 0 : i32
        %ge3A_507 = vector.broadcast %ge3A_506 : i32 to vector<16xi32>
        %ge3A_508 = arith.cmpi sge, %sub3A_505, %ge3A_507 : vector<16xi32>
        %lt3A_509 = arith.constant 5000 : i32
        %lt3A_510 = vector.broadcast %lt3A_509 : i32 to vector<16xi32>
        %lt3A_511 = arith.cmpi slt, %sub3A_505, %lt3A_510 : vector<16xi32>
        %and3A_512 = arith.andi %ge3A_508, %lt3A_511 : vector<16xi1>
        %broadcast_in_dim3A_513 = arith.constant 5000 : i32
        %broadcast_in_dim3A_514 = vector.broadcast %broadcast_in_dim3A_513 : i32 to vector<16xi32>
        %select_n3A_515 = arith.select %and3A_512, %sub3A_505, %broadcast_in_dim3A_514 : vector<16xi1>, vector<16xi32>
        %swap3A_516 = arith.constant 112 : index
        %swap3A_517 = tpu.vector_load %arg11[%swap3A_516] {strides = array<i32>} : memref<128xi32, #tpu.memory_space<vmem>>, vector<16xi32>,
        %swap3A_518 = vector.shape_cast %swap3A_517 : vector<16xi32> to vector<16xi32>
        %swap3A_519 = vector.shape_cast %select_n3A_515 : vector<16xi32> to vector<16xi32>
        tpu.vector_store %arg11[%swap3A_516], %swap3A_519 {strides = array<i32>} : memref<128xi32, #tpu.memory_space<vmem>>, vector<16xi32>,
        %dma_start3A_520 = arith.constant 0 : i32
        %dma_start3A_521 = arith.constant 0 : i32
        %dma_start3A_522 = tpu.memref_slice %arg6[%dma_start3A_520, %dma_start3A_521] : memref<5008x128xf32, #tpu.memory_space<vmem_shared>> -> memref<5008x128xf32, #tpu.memory_space<vmem_shared>>
        tpu.enqueue_indirect_dma source(%arg7 : memref<128x128xf32, #tpu.memory_space<vmem>>) target(%dma_start3A_522 : memref<5008x128xf32, #tpu.memory_space<vmem_shared>>) offsets(%arg11 : memref<128xi32, #tpu.memory_space<vmem>>) semaphore(%arg22 : memref<!tpu.dma_semaphore, #tpu.memory_space<semaphore_mem>>) {add = true}
        %ge3A_523 = arith.constant 1 : i32
        %ge3A_524 = arith.cmpi sge, %add3A_337, %ge3A_523 : i32
        %convert_element_type3A_525 = arith.extui %ge3A_524 : i1 to i32
        %cond3A_526 = arith.constant 0 : i32
        %cond3A_527 = arith.cmpi ne, %convert_element_type3A_525, %cond3A_526 : i32
        scf.if %cond3A_527 {
          %dma_wait3A_534 = arith.constant 0 : i32
          %dma_wait3A_535 = arith.constant 0 : i32
          %dma_wait3A_536 = tpu.memref_slice %arg6[%dma_wait3A_534, %dma_wait3A_535] : memref<5008x128xf32, #tpu.memory_space<vmem_shared>> -> memref<5008x128xf32, #tpu.memory_space<vmem_shared>>
          tpu.wait_indirect_dma semaphore(%arg25 : memref<!tpu.dma_semaphore, #tpu.memory_space<semaphore_mem>>) src(%arg10 : memref<128x128xf32, #tpu.memory_space<vmem>>) dst(%dma_wait3A_536 : memref<5008x128xf32, #tpu.memory_space<vmem_shared>>)
        } else {
        }
        %add3A_528 = arith.constant 3 : i32
        %add3A_529 = arith.addi %add3A_337, %add3A_528 : i32
        %lt3A_530 = arith.cmpi slt, %add3A_529, %select_n3A_177 : i32
        %convert_element_type3A_531 = arith.extui %lt3A_530 : i1 to i32
        %cond3A_532 = arith.constant 0 : i32
        %cond3A_533 = arith.cmpi ne, %convert_element_type3A_531, %cond3A_532 : i32
        scf.if %cond3A_533 {
          %add3A_534 = arith.addi %select_n3A, %arg1 : i32
          %mul3A_535 = arith.constant 16 : i32
          %mul3A_536 = arith.muli %mul3A_535, %add3A_529 : i32
          %add3A_537 = arith.addi %add3A_534, %mul3A_536 : i32
          %mul3A_538 = arith.constant 128 : i32
          %mul3A_539 = arith.muli %add3A_537, %mul3A_538 : i32
          %dma_start3A_540 = arith.constant 0 : i32
          %dma_start3A_541 = tpu.memref_slice %arg2[%mul3A_539, %dma_start3A_540] : memref<320000x128xf32, #tpu.memory_space<hbm>> -> memref<128x128xf32, #tpu.memory_space<hbm>>
          %dma_start3A_542 = arith.constant 0 : i32
          %dma_start3A_543 = tpu.memref_slice %arg2[%mul3A_539, %dma_start3A_542] : memref<320000x128xf32, #tpu.memory_space<hbm>> -> memref<128x128xf32, #tpu.memory_space<hbm>>
          tpu.enqueue_dma source(%dma_start3A_543 : memref<128x128xf32, #tpu.memory_space<hbm>>) target(%arg10 : memref<128x128xf32, #tpu.memory_space<vmem>>) target_semaphore(%arg21 : memref<!tpu.dma_semaphore, #tpu.memory_space<semaphore_mem>>)
          %dma_start3A_544 = tpu.memref_slice %arg3[%mul3A_539] : memref<320000xi32, #tpu.memory_space<hbm>> -> memref<128xi32, #tpu.memory_space<hbm>>
          %dma_start3A_545 = tpu.memref_slice %arg3[%mul3A_539] : memref<320000xi32, #tpu.memory_space<hbm>> -> memref<128xi32, #tpu.memory_space<hbm>>
          tpu.enqueue_dma source(%dma_start3A_545 : memref<128xi32, #tpu.memory_space<hbm>>) target(%arg14 : memref<128xi32, #tpu.memory_space<vmem>>) target_semaphore(%arg21 : memref<!tpu.dma_semaphore, #tpu.memory_space<semaphore_mem>>)
        } else {
        }
      } else {
      }
      %add3A_341 = arith.constant 1 : i32
      %add3A_342 = arith.addi %add3A_335, %add3A_341 : i32
      %lt3A_343 = arith.cmpi slt, %add3A_342, %select_n3A_177 : i32
      %convert_element_type3A_344 = arith.extui %lt3A_343 : i1 to i32
      %cond3A_345 = arith.constant 0 : i32
      %cond3A_346 = arith.cmpi ne, %convert_element_type3A_344, %cond3A_345 : i32
      scf.if %cond3A_346 {
        %dma_wait3A_359 = arith.constant 0 : i32
        %dma_wait3A_360 = arith.constant 0 : i32
        %dma_wait3A_361 = tpu.memref_slice %arg2[%dma_wait3A_359, %dma_wait3A_360] : memref<320000x128xf32, #tpu.memory_space<hbm>> -> memref<128x128xf32, #tpu.memory_space<hbm>>
        %dma_wait3A_362 = arith.constant 0 : i32
        %dma_wait3A_363 = arith.constant 0 : i32
        %dma_wait3A_364 = tpu.memref_slice %arg2[%dma_wait3A_362, %dma_wait3A_363] : memref<320000x128xf32, #tpu.memory_space<hbm>> -> memref<128x128xf32, #tpu.memory_space<hbm>>
        tpu.wait_dma2 semaphore(%arg19 : memref<!tpu.dma_semaphore, #tpu.memory_space<semaphore_mem>>) src(%dma_wait3A_364 : memref<128x128xf32, #tpu.memory_space<hbm>>) dst(%arg8 : memref<128x128xf32, #tpu.memory_space<vmem>>)
        %dma_wait3A_365 = arith.constant 0 : i32
        %dma_wait3A_366 = tpu.memref_slice %arg3[%dma_wait3A_365] : memref<320000xi32, #tpu.memory_space<hbm>> -> memref<128xi32, #tpu.memory_space<hbm>>
        %dma_wait3A_367 = arith.constant 0 : i32
        %dma_wait3A_368 = tpu.memref_slice %arg3[%dma_wait3A_367] : memref<320000xi32, #tpu.memory_space<hbm>> -> memref<128xi32, #tpu.memory_space<hbm>>
        tpu.wait_dma2 semaphore(%arg19 : memref<!tpu.dma_semaphore, #tpu.memory_space<semaphore_mem>>) src(%dma_wait3A_368 : memref<128xi32, #tpu.memory_space<hbm>>) dst(%arg12 : memref<128xi32, #tpu.memory_space<vmem>>)
        %get3A_369 = arith.constant 0 : index
        %get3A_370 = tpu.vector_load %arg12[%get3A_369] {strides = array<i32>} : memref<128xi32, #tpu.memory_space<vmem>>, vector<16xi32>,
        %get3A_371 = vector.shape_cast %get3A_370 : vector<16xi32> to vector<16xi32>
        %sub3A_372 = vector.broadcast %mul3A_179 : i32 to vector<16xi32>
        %sub3A_373 = arith.subi %get3A_371, %sub3A_372 : vector<16xi32>
        %ge3A = arith.constant 0 : i32
        %ge3A_374 = vector.broadcast %ge3A : i32 to vector<16xi32>
        %ge3A_375 = arith.cmpi sge, %sub3A_373, %ge3A_374 : vector<16xi32>
        %lt3A_376 = arith.constant 5000 : i32
        %lt3A_377 = vector.broadcast %lt3A_376 : i32 to vector<16xi32>
        %lt3A_378 = arith.cmpi slt, %sub3A_373, %lt3A_377 : vector<16xi32>
        %and3A_379 = arith.andi %ge3A_375, %lt3A_378 : vector<16xi1>
        %broadcast_in_dim3A_380 = arith.constant 5000 : i32
        %broadcast_in_dim3A_381 = vector.broadcast %broadcast_in_dim3A_380 : i32 to vector<16xi32>
        %select_n3A_382 = arith.select %and3A_379, %sub3A_373, %broadcast_in_dim3A_381 : vector<16xi1>, vector<16xi32>
        %swap3A_383 = arith.constant 0 : index
        %swap3A_384 = tpu.vector_load %arg12[%swap3A_383] {strides = array<i32>} : memref<128xi32, #tpu.memory_space<vmem>>, vector<16xi32>,
        %swap3A_385 = vector.shape_cast %swap3A_384 : vector<16xi32> to vector<16xi32>
        %swap3A_386 = vector.shape_cast %select_n3A_382 : vector<16xi32> to vector<16xi32>
        tpu.vector_store %arg12[%swap3A_383], %swap3A_386 {strides = array<i32>} : memref<128xi32, #tpu.memory_space<vmem>>, vector<16xi32>,
        %get3A_387 = arith.constant 16 : index
        %get3A_388 = tpu.vector_load %arg12[%get3A_387] {strides = array<i32>} : memref<128xi32, #tpu.memory_space<vmem>>, vector<16xi32>,
        %get3A_389 = vector.shape_cast %get3A_388 : vector<16xi32> to vector<16xi32>
        %sub3A_390 = vector.broadcast %mul3A_179 : i32 to vector<16xi32>
        %sub3A_391 = arith.subi %get3A_389, %sub3A_390 : vector<16xi32>
        %ge3A_392 = arith.constant 0 : i32
        %ge3A_393 = vector.broadcast %ge3A_392 : i32 to vector<16xi32>
        %ge3A_394 = arith.cmpi sge, %sub3A_391, %ge3A_393 : vector<16xi32>
        %lt3A_395 = arith.constant 5000 : i32
        %lt3A_396 = vector.broadcast %lt3A_395 : i32 to vector<16xi32>
        %lt3A_397 = arith.cmpi slt, %sub3A_391, %lt3A_396 : vector<16xi32>
        %and3A_398 = arith.andi %ge3A_394, %lt3A_397 : vector<16xi1>
        %broadcast_in_dim3A_399 = arith.constant 5000 : i32
        %broadcast_in_dim3A_400 = vector.broadcast %broadcast_in_dim3A_399 : i32 to vector<16xi32>
        %select_n3A_401 = arith.select %and3A_398, %sub3A_391, %broadcast_in_dim3A_400 : vector<16xi1>, vector<16xi32>
        %swap3A_402 = arith.constant 16 : index
        %swap3A_403 = tpu.vector_load %arg12[%swap3A_402] {strides = array<i32>} : memref<128xi32, #tpu.memory_space<vmem>>, vector<16xi32>,
        %swap3A_404 = vector.shape_cast %swap3A_403 : vector<16xi32> to vector<16xi32>
        %swap3A_405 = vector.shape_cast %select_n3A_401 : vector<16xi32> to vector<16xi32>
        tpu.vector_store %arg12[%swap3A_402], %swap3A_405 {strides = array<i32>} : memref<128xi32, #tpu.memory_space<vmem>>, vector<16xi32>,
        %get3A_406 = arith.constant 32 : index
        %get3A_407 = tpu.vector_load %arg12[%get3A_406] {strides = array<i32>} : memref<128xi32, #tpu.memory_space<vmem>>, vector<16xi32>,
        %get3A_408 = vector.shape_cast %get3A_407 : vector<16xi32> to vector<16xi32>
        %sub3A_409 = vector.broadcast %mul3A_179 : i32 to vector<16xi32>
        %sub3A_410 = arith.subi %get3A_408, %sub3A_409 : vector<16xi32>
        %ge3A_411 = arith.constant 0 : i32
        %ge3A_412 = vector.broadcast %ge3A_411 : i32 to vector<16xi32>
        %ge3A_413 = arith.cmpi sge, %sub3A_410, %ge3A_412 : vector<16xi32>
        %lt3A_414 = arith.constant 5000 : i32
        %lt3A_415 = vector.broadcast %lt3A_414 : i32 to vector<16xi32>
        %lt3A_416 = arith.cmpi slt, %sub3A_410, %lt3A_415 : vector<16xi32>
        %and3A_417 = arith.andi %ge3A_413, %lt3A_416 : vector<16xi1>
        %broadcast_in_dim3A_418 = arith.constant 5000 : i32
        %broadcast_in_dim3A_419 = vector.broadcast %broadcast_in_dim3A_418 : i32 to vector<16xi32>
        %select_n3A_420 = arith.select %and3A_417, %sub3A_410, %broadcast_in_dim3A_419 : vector<16xi1>, vector<16xi32>
        %swap3A_421 = arith.constant 32 : index
        %swap3A_422 = tpu.vector_load %arg12[%swap3A_421] {strides = array<i32>} : memref<128xi32, #tpu.memory_space<vmem>>, vector<16xi32>,
        %swap3A_423 = vector.shape_cast %swap3A_422 : vector<16xi32> to vector<16xi32>
        %swap3A_424 = vector.shape_cast %select_n3A_420 : vector<16xi32> to vector<16xi32>
        tpu.vector_store %arg12[%swap3A_421], %swap3A_424 {strides = array<i32>} : memref<128xi32, #tpu.memory_space<vmem>>, vector<16xi32>,
        %get3A_425 = arith.constant 48 : index
        %get3A_426 = tpu.vector_load %arg12[%get3A_425] {strides = array<i32>} : memref<128xi32, #tpu.memory_space<vmem>>, vector<16xi32>,
        %get3A_427 = vector.shape_cast %get3A_426 : vector<16xi32> to vector<16xi32>
        %sub3A_428 = vector.broadcast %mul3A_179 : i32 to vector<16xi32>
        %sub3A_429 = arith.subi %get3A_427, %sub3A_428 : vector<16xi32>
        %ge3A_430 = arith.constant 0 : i32
        %ge3A_431 = vector.broadcast %ge3A_430 : i32 to vector<16xi32>
        %ge3A_432 = arith.cmpi sge, %sub3A_429, %ge3A_431 : vector<16xi32>
        %lt3A_433 = arith.constant 5000 : i32
        %lt3A_434 = vector.broadcast %lt3A_433 : i32 to vector<16xi32>
        %lt3A_435 = arith.cmpi slt, %sub3A_429, %lt3A_434 : vector<16xi32>
        %and3A_436 = arith.andi %ge3A_432, %lt3A_435 : vector<16xi1>
        %broadcast_in_dim3A_437 = arith.constant 5000 : i32
        %broadcast_in_dim3A_438 = vector.broadcast %broadcast_in_dim3A_437 : i32 to vector<16xi32>
        %select_n3A_439 = arith.select %and3A_436, %sub3A_429, %broadcast_in_dim3A_438 : vector<16xi1>, vector<16xi32>
        %swap3A_440 = arith.constant 48 : index
        %swap3A_441 = tpu.vector_load %arg12[%swap3A_440] {strides = array<i32>} : memref<128xi32, #tpu.memory_space<vmem>>, vector<16xi32>,
        %swap3A_442 = vector.shape_cast %swap3A_441 : vector<16xi32> to vector<16xi32>
        %swap3A_443 = vector.shape_cast %select_n3A_439 : vector<16xi32> to vector<16xi32>
        tpu.vector_store %arg12[%swap3A_440], %swap3A_443 {strides = array<i32>} : memref<128xi32, #tpu.memory_space<vmem>>, vector<16xi32>,
        %get3A_444 = arith.constant 64 : index
        %get3A_445 = tpu.vector_load %arg12[%get3A_444] {strides = array<i32>} : memref<128xi32, #tpu.memory_space<vmem>>, vector<16xi32>,
        %get3A_446 = vector.shape_cast %get3A_445 : vector<16xi32> to vector<16xi32>
        %sub3A_447 = vector.broadcast %mul3A_179 : i32 to vector<16xi32>
        %sub3A_448 = arith.subi %get3A_446, %sub3A_447 : vector<16xi32>
        %ge3A_449 = arith.constant 0 : i32
        %ge3A_450 = vector.broadcast %ge3A_449 : i32 to vector<16xi32>
        %ge3A_451 = arith.cmpi sge, %sub3A_448, %ge3A_450 : vector<16xi32>
        %lt3A_452 = arith.constant 5000 : i32
        %lt3A_453 = vector.broadcast %lt3A_452 : i32 to vector<16xi32>
        %lt3A_454 = arith.cmpi slt, %sub3A_448, %lt3A_453 : vector<16xi32>
        %and3A_455 = arith.andi %ge3A_451, %lt3A_454 : vector<16xi1>
        %broadcast_in_dim3A_456 = arith.constant 5000 : i32
        %broadcast_in_dim3A_457 = vector.broadcast %broadcast_in_dim3A_456 : i32 to vector<16xi32>
        %select_n3A_458 = arith.select %and3A_455, %sub3A_448, %broadcast_in_dim3A_457 : vector<16xi1>, vector<16xi32>
        %swap3A_459 = arith.constant 64 : index
        %swap3A_460 = tpu.vector_load %arg12[%swap3A_459] {strides = array<i32>} : memref<128xi32, #tpu.memory_space<vmem>>, vector<16xi32>,
        %swap3A_461 = vector.shape_cast %swap3A_460 : vector<16xi32> to vector<16xi32>
        %swap3A_462 = vector.shape_cast %select_n3A_458 : vector<16xi32> to vector<16xi32>
        tpu.vector_store %arg12[%swap3A_459], %swap3A_462 {strides = array<i32>} : memref<128xi32, #tpu.memory_space<vmem>>, vector<16xi32>,
        %get3A_463 = arith.constant 80 : index
        %get3A_464 = tpu.vector_load %arg12[%get3A_463] {strides = array<i32>} : memref<128xi32, #tpu.memory_space<vmem>>, vector<16xi32>,
        %get3A_465 = vector.shape_cast %get3A_464 : vector<16xi32> to vector<16xi32>
        %sub3A_466 = vector.broadcast %mul3A_179 : i32 to vector<16xi32>
        %sub3A_467 = arith.subi %get3A_465, %sub3A_466 : vector<16xi32>
        %ge3A_468 = arith.constant 0 : i32
        %ge3A_469 = vector.broadcast %ge3A_468 : i32 to vector<16xi32>
        %ge3A_470 = arith.cmpi sge, %sub3A_467, %ge3A_469 : vector<16xi32>
        %lt3A_471 = arith.constant 5000 : i32
        %lt3A_472 = vector.broadcast %lt3A_471 : i32 to vector<16xi32>
        %lt3A_473 = arith.cmpi slt, %sub3A_467, %lt3A_472 : vector<16xi32>
        %and3A_474 = arith.andi %ge3A_470, %lt3A_473 : vector<16xi1>
        %broadcast_in_dim3A_475 = arith.constant 5000 : i32
        %broadcast_in_dim3A_476 = vector.broadcast %broadcast_in_dim3A_475 : i32 to vector<16xi32>
        %select_n3A_477 = arith.select %and3A_474, %sub3A_467, %broadcast_in_dim3A_476 : vector<16xi1>, vector<16xi32>
        %swap3A_478 = arith.constant 80 : index
        %swap3A_479 = tpu.vector_load %arg12[%swap3A_478] {strides = array<i32>} : memref<128xi32, #tpu.memory_space<vmem>>, vector<16xi32>,
        %swap3A_480 = vector.shape_cast %swap3A_479 : vector<16xi32> to vector<16xi32>
        %swap3A_481 = vector.shape_cast %select_n3A_477 : vector<16xi32> to vector<16xi32>
        tpu.vector_store %arg12[%swap3A_478], %swap3A_481 {strides = array<i32>} : memref<128xi32, #tpu.memory_space<vmem>>, vector<16xi32>,
        %get3A_482 = arith.constant 96 : index
        %get3A_483 = tpu.vector_load %arg12[%get3A_482] {strides = array<i32>} : memref<128xi32, #tpu.memory_space<vmem>>, vector<16xi32>,
        %get3A_484 = vector.shape_cast %get3A_483 : vector<16xi32> to vector<16xi32>
        %sub3A_485 = vector.broadcast %mul3A_179 : i32 to vector<16xi32>
        %sub3A_486 = arith.subi %get3A_484, %sub3A_485 : vector<16xi32>
        %ge3A_487 = arith.constant 0 : i32
        %ge3A_488 = vector.broadcast %ge3A_487 : i32 to vector<16xi32>
        %ge3A_489 = arith.cmpi sge, %sub3A_486, %ge3A_488 : vector<16xi32>
        %lt3A_490 = arith.constant 5000 : i32
        %lt3A_491 = vector.broadcast %lt3A_490 : i32 to vector<16xi32>
        %lt3A_492 = arith.cmpi slt, %sub3A_486, %lt3A_491 : vector<16xi32>
        %and3A_493 = arith.andi %ge3A_489, %lt3A_492 : vector<16xi1>
        %broadcast_in_dim3A_494 = arith.constant 5000 : i32
        %broadcast_in_dim3A_495 = vector.broadcast %broadcast_in_dim3A_494 : i32 to vector<16xi32>
        %select_n3A_496 = arith.select %and3A_493, %sub3A_486, %broadcast_in_dim3A_495 : vector<16xi1>, vector<16xi32>
        %swap3A_497 = arith.constant 96 : index
        %swap3A_498 = tpu.vector_load %arg12[%swap3A_497] {strides = array<i32>} : memref<128xi32, #tpu.memory_space<vmem>>, vector<16xi32>,
        %swap3A_499 = vector.shape_cast %swap3A_498 : vector<16xi32> to vector<16xi32>
        %swap3A_500 = vector.shape_cast %select_n3A_496 : vector<16xi32> to vector<16xi32>
        tpu.vector_store %arg12[%swap3A_497], %swap3A_500 {strides = array<i32>} : memref<128xi32, #tpu.memory_space<vmem>>, vector<16xi32>,
        %get3A_501 = arith.constant 112 : index
        %get3A_502 = tpu.vector_load %arg12[%get3A_501] {strides = array<i32>} : memref<128xi32, #tpu.memory_space<vmem>>, vector<16xi32>,
        %get3A_503 = vector.shape_cast %get3A_502 : vector<16xi32> to vector<16xi32>
        %sub3A_504 = vector.broadcast %mul3A_179 : i32 to vector<16xi32>
        %sub3A_505 = arith.subi %get3A_503, %sub3A_504 : vector<16xi32>
        %ge3A_506 = arith.constant 0 : i32
        %ge3A_507 = vector.broadcast %ge3A_506 : i32 to vector<16xi32>
        %ge3A_508 = arith.cmpi sge, %sub3A_505, %ge3A_507 : vector<16xi32>
        %lt3A_509 = arith.constant 5000 : i32
        %lt3A_510 = vector.broadcast %lt3A_509 : i32 to vector<16xi32>
        %lt3A_511 = arith.cmpi slt, %sub3A_505, %lt3A_510 : vector<16xi32>
        %and3A_512 = arith.andi %ge3A_508, %lt3A_511 : vector<16xi1>
        %broadcast_in_dim3A_513 = arith.constant 5000 : i32
        %broadcast_in_dim3A_514 = vector.broadcast %broadcast_in_dim3A_513 : i32 to vector<16xi32>
        %select_n3A_515 = arith.select %and3A_512, %sub3A_505, %broadcast_in_dim3A_514 : vector<16xi1>, vector<16xi32>
        %swap3A_516 = arith.constant 112 : index
        %swap3A_517 = tpu.vector_load %arg12[%swap3A_516] {strides = array<i32>} : memref<128xi32, #tpu.memory_space<vmem>>, vector<16xi32>,
        %swap3A_518 = vector.shape_cast %swap3A_517 : vector<16xi32> to vector<16xi32>
        %swap3A_519 = vector.shape_cast %select_n3A_515 : vector<16xi32> to vector<16xi32>
        tpu.vector_store %arg12[%swap3A_516], %swap3A_519 {strides = array<i32>} : memref<128xi32, #tpu.memory_space<vmem>>, vector<16xi32>,
        %dma_start3A_520 = arith.constant 0 : i32
        %dma_start3A_521 = arith.constant 0 : i32
        %dma_start3A_522 = tpu.memref_slice %arg6[%dma_start3A_520, %dma_start3A_521] : memref<5008x128xf32, #tpu.memory_space<vmem_shared>> -> memref<5008x128xf32, #tpu.memory_space<vmem_shared>>
        tpu.enqueue_indirect_dma source(%arg8 : memref<128x128xf32, #tpu.memory_space<vmem>>) target(%dma_start3A_522 : memref<5008x128xf32, #tpu.memory_space<vmem_shared>>) offsets(%arg12 : memref<128xi32, #tpu.memory_space<vmem>>) semaphore(%arg23 : memref<!tpu.dma_semaphore, #tpu.memory_space<semaphore_mem>>) {add = true}
        %ge3A_523 = arith.constant 1 : i32
        %ge3A_524 = arith.cmpi sge, %add3A_342, %ge3A_523 : i32
        %convert_element_type3A_525 = arith.extui %ge3A_524 : i1 to i32
        %cond3A_526 = arith.constant 0 : i32
        %cond3A_527 = arith.cmpi ne, %convert_element_type3A_525, %cond3A_526 : i32
        scf.if %cond3A_527 {
          %dma_wait3A_534 = arith.constant 0 : i32
          %dma_wait3A_535 = arith.constant 0 : i32
          %dma_wait3A_536 = tpu.memref_slice %arg6[%dma_wait3A_534, %dma_wait3A_535] : memref<5008x128xf32, #tpu.memory_space<vmem_shared>> -> memref<5008x128xf32, #tpu.memory_space<vmem_shared>>
          tpu.wait_indirect_dma semaphore(%arg22 : memref<!tpu.dma_semaphore, #tpu.memory_space<semaphore_mem>>) src(%arg7 : memref<128x128xf32, #tpu.memory_space<vmem>>) dst(%dma_wait3A_536 : memref<5008x128xf32, #tpu.memory_space<vmem_shared>>)
        } else {
        }
        %add3A_528 = arith.constant 3 : i32
        %add3A_529 = arith.addi %add3A_342, %add3A_528 : i32
        %lt3A_530 = arith.cmpi slt, %add3A_529, %select_n3A_177 : i32
        %convert_element_type3A_531 = arith.extui %lt3A_530 : i1 to i32
        %cond3A_532 = arith.constant 0 : i32
        %cond3A_533 = arith.cmpi ne, %convert_element_type3A_531, %cond3A_532 : i32
        scf.if %cond3A_533 {
          %add3A_534 = arith.addi %select_n3A, %arg1 : i32
          %mul3A_535 = arith.constant 16 : i32
          %mul3A_536 = arith.muli %mul3A_535, %add3A_529 : i32
          %add3A_537 = arith.addi %add3A_534, %mul3A_536 : i32
          %mul3A_538 = arith.constant 128 : i32
          %mul3A_539 = arith.muli %add3A_537, %mul3A_538 : i32
          %dma_start3A_540 = arith.constant 0 : i32
          %dma_start3A_541 = tpu.memref_slice %arg2[%mul3A_539, %dma_start3A_540] : memref<320000x128xf32, #tpu.memory_space<hbm>> -> memref<128x128xf32, #tpu.memory_space<hbm>>
          %dma_start3A_542 = arith.constant 0 : i32
          %dma_start3A_543 = tpu.memref_slice %arg2[%mul3A_539, %dma_start3A_542] : memref<320000x128xf32, #tpu.memory_space<hbm>> -> memref<128x128xf32, #tpu.memory_space<hbm>>
          tpu.enqueue_dma source(%dma_start3A_543 : memref<128x128xf32, #tpu.memory_space<hbm>>) target(%arg7 : memref<128x128xf32, #tpu.memory_space<vmem>>) target_semaphore(%arg18 : memref<!tpu.dma_semaphore, #tpu.memory_space<semaphore_mem>>)
          %dma_start3A_544 = tpu.memref_slice %arg3[%mul3A_539] : memref<320000xi32, #tpu.memory_space<hbm>> -> memref<128xi32, #tpu.memory_space<hbm>>
          %dma_start3A_545 = tpu.memref_slice %arg3[%mul3A_539] : memref<320000xi32, #tpu.memory_space<hbm>> -> memref<128xi32, #tpu.memory_space<hbm>>
          tpu.enqueue_dma source(%dma_start3A_545 : memref<128xi32, #tpu.memory_space<hbm>>) target(%arg11 : memref<128xi32, #tpu.memory_space<vmem>>) target_semaphore(%arg18 : memref<!tpu.dma_semaphore, #tpu.memory_space<semaphore_mem>>)
        } else {
        }
      } else {
      }
      %add3A_347 = arith.constant 2 : i32
      %add3A_348 = arith.addi %add3A_335, %add3A_347 : i32
      %lt3A_349 = arith.cmpi slt, %add3A_348, %select_n3A_177 : i32
      %convert_element_type3A_350 = arith.extui %lt3A_349 : i1 to i32
      %cond3A_351 = arith.constant 0 : i32
      %cond3A_352 = arith.cmpi ne, %convert_element_type3A_350, %cond3A_351 : i32
      scf.if %cond3A_352 {
        %dma_wait3A_359 = arith.constant 0 : i32
        %dma_wait3A_360 = arith.constant 0 : i32
        %dma_wait3A_361 = tpu.memref_slice %arg2[%dma_wait3A_359, %dma_wait3A_360] : memref<320000x128xf32, #tpu.memory_space<hbm>> -> memref<128x128xf32, #tpu.memory_space<hbm>>
        %dma_wait3A_362 = arith.constant 0 : i32
        %dma_wait3A_363 = arith.constant 0 : i32
        %dma_wait3A_364 = tpu.memref_slice %arg2[%dma_wait3A_362, %dma_wait3A_363] : memref<320000x128xf32, #tpu.memory_space<hbm>> -> memref<128x128xf32, #tpu.memory_space<hbm>>
        tpu.wait_dma2 semaphore(%arg20 : memref<!tpu.dma_semaphore, #tpu.memory_space<semaphore_mem>>) src(%dma_wait3A_364 : memref<128x128xf32, #tpu.memory_space<hbm>>) dst(%arg9 : memref<128x128xf32, #tpu.memory_space<vmem>>)
        %dma_wait3A_365 = arith.constant 0 : i32
        %dma_wait3A_366 = tpu.memref_slice %arg3[%dma_wait3A_365] : memref<320000xi32, #tpu.memory_space<hbm>> -> memref<128xi32, #tpu.memory_space<hbm>>
        %dma_wait3A_367 = arith.constant 0 : i32
        %dma_wait3A_368 = tpu.memref_slice %arg3[%dma_wait3A_367] : memref<320000xi32, #tpu.memory_space<hbm>> -> memref<128xi32, #tpu.memory_space<hbm>>
        tpu.wait_dma2 semaphore(%arg20 : memref<!tpu.dma_semaphore, #tpu.memory_space<semaphore_mem>>) src(%dma_wait3A_368 : memref<128xi32, #tpu.memory_space<hbm>>) dst(%arg13 : memref<128xi32, #tpu.memory_space<vmem>>)
        %get3A_369 = arith.constant 0 : index
        %get3A_370 = tpu.vector_load %arg13[%get3A_369] {strides = array<i32>} : memref<128xi32, #tpu.memory_space<vmem>>, vector<16xi32>,
        %get3A_371 = vector.shape_cast %get3A_370 : vector<16xi32> to vector<16xi32>
        %sub3A_372 = vector.broadcast %mul3A_179 : i32 to vector<16xi32>
        %sub3A_373 = arith.subi %get3A_371, %sub3A_372 : vector<16xi32>
        %ge3A = arith.constant 0 : i32
        %ge3A_374 = vector.broadcast %ge3A : i32 to vector<16xi32>
        %ge3A_375 = arith.cmpi sge, %sub3A_373, %ge3A_374 : vector<16xi32>
        %lt3A_376 = arith.constant 5000 : i32
        %lt3A_377 = vector.broadcast %lt3A_376 : i32 to vector<16xi32>
        %lt3A_378 = arith.cmpi slt, %sub3A_373, %lt3A_377 : vector<16xi32>
        %and3A_379 = arith.andi %ge3A_375, %lt3A_378 : vector<16xi1>
        %broadcast_in_dim3A_380 = arith.constant 5000 : i32
        %broadcast_in_dim3A_381 = vector.broadcast %broadcast_in_dim3A_380 : i32 to vector<16xi32>
        %select_n3A_382 = arith.select %and3A_379, %sub3A_373, %broadcast_in_dim3A_381 : vector<16xi1>, vector<16xi32>
        %swap3A_383 = arith.constant 0 : index
        %swap3A_384 = tpu.vector_load %arg13[%swap3A_383] {strides = array<i32>} : memref<128xi32, #tpu.memory_space<vmem>>, vector<16xi32>,
        %swap3A_385 = vector.shape_cast %swap3A_384 : vector<16xi32> to vector<16xi32>
        %swap3A_386 = vector.shape_cast %select_n3A_382 : vector<16xi32> to vector<16xi32>
        tpu.vector_store %arg13[%swap3A_383], %swap3A_386 {strides = array<i32>} : memref<128xi32, #tpu.memory_space<vmem>>, vector<16xi32>,
        %get3A_387 = arith.constant 16 : index
        %get3A_388 = tpu.vector_load %arg13[%get3A_387] {strides = array<i32>} : memref<128xi32, #tpu.memory_space<vmem>>, vector<16xi32>,
        %get3A_389 = vector.shape_cast %get3A_388 : vector<16xi32> to vector<16xi32>
        %sub3A_390 = vector.broadcast %mul3A_179 : i32 to vector<16xi32>
        %sub3A_391 = arith.subi %get3A_389, %sub3A_390 : vector<16xi32>
        %ge3A_392 = arith.constant 0 : i32
        %ge3A_393 = vector.broadcast %ge3A_392 : i32 to vector<16xi32>
        %ge3A_394 = arith.cmpi sge, %sub3A_391, %ge3A_393 : vector<16xi32>
        %lt3A_395 = arith.constant 5000 : i32
        %lt3A_396 = vector.broadcast %lt3A_395 : i32 to vector<16xi32>
        %lt3A_397 = arith.cmpi slt, %sub3A_391, %lt3A_396 : vector<16xi32>
        %and3A_398 = arith.andi %ge3A_394, %lt3A_397 : vector<16xi1>
        %broadcast_in_dim3A_399 = arith.constant 5000 : i32
        %broadcast_in_dim3A_400 = vector.broadcast %broadcast_in_dim3A_399 : i32 to vector<16xi32>
        %select_n3A_401 = arith.select %and3A_398, %sub3A_391, %broadcast_in_dim3A_400 : vector<16xi1>, vector<16xi32>
        %swap3A_402 = arith.constant 16 : index
        %swap3A_403 = tpu.vector_load %arg13[%swap3A_402] {strides = array<i32>} : memref<128xi32, #tpu.memory_space<vmem>>, vector<16xi32>,
        %swap3A_404 = vector.shape_cast %swap3A_403 : vector<16xi32> to vector<16xi32>
        %swap3A_405 = vector.shape_cast %select_n3A_401 : vector<16xi32> to vector<16xi32>
        tpu.vector_store %arg13[%swap3A_402], %swap3A_405 {strides = array<i32>} : memref<128xi32, #tpu.memory_space<vmem>>, vector<16xi32>,
        %get3A_406 = arith.constant 32 : index
        %get3A_407 = tpu.vector_load %arg13[%get3A_406] {strides = array<i32>} : memref<128xi32, #tpu.memory_space<vmem>>, vector<16xi32>,
        %get3A_408 = vector.shape_cast %get3A_407 : vector<16xi32> to vector<16xi32>
        %sub3A_409 = vector.broadcast %mul3A_179 : i32 to vector<16xi32>
        %sub3A_410 = arith.subi %get3A_408, %sub3A_409 : vector<16xi32>
        %ge3A_411 = arith.constant 0 : i32
        %ge3A_412 = vector.broadcast %ge3A_411 : i32 to vector<16xi32>
        %ge3A_413 = arith.cmpi sge, %sub3A_410, %ge3A_412 : vector<16xi32>
        %lt3A_414 = arith.constant 5000 : i32
        %lt3A_415 = vector.broadcast %lt3A_414 : i32 to vector<16xi32>
        %lt3A_416 = arith.cmpi slt, %sub3A_410, %lt3A_415 : vector<16xi32>
        %and3A_417 = arith.andi %ge3A_413, %lt3A_416 : vector<16xi1>
        %broadcast_in_dim3A_418 = arith.constant 5000 : i32
        %broadcast_in_dim3A_419 = vector.broadcast %broadcast_in_dim3A_418 : i32 to vector<16xi32>
        %select_n3A_420 = arith.select %and3A_417, %sub3A_410, %broadcast_in_dim3A_419 : vector<16xi1>, vector<16xi32>
        %swap3A_421 = arith.constant 32 : index
        %swap3A_422 = tpu.vector_load %arg13[%swap3A_421] {strides = array<i32>} : memref<128xi32, #tpu.memory_space<vmem>>, vector<16xi32>,
        %swap3A_423 = vector.shape_cast %swap3A_422 : vector<16xi32> to vector<16xi32>
        %swap3A_424 = vector.shape_cast %select_n3A_420 : vector<16xi32> to vector<16xi32>
        tpu.vector_store %arg13[%swap3A_421], %swap3A_424 {strides = array<i32>} : memref<128xi32, #tpu.memory_space<vmem>>, vector<16xi32>,
        %get3A_425 = arith.constant 48 : index
        %get3A_426 = tpu.vector_load %arg13[%get3A_425] {strides = array<i32>} : memref<128xi32, #tpu.memory_space<vmem>>, vector<16xi32>,
        %get3A_427 = vector.shape_cast %get3A_426 : vector<16xi32> to vector<16xi32>
        %sub3A_428 = vector.broadcast %mul3A_179 : i32 to vector<16xi32>
        %sub3A_429 = arith.subi %get3A_427, %sub3A_428 : vector<16xi32>
        %ge3A_430 = arith.constant 0 : i32
        %ge3A_431 = vector.broadcast %ge3A_430 : i32 to vector<16xi32>
        %ge3A_432 = arith.cmpi sge, %sub3A_429, %ge3A_431 : vector<16xi32>
        %lt3A_433 = arith.constant 5000 : i32
        %lt3A_434 = vector.broadcast %lt3A_433 : i32 to vector<16xi32>
        %lt3A_435 = arith.cmpi slt, %sub3A_429, %lt3A_434 : vector<16xi32>
        %and3A_436 = arith.andi %ge3A_432, %lt3A_435 : vector<16xi1>
        %broadcast_in_dim3A_437 = arith.constant 5000 : i32
        %broadcast_in_dim3A_438 = vector.broadcast %broadcast_in_dim3A_437 : i32 to vector<16xi32>
        %select_n3A_439 = arith.select %and3A_436, %sub3A_429, %broadcast_in_dim3A_438 : vector<16xi1>, vector<16xi32>
        %swap3A_440 = arith.constant 48 : index
        %swap3A_441 = tpu.vector_load %arg13[%swap3A_440] {strides = array<i32>} : memref<128xi32, #tpu.memory_space<vmem>>, vector<16xi32>,
        %swap3A_442 = vector.shape_cast %swap3A_441 : vector<16xi32> to vector<16xi32>
        %swap3A_443 = vector.shape_cast %select_n3A_439 : vector<16xi32> to vector<16xi32>
        tpu.vector_store %arg13[%swap3A_440], %swap3A_443 {strides = array<i32>} : memref<128xi32, #tpu.memory_space<vmem>>, vector<16xi32>,
        %get3A_444 = arith.constant 64 : index
        %get3A_445 = tpu.vector_load %arg13[%get3A_444] {strides = array<i32>} : memref<128xi32, #tpu.memory_space<vmem>>, vector<16xi32>,
        %get3A_446 = vector.shape_cast %get3A_445 : vector<16xi32> to vector<16xi32>
        %sub3A_447 = vector.broadcast %mul3A_179 : i32 to vector<16xi32>
        %sub3A_448 = arith.subi %get3A_446, %sub3A_447 : vector<16xi32>
        %ge3A_449 = arith.constant 0 : i32
        %ge3A_450 = vector.broadcast %ge3A_449 : i32 to vector<16xi32>
        %ge3A_451 = arith.cmpi sge, %sub3A_448, %ge3A_450 : vector<16xi32>
        %lt3A_452 = arith.constant 5000 : i32
        %lt3A_453 = vector.broadcast %lt3A_452 : i32 to vector<16xi32>
        %lt3A_454 = arith.cmpi slt, %sub3A_448, %lt3A_453 : vector<16xi32>
        %and3A_455 = arith.andi %ge3A_451, %lt3A_454 : vector<16xi1>
        %broadcast_in_dim3A_456 = arith.constant 5000 : i32
        %broadcast_in_dim3A_457 = vector.broadcast %broadcast_in_dim3A_456 : i32 to vector<16xi32>
        %select_n3A_458 = arith.select %and3A_455, %sub3A_448, %broadcast_in_dim3A_457 : vector<16xi1>, vector<16xi32>
        %swap3A_459 = arith.constant 64 : index
        %swap3A_460 = tpu.vector_load %arg13[%swap3A_459] {strides = array<i32>} : memref<128xi32, #tpu.memory_space<vmem>>, vector<16xi32>,
        %swap3A_461 = vector.shape_cast %swap3A_460 : vector<16xi32> to vector<16xi32>
        %swap3A_462 = vector.shape_cast %select_n3A_458 : vector<16xi32> to vector<16xi32>
        tpu.vector_store %arg13[%swap3A_459], %swap3A_462 {strides = array<i32>} : memref<128xi32, #tpu.memory_space<vmem>>, vector<16xi32>,
        %get3A_463 = arith.constant 80 : index
        %get3A_464 = tpu.vector_load %arg13[%get3A_463] {strides = array<i32>} : memref<128xi32, #tpu.memory_space<vmem>>, vector<16xi32>,
        %get3A_465 = vector.shape_cast %get3A_464 : vector<16xi32> to vector<16xi32>
        %sub3A_466 = vector.broadcast %mul3A_179 : i32 to vector<16xi32>
        %sub3A_467 = arith.subi %get3A_465, %sub3A_466 : vector<16xi32>
        %ge3A_468 = arith.constant 0 : i32
        %ge3A_469 = vector.broadcast %ge3A_468 : i32 to vector<16xi32>
        %ge3A_470 = arith.cmpi sge, %sub3A_467, %ge3A_469 : vector<16xi32>
        %lt3A_471 = arith.constant 5000 : i32
        %lt3A_472 = vector.broadcast %lt3A_471 : i32 to vector<16xi32>
        %lt3A_473 = arith.cmpi slt, %sub3A_467, %lt3A_472 : vector<16xi32>
        %and3A_474 = arith.andi %ge3A_470, %lt3A_473 : vector<16xi1>
        %broadcast_in_dim3A_475 = arith.constant 5000 : i32
        %broadcast_in_dim3A_476 = vector.broadcast %broadcast_in_dim3A_475 : i32 to vector<16xi32>
        %select_n3A_477 = arith.select %and3A_474, %sub3A_467, %broadcast_in_dim3A_476 : vector<16xi1>, vector<16xi32>
        %swap3A_478 = arith.constant 80 : index
        %swap3A_479 = tpu.vector_load %arg13[%swap3A_478] {strides = array<i32>} : memref<128xi32, #tpu.memory_space<vmem>>, vector<16xi32>,
        %swap3A_480 = vector.shape_cast %swap3A_479 : vector<16xi32> to vector<16xi32>
        %swap3A_481 = vector.shape_cast %select_n3A_477 : vector<16xi32> to vector<16xi32>
        tpu.vector_store %arg13[%swap3A_478], %swap3A_481 {strides = array<i32>} : memref<128xi32, #tpu.memory_space<vmem>>, vector<16xi32>,
        %get3A_482 = arith.constant 96 : index
        %get3A_483 = tpu.vector_load %arg13[%get3A_482] {strides = array<i32>} : memref<128xi32, #tpu.memory_space<vmem>>, vector<16xi32>,
        %get3A_484 = vector.shape_cast %get3A_483 : vector<16xi32> to vector<16xi32>
        %sub3A_485 = vector.broadcast %mul3A_179 : i32 to vector<16xi32>
        %sub3A_486 = arith.subi %get3A_484, %sub3A_485 : vector<16xi32>
        %ge3A_487 = arith.constant 0 : i32
        %ge3A_488 = vector.broadcast %ge3A_487 : i32 to vector<16xi32>
        %ge3A_489 = arith.cmpi sge, %sub3A_486, %ge3A_488 : vector<16xi32>
        %lt3A_490 = arith.constant 5000 : i32
        %lt3A_491 = vector.broadcast %lt3A_490 : i32 to vector<16xi32>
        %lt3A_492 = arith.cmpi slt, %sub3A_486, %lt3A_491 : vector<16xi32>
        %and3A_493 = arith.andi %ge3A_489, %lt3A_492 : vector<16xi1>
        %broadcast_in_dim3A_494 = arith.constant 5000 : i32
        %broadcast_in_dim3A_495 = vector.broadcast %broadcast_in_dim3A_494 : i32 to vector<16xi32>
        %select_n3A_496 = arith.select %and3A_493, %sub3A_486, %broadcast_in_dim3A_495 : vector<16xi1>, vector<16xi32>
        %swap3A_497 = arith.constant 96 : index
        %swap3A_498 = tpu.vector_load %arg13[%swap3A_497] {strides = array<i32>} : memref<128xi32, #tpu.memory_space<vmem>>, vector<16xi32>,
        %swap3A_499 = vector.shape_cast %swap3A_498 : vector<16xi32> to vector<16xi32>
        %swap3A_500 = vector.shape_cast %select_n3A_496 : vector<16xi32> to vector<16xi32>
        tpu.vector_store %arg13[%swap3A_497], %swap3A_500 {strides = array<i32>} : memref<128xi32, #tpu.memory_space<vmem>>, vector<16xi32>,
        %get3A_501 = arith.constant 112 : index
        %get3A_502 = tpu.vector_load %arg13[%get3A_501] {strides = array<i32>} : memref<128xi32, #tpu.memory_space<vmem>>, vector<16xi32>,
        %get3A_503 = vector.shape_cast %get3A_502 : vector<16xi32> to vector<16xi32>
        %sub3A_504 = vector.broadcast %mul3A_179 : i32 to vector<16xi32>
        %sub3A_505 = arith.subi %get3A_503, %sub3A_504 : vector<16xi32>
        %ge3A_506 = arith.constant 0 : i32
        %ge3A_507 = vector.broadcast %ge3A_506 : i32 to vector<16xi32>
        %ge3A_508 = arith.cmpi sge, %sub3A_505, %ge3A_507 : vector<16xi32>
        %lt3A_509 = arith.constant 5000 : i32
        %lt3A_510 = vector.broadcast %lt3A_509 : i32 to vector<16xi32>
        %lt3A_511 = arith.cmpi slt, %sub3A_505, %lt3A_510 : vector<16xi32>
        %and3A_512 = arith.andi %ge3A_508, %lt3A_511 : vector<16xi1>
        %broadcast_in_dim3A_513 = arith.constant 5000 : i32
        %broadcast_in_dim3A_514 = vector.broadcast %broadcast_in_dim3A_513 : i32 to vector<16xi32>
        %select_n3A_515 = arith.select %and3A_512, %sub3A_505, %broadcast_in_dim3A_514 : vector<16xi1>, vector<16xi32>
        %swap3A_516 = arith.constant 112 : index
        %swap3A_517 = tpu.vector_load %arg13[%swap3A_516] {strides = array<i32>} : memref<128xi32, #tpu.memory_space<vmem>>, vector<16xi32>,
        %swap3A_518 = vector.shape_cast %swap3A_517 : vector<16xi32> to vector<16xi32>
        %swap3A_519 = vector.shape_cast %select_n3A_515 : vector<16xi32> to vector<16xi32>
        tpu.vector_store %arg13[%swap3A_516], %swap3A_519 {strides = array<i32>} : memref<128xi32, #tpu.memory_space<vmem>>, vector<16xi32>,
        %dma_start3A_520 = arith.constant 0 : i32
        %dma_start3A_521 = arith.constant 0 : i32
        %dma_start3A_522 = tpu.memref_slice %arg6[%dma_start3A_520, %dma_start3A_521] : memref<5008x128xf32, #tpu.memory_space<vmem_shared>> -> memref<5008x128xf32, #tpu.memory_space<vmem_shared>>
        tpu.enqueue_indirect_dma source(%arg9 : memref<128x128xf32, #tpu.memory_space<vmem>>) target(%dma_start3A_522 : memref<5008x128xf32, #tpu.memory_space<vmem_shared>>) offsets(%arg13 : memref<128xi32, #tpu.memory_space<vmem>>) semaphore(%arg24 : memref<!tpu.dma_semaphore, #tpu.memory_space<semaphore_mem>>) {add = true}
        %ge3A_523 = arith.constant 1 : i32
        %ge3A_524 = arith.cmpi sge, %add3A_348, %ge3A_523 : i32
        %convert_element_type3A_525 = arith.extui %ge3A_524 : i1 to i32
        %cond3A_526 = arith.constant 0 : i32
        %cond3A_527 = arith.cmpi ne, %convert_element_type3A_525, %cond3A_526 : i32
        scf.if %cond3A_527 {
          %dma_wait3A_534 = arith.constant 0 : i32
          %dma_wait3A_535 = arith.constant 0 : i32
          %dma_wait3A_536 = tpu.memref_slice %arg6[%dma_wait3A_534, %dma_wait3A_535] : memref<5008x128xf32, #tpu.memory_space<vmem_shared>> -> memref<5008x128xf32, #tpu.memory_space<vmem_shared>>
          tpu.wait_indirect_dma semaphore(%arg23 : memref<!tpu.dma_semaphore, #tpu.memory_space<semaphore_mem>>) src(%arg8 : memref<128x128xf32, #tpu.memory_space<vmem>>) dst(%dma_wait3A_536 : memref<5008x128xf32, #tpu.memory_space<vmem_shared>>)
        } else {
        }
        %add3A_528 = arith.constant 3 : i32
        %add3A_529 = arith.addi %add3A_348, %add3A_528 : i32
        %lt3A_530 = arith.cmpi slt, %add3A_529, %select_n3A_177 : i32
        %convert_element_type3A_531 = arith.extui %lt3A_530 : i1 to i32
        %cond3A_532 = arith.constant 0 : i32
        %cond3A_533 = arith.cmpi ne, %convert_element_type3A_531, %cond3A_532 : i32
        scf.if %cond3A_533 {
          %add3A_534 = arith.addi %select_n3A, %arg1 : i32
          %mul3A_535 = arith.constant 16 : i32
          %mul3A_536 = arith.muli %mul3A_535, %add3A_529 : i32
          %add3A_537 = arith.addi %add3A_534, %mul3A_536 : i32
          %mul3A_538 = arith.constant 128 : i32
          %mul3A_539 = arith.muli %add3A_537, %mul3A_538 : i32
          %dma_start3A_540 = arith.constant 0 : i32
          %dma_start3A_541 = tpu.memref_slice %arg2[%mul3A_539, %dma_start3A_540] : memref<320000x128xf32, #tpu.memory_space<hbm>> -> memref<128x128xf32, #tpu.memory_space<hbm>>
          %dma_start3A_542 = arith.constant 0 : i32
          %dma_start3A_543 = tpu.memref_slice %arg2[%mul3A_539, %dma_start3A_542] : memref<320000x128xf32, #tpu.memory_space<hbm>> -> memref<128x128xf32, #tpu.memory_space<hbm>>
          tpu.enqueue_dma source(%dma_start3A_543 : memref<128x128xf32, #tpu.memory_space<hbm>>) target(%arg8 : memref<128x128xf32, #tpu.memory_space<vmem>>) target_semaphore(%arg19 : memref<!tpu.dma_semaphore, #tpu.memory_space<semaphore_mem>>)
          %dma_start3A_544 = tpu.memref_slice %arg3[%mul3A_539] : memref<320000xi32, #tpu.memory_space<hbm>> -> memref<128xi32, #tpu.memory_space<hbm>>
          %dma_start3A_545 = tpu.memref_slice %arg3[%mul3A_539] : memref<320000xi32, #tpu.memory_space<hbm>> -> memref<128xi32, #tpu.memory_space<hbm>>
          tpu.enqueue_dma source(%dma_start3A_545 : memref<128xi32, #tpu.memory_space<hbm>>) target(%arg12 : memref<128xi32, #tpu.memory_space<vmem>>) target_semaphore(%arg19 : memref<!tpu.dma_semaphore, #tpu.memory_space<semaphore_mem>>)
        } else {
        }
      } else {
      }
      %add3A_353 = arith.constant 3 : i32
      %add3A_354 = arith.addi %add3A_335, %add3A_353 : i32
      %lt3A_355 = arith.cmpi slt, %add3A_354, %select_n3A_177 : i32
      %convert_element_type3A_356 = arith.extui %lt3A_355 : i1 to i32
      %cond3A_357 = arith.constant 0 : i32
      %cond3A_358 = arith.cmpi ne, %convert_element_type3A_356, %cond3A_357 : i32
      scf.if %cond3A_358 {
        %dma_wait3A_359 = arith.constant 0 : i32
        %dma_wait3A_360 = arith.constant 0 : i32
        %dma_wait3A_361 = tpu.memref_slice %arg2[%dma_wait3A_359, %dma_wait3A_360] : memref<320000x128xf32, #tpu.memory_space<hbm>> -> memref<128x128xf32, #tpu.memory_space<hbm>>
        %dma_wait3A_362 = arith.constant 0 : i32
        %dma_wait3A_363 = arith.constant 0 : i32
        %dma_wait3A_364 = tpu.memref_slice %arg2[%dma_wait3A_362, %dma_wait3A_363] : memref<320000x128xf32, #tpu.memory_space<hbm>> -> memref<128x128xf32, #tpu.memory_space<hbm>>
        tpu.wait_dma2 semaphore(%arg21 : memref<!tpu.dma_semaphore, #tpu.memory_space<semaphore_mem>>) src(%dma_wait3A_364 : memref<128x128xf32, #tpu.memory_space<hbm>>) dst(%arg10 : memref<128x128xf32, #tpu.memory_space<vmem>>)
        %dma_wait3A_365 = arith.constant 0 : i32
        %dma_wait3A_366 = tpu.memref_slice %arg3[%dma_wait3A_365] : memref<320000xi32, #tpu.memory_space<hbm>> -> memref<128xi32, #tpu.memory_space<hbm>>
        %dma_wait3A_367 = arith.constant 0 : i32
        %dma_wait3A_368 = tpu.memref_slice %arg3[%dma_wait3A_367] : memref<320000xi32, #tpu.memory_space<hbm>> -> memref<128xi32, #tpu.memory_space<hbm>>
        tpu.wait_dma2 semaphore(%arg21 : memref<!tpu.dma_semaphore, #tpu.memory_space<semaphore_mem>>) src(%dma_wait3A_368 : memref<128xi32, #tpu.memory_space<hbm>>) dst(%arg14 : memref<128xi32, #tpu.memory_space<vmem>>)
        %get3A_369 = arith.constant 0 : index
        %get3A_370 = tpu.vector_load %arg14[%get3A_369] {strides = array<i32>} : memref<128xi32, #tpu.memory_space<vmem>>, vector<16xi32>,
        %get3A_371 = vector.shape_cast %get3A_370 : vector<16xi32> to vector<16xi32>
        %sub3A_372 = vector.broadcast %mul3A_179 : i32 to vector<16xi32>
        %sub3A_373 = arith.subi %get3A_371, %sub3A_372 : vector<16xi32>
        %ge3A = arith.constant 0 : i32
        %ge3A_374 = vector.broadcast %ge3A : i32 to vector<16xi32>
        %ge3A_375 = arith.cmpi sge, %sub3A_373, %ge3A_374 : vector<16xi32>
        %lt3A_376 = arith.constant 5000 : i32
        %lt3A_377 = vector.broadcast %lt3A_376 : i32 to vector<16xi32>
        %lt3A_378 = arith.cmpi slt, %sub3A_373, %lt3A_377 : vector<16xi32>
        %and3A_379 = arith.andi %ge3A_375, %lt3A_378 : vector<16xi1>
        %broadcast_in_dim3A_380 = arith.constant 5000 : i32
        %broadcast_in_dim3A_381 = vector.broadcast %broadcast_in_dim3A_380 : i32 to vector<16xi32>
        %select_n3A_382 = arith.select %and3A_379, %sub3A_373, %broadcast_in_dim3A_381 : vector<16xi1>, vector<16xi32>
        %swap3A_383 = arith.constant 0 : index
        %swap3A_384 = tpu.vector_load %arg14[%swap3A_383] {strides = array<i32>} : memref<128xi32, #tpu.memory_space<vmem>>, vector<16xi32>,
        %swap3A_385 = vector.shape_cast %swap3A_384 : vector<16xi32> to vector<16xi32>
        %swap3A_386 = vector.shape_cast %select_n3A_382 : vector<16xi32> to vector<16xi32>
        tpu.vector_store %arg14[%swap3A_383], %swap3A_386 {strides = array<i32>} : memref<128xi32, #tpu.memory_space<vmem>>, vector<16xi32>,
        %get3A_387 = arith.constant 16 : index
        %get3A_388 = tpu.vector_load %arg14[%get3A_387] {strides = array<i32>} : memref<128xi32, #tpu.memory_space<vmem>>, vector<16xi32>,
        %get3A_389 = vector.shape_cast %get3A_388 : vector<16xi32> to vector<16xi32>
        %sub3A_390 = vector.broadcast %mul3A_179 : i32 to vector<16xi32>
        %sub3A_391 = arith.subi %get3A_389, %sub3A_390 : vector<16xi32>
        %ge3A_392 = arith.constant 0 : i32
        %ge3A_393 = vector.broadcast %ge3A_392 : i32 to vector<16xi32>
        %ge3A_394 = arith.cmpi sge, %sub3A_391, %ge3A_393 : vector<16xi32>
        %lt3A_395 = arith.constant 5000 : i32
        %lt3A_396 = vector.broadcast %lt3A_395 : i32 to vector<16xi32>
        %lt3A_397 = arith.cmpi slt, %sub3A_391, %lt3A_396 : vector<16xi32>
        %and3A_398 = arith.andi %ge3A_394, %lt3A_397 : vector<16xi1>
        %broadcast_in_dim3A_399 = arith.constant 5000 : i32
        %broadcast_in_dim3A_400 = vector.broadcast %broadcast_in_dim3A_399 : i32 to vector<16xi32>
        %select_n3A_401 = arith.select %and3A_398, %sub3A_391, %broadcast_in_dim3A_400 : vector<16xi1>, vector<16xi32>
        %swap3A_402 = arith.constant 16 : index
        %swap3A_403 = tpu.vector_load %arg14[%swap3A_402] {strides = array<i32>} : memref<128xi32, #tpu.memory_space<vmem>>, vector<16xi32>,
        %swap3A_404 = vector.shape_cast %swap3A_403 : vector<16xi32> to vector<16xi32>
        %swap3A_405 = vector.shape_cast %select_n3A_401 : vector<16xi32> to vector<16xi32>
        tpu.vector_store %arg14[%swap3A_402], %swap3A_405 {strides = array<i32>} : memref<128xi32, #tpu.memory_space<vmem>>, vector<16xi32>,
        %get3A_406 = arith.constant 32 : index
        %get3A_407 = tpu.vector_load %arg14[%get3A_406] {strides = array<i32>} : memref<128xi32, #tpu.memory_space<vmem>>, vector<16xi32>,
        %get3A_408 = vector.shape_cast %get3A_407 : vector<16xi32> to vector<16xi32>
        %sub3A_409 = vector.broadcast %mul3A_179 : i32 to vector<16xi32>
        %sub3A_410 = arith.subi %get3A_408, %sub3A_409 : vector<16xi32>
        %ge3A_411 = arith.constant 0 : i32
        %ge3A_412 = vector.broadcast %ge3A_411 : i32 to vector<16xi32>
        %ge3A_413 = arith.cmpi sge, %sub3A_410, %ge3A_412 : vector<16xi32>
        %lt3A_414 = arith.constant 5000 : i32
        %lt3A_415 = vector.broadcast %lt3A_414 : i32 to vector<16xi32>
        %lt3A_416 = arith.cmpi slt, %sub3A_410, %lt3A_415 : vector<16xi32>
        %and3A_417 = arith.andi %ge3A_413, %lt3A_416 : vector<16xi1>
        %broadcast_in_dim3A_418 = arith.constant 5000 : i32
        %broadcast_in_dim3A_419 = vector.broadcast %broadcast_in_dim3A_418 : i32 to vector<16xi32>
        %select_n3A_420 = arith.select %and3A_417, %sub3A_410, %broadcast_in_dim3A_419 : vector<16xi1>, vector<16xi32>
        %swap3A_421 = arith.constant 32 : index
        %swap3A_422 = tpu.vector_load %arg14[%swap3A_421] {strides = array<i32>} : memref<128xi32, #tpu.memory_space<vmem>>, vector<16xi32>,
        %swap3A_423 = vector.shape_cast %swap3A_422 : vector<16xi32> to vector<16xi32>
        %swap3A_424 = vector.shape_cast %select_n3A_420 : vector<16xi32> to vector<16xi32>
        tpu.vector_store %arg14[%swap3A_421], %swap3A_424 {strides = array<i32>} : memref<128xi32, #tpu.memory_space<vmem>>, vector<16xi32>,
        %get3A_425 = arith.constant 48 : index
        %get3A_426 = tpu.vector_load %arg14[%get3A_425] {strides = array<i32>} : memref<128xi32, #tpu.memory_space<vmem>>, vector<16xi32>,
        %get3A_427 = vector.shape_cast %get3A_426 : vector<16xi32> to vector<16xi32>
        %sub3A_428 = vector.broadcast %mul3A_179 : i32 to vector<16xi32>
        %sub3A_429 = arith.subi %get3A_427, %sub3A_428 : vector<16xi32>
        %ge3A_430 = arith.constant 0 : i32
        %ge3A_431 = vector.broadcast %ge3A_430 : i32 to vector<16xi32>
        %ge3A_432 = arith.cmpi sge, %sub3A_429, %ge3A_431 : vector<16xi32>
        %lt3A_433 = arith.constant 5000 : i32
        %lt3A_434 = vector.broadcast %lt3A_433 : i32 to vector<16xi32>
        %lt3A_435 = arith.cmpi slt, %sub3A_429, %lt3A_434 : vector<16xi32>
        %and3A_436 = arith.andi %ge3A_432, %lt3A_435 : vector<16xi1>
        %broadcast_in_dim3A_437 = arith.constant 5000 : i32
        %broadcast_in_dim3A_438 = vector.broadcast %broadcast_in_dim3A_437 : i32 to vector<16xi32>
        %select_n3A_439 = arith.select %and3A_436, %sub3A_429, %broadcast_in_dim3A_438 : vector<16xi1>, vector<16xi32>
        %swap3A_440 = arith.constant 48 : index
        %swap3A_441 = tpu.vector_load %arg14[%swap3A_440] {strides = array<i32>} : memref<128xi32, #tpu.memory_space<vmem>>, vector<16xi32>,
        %swap3A_442 = vector.shape_cast %swap3A_441 : vector<16xi32> to vector<16xi32>
        %swap3A_443 = vector.shape_cast %select_n3A_439 : vector<16xi32> to vector<16xi32>
        tpu.vector_store %arg14[%swap3A_440], %swap3A_443 {strides = array<i32>} : memref<128xi32, #tpu.memory_space<vmem>>, vector<16xi32>,
        %get3A_444 = arith.constant 64 : index
        %get3A_445 = tpu.vector_load %arg14[%get3A_444] {strides = array<i32>} : memref<128xi32, #tpu.memory_space<vmem>>, vector<16xi32>,
        %get3A_446 = vector.shape_cast %get3A_445 : vector<16xi32> to vector<16xi32>
        %sub3A_447 = vector.broadcast %mul3A_179 : i32 to vector<16xi32>
        %sub3A_448 = arith.subi %get3A_446, %sub3A_447 : vector<16xi32>
        %ge3A_449 = arith.constant 0 : i32
        %ge3A_450 = vector.broadcast %ge3A_449 : i32 to vector<16xi32>
        %ge3A_451 = arith.cmpi sge, %sub3A_448, %ge3A_450 : vector<16xi32>
        %lt3A_452 = arith.constant 5000 : i32
        %lt3A_453 = vector.broadcast %lt3A_452 : i32 to vector<16xi32>
        %lt3A_454 = arith.cmpi slt, %sub3A_448, %lt3A_453 : vector<16xi32>
        %and3A_455 = arith.andi %ge3A_451, %lt3A_454 : vector<16xi1>
        %broadcast_in_dim3A_456 = arith.constant 5000 : i32
        %broadcast_in_dim3A_457 = vector.broadcast %broadcast_in_dim3A_456 : i32 to vector<16xi32>
        %select_n3A_458 = arith.select %and3A_455, %sub3A_448, %broadcast_in_dim3A_457 : vector<16xi1>, vector<16xi32>
        %swap3A_459 = arith.constant 64 : index
        %swap3A_460 = tpu.vector_load %arg14[%swap3A_459] {strides = array<i32>} : memref<128xi32, #tpu.memory_space<vmem>>, vector<16xi32>,
        %swap3A_461 = vector.shape_cast %swap3A_460 : vector<16xi32> to vector<16xi32>
        %swap3A_462 = vector.shape_cast %select_n3A_458 : vector<16xi32> to vector<16xi32>
        tpu.vector_store %arg14[%swap3A_459], %swap3A_462 {strides = array<i32>} : memref<128xi32, #tpu.memory_space<vmem>>, vector<16xi32>,
        %get3A_463 = arith.constant 80 : index
        %get3A_464 = tpu.vector_load %arg14[%get3A_463] {strides = array<i32>} : memref<128xi32, #tpu.memory_space<vmem>>, vector<16xi32>,
        %get3A_465 = vector.shape_cast %get3A_464 : vector<16xi32> to vector<16xi32>
        %sub3A_466 = vector.broadcast %mul3A_179 : i32 to vector<16xi32>
        %sub3A_467 = arith.subi %get3A_465, %sub3A_466 : vector<16xi32>
        %ge3A_468 = arith.constant 0 : i32
        %ge3A_469 = vector.broadcast %ge3A_468 : i32 to vector<16xi32>
        %ge3A_470 = arith.cmpi sge, %sub3A_467, %ge3A_469 : vector<16xi32>
        %lt3A_471 = arith.constant 5000 : i32
        %lt3A_472 = vector.broadcast %lt3A_471 : i32 to vector<16xi32>
        %lt3A_473 = arith.cmpi slt, %sub3A_467, %lt3A_472 : vector<16xi32>
        %and3A_474 = arith.andi %ge3A_470, %lt3A_473 : vector<16xi1>
        %broadcast_in_dim3A_475 = arith.constant 5000 : i32
        %broadcast_in_dim3A_476 = vector.broadcast %broadcast_in_dim3A_475 : i32 to vector<16xi32>
        %select_n3A_477 = arith.select %and3A_474, %sub3A_467, %broadcast_in_dim3A_476 : vector<16xi1>, vector<16xi32>
        %swap3A_478 = arith.constant 80 : index
        %swap3A_479 = tpu.vector_load %arg14[%swap3A_478] {strides = array<i32>} : memref<128xi32, #tpu.memory_space<vmem>>, vector<16xi32>,
        %swap3A_480 = vector.shape_cast %swap3A_479 : vector<16xi32> to vector<16xi32>
        %swap3A_481 = vector.shape_cast %select_n3A_477 : vector<16xi32> to vector<16xi32>
        tpu.vector_store %arg14[%swap3A_478], %swap3A_481 {strides = array<i32>} : memref<128xi32, #tpu.memory_space<vmem>>, vector<16xi32>,
        %get3A_482 = arith.constant 96 : index
        %get3A_483 = tpu.vector_load %arg14[%get3A_482] {strides = array<i32>} : memref<128xi32, #tpu.memory_space<vmem>>, vector<16xi32>,
        %get3A_484 = vector.shape_cast %get3A_483 : vector<16xi32> to vector<16xi32>
        %sub3A_485 = vector.broadcast %mul3A_179 : i32 to vector<16xi32>
        %sub3A_486 = arith.subi %get3A_484, %sub3A_485 : vector<16xi32>
        %ge3A_487 = arith.constant 0 : i32
        %ge3A_488 = vector.broadcast %ge3A_487 : i32 to vector<16xi32>
        %ge3A_489 = arith.cmpi sge, %sub3A_486, %ge3A_488 : vector<16xi32>
        %lt3A_490 = arith.constant 5000 : i32
        %lt3A_491 = vector.broadcast %lt3A_490 : i32 to vector<16xi32>
        %lt3A_492 = arith.cmpi slt, %sub3A_486, %lt3A_491 : vector<16xi32>
        %and3A_493 = arith.andi %ge3A_489, %lt3A_492 : vector<16xi1>
        %broadcast_in_dim3A_494 = arith.constant 5000 : i32
        %broadcast_in_dim3A_495 = vector.broadcast %broadcast_in_dim3A_494 : i32 to vector<16xi32>
        %select_n3A_496 = arith.select %and3A_493, %sub3A_486, %broadcast_in_dim3A_495 : vector<16xi1>, vector<16xi32>
        %swap3A_497 = arith.constant 96 : index
        %swap3A_498 = tpu.vector_load %arg14[%swap3A_497] {strides = array<i32>} : memref<128xi32, #tpu.memory_space<vmem>>, vector<16xi32>,
        %swap3A_499 = vector.shape_cast %swap3A_498 : vector<16xi32> to vector<16xi32>
        %swap3A_500 = vector.shape_cast %select_n3A_496 : vector<16xi32> to vector<16xi32>
        tpu.vector_store %arg14[%swap3A_497], %swap3A_500 {strides = array<i32>} : memref<128xi32, #tpu.memory_space<vmem>>, vector<16xi32>,
        %get3A_501 = arith.constant 112 : index
        %get3A_502 = tpu.vector_load %arg14[%get3A_501] {strides = array<i32>} : memref<128xi32, #tpu.memory_space<vmem>>, vector<16xi32>,
        %get3A_503 = vector.shape_cast %get3A_502 : vector<16xi32> to vector<16xi32>
        %sub3A_504 = vector.broadcast %mul3A_179 : i32 to vector<16xi32>
        %sub3A_505 = arith.subi %get3A_503, %sub3A_504 : vector<16xi32>
        %ge3A_506 = arith.constant 0 : i32
        %ge3A_507 = vector.broadcast %ge3A_506 : i32 to vector<16xi32>
        %ge3A_508 = arith.cmpi sge, %sub3A_505, %ge3A_507 : vector<16xi32>
        %lt3A_509 = arith.constant 5000 : i32
        %lt3A_510 = vector.broadcast %lt3A_509 : i32 to vector<16xi32>
        %lt3A_511 = arith.cmpi slt, %sub3A_505, %lt3A_510 : vector<16xi32>
        %and3A_512 = arith.andi %ge3A_508, %lt3A_511 : vector<16xi1>
        %broadcast_in_dim3A_513 = arith.constant 5000 : i32
        %broadcast_in_dim3A_514 = vector.broadcast %broadcast_in_dim3A_513 : i32 to vector<16xi32>
        %select_n3A_515 = arith.select %and3A_512, %sub3A_505, %broadcast_in_dim3A_514 : vector<16xi1>, vector<16xi32>
        %swap3A_516 = arith.constant 112 : index
        %swap3A_517 = tpu.vector_load %arg14[%swap3A_516] {strides = array<i32>} : memref<128xi32, #tpu.memory_space<vmem>>, vector<16xi32>,
        %swap3A_518 = vector.shape_cast %swap3A_517 : vector<16xi32> to vector<16xi32>
        %swap3A_519 = vector.shape_cast %select_n3A_515 : vector<16xi32> to vector<16xi32>
        tpu.vector_store %arg14[%swap3A_516], %swap3A_519 {strides = array<i32>} : memref<128xi32, #tpu.memory_space<vmem>>, vector<16xi32>,
        %dma_start3A_520 = arith.constant 0 : i32
        %dma_start3A_521 = arith.constant 0 : i32
        %dma_start3A_522 = tpu.memref_slice %arg6[%dma_start3A_520, %dma_start3A_521] : memref<5008x128xf32, #tpu.memory_space<vmem_shared>> -> memref<5008x128xf32, #tpu.memory_space<vmem_shared>>
        tpu.enqueue_indirect_dma source(%arg10 : memref<128x128xf32, #tpu.memory_space<vmem>>) target(%dma_start3A_522 : memref<5008x128xf32, #tpu.memory_space<vmem_shared>>) offsets(%arg14 : memref<128xi32, #tpu.memory_space<vmem>>) semaphore(%arg25 : memref<!tpu.dma_semaphore, #tpu.memory_space<semaphore_mem>>) {add = true}
        %ge3A_523 = arith.constant 1 : i32
        %ge3A_524 = arith.cmpi sge, %add3A_354, %ge3A_523 : i32
        %convert_element_type3A_525 = arith.extui %ge3A_524 : i1 to i32
        %cond3A_526 = arith.constant 0 : i32
        %cond3A_527 = arith.cmpi ne, %convert_element_type3A_525, %cond3A_526 : i32
        scf.if %cond3A_527 {
          %dma_wait3A_534 = arith.constant 0 : i32
          %dma_wait3A_535 = arith.constant 0 : i32
          %dma_wait3A_536 = tpu.memref_slice %arg6[%dma_wait3A_534, %dma_wait3A_535] : memref<5008x128xf32, #tpu.memory_space<vmem_shared>> -> memref<5008x128xf32, #tpu.memory_space<vmem_shared>>
          tpu.wait_indirect_dma semaphore(%arg24 : memref<!tpu.dma_semaphore, #tpu.memory_space<semaphore_mem>>) src(%arg9 : memref<128x128xf32, #tpu.memory_space<vmem>>) dst(%dma_wait3A_536 : memref<5008x128xf32, #tpu.memory_space<vmem_shared>>)
        } else {
        }
        %add3A_528 = arith.constant 3 : i32
        %add3A_529 = arith.addi %add3A_354, %add3A_528 : i32
        %lt3A_530 = arith.cmpi slt, %add3A_529, %select_n3A_177 : i32
        %convert_element_type3A_531 = arith.extui %lt3A_530 : i1 to i32
        %cond3A_532 = arith.constant 0 : i32
        %cond3A_533 = arith.cmpi ne, %convert_element_type3A_531, %cond3A_532 : i32
        scf.if %cond3A_533 {
          %add3A_534 = arith.addi %select_n3A, %arg1 : i32
          %mul3A_535 = arith.constant 16 : i32
          %mul3A_536 = arith.muli %mul3A_535, %add3A_529 : i32
          %add3A_537 = arith.addi %add3A_534, %mul3A_536 : i32
          %mul3A_538 = arith.constant 128 : i32
          %mul3A_539 = arith.muli %add3A_537, %mul3A_538 : i32
          %dma_start3A_540 = arith.constant 0 : i32
          %dma_start3A_541 = tpu.memref_slice %arg2[%mul3A_539, %dma_start3A_540] : memref<320000x128xf32, #tpu.memory_space<hbm>> -> memref<128x128xf32, #tpu.memory_space<hbm>>
          %dma_start3A_542 = arith.constant 0 : i32
          %dma_start3A_543 = tpu.memref_slice %arg2[%mul3A_539, %dma_start3A_542] : memref<320000x128xf32, #tpu.memory_space<hbm>> -> memref<128x128xf32, #tpu.memory_space<hbm>>
          tpu.enqueue_dma source(%dma_start3A_543 : memref<128x128xf32, #tpu.memory_space<hbm>>) target(%arg9 : memref<128x128xf32, #tpu.memory_space<vmem>>) target_semaphore(%arg20 : memref<!tpu.dma_semaphore, #tpu.memory_space<semaphore_mem>>)
          %dma_start3A_544 = tpu.memref_slice %arg3[%mul3A_539] : memref<320000xi32, #tpu.memory_space<hbm>> -> memref<128xi32, #tpu.memory_space<hbm>>
          %dma_start3A_545 = tpu.memref_slice %arg3[%mul3A_539] : memref<320000xi32, #tpu.memory_space<hbm>> -> memref<128xi32, #tpu.memory_space<hbm>>
          tpu.enqueue_dma source(%dma_start3A_545 : memref<128xi32, #tpu.memory_space<hbm>>) target(%arg13 : memref<128xi32, #tpu.memory_space<vmem>>) target_semaphore(%arg20 : memref<!tpu.dma_semaphore, #tpu.memory_space<semaphore_mem>>)
        } else {
        }
      } else {
      }
    }
    %gt3A_317 = arith.constant 0 : i32
    %gt3A_318 = arith.cmpi sgt, %select_n3A_177, %gt3A_317 : i32
    %convert_element_type3A_319 = arith.extui %gt3A_318 : i1 to i32
    %cond3A_320 = arith.constant 0 : i32
    %cond3A_321 = arith.cmpi ne, %convert_element_type3A_319, %cond3A_320 : i32
    scf.if %cond3A_321 {
      %sub3A_333 = arith.constant 1 : i32
      %sub3A_334 = arith.subi %select_n3A_177, %sub3A_333 : i32
      %jit3A_335 = arith.constant 4 : i32
      %eq3A_336 = arith.constant 0 : i32
      %eq3A_337 = arith.cmpi eq, %jit3A_335, %eq3A_336 : i32
      %jit3A_338 = arith.constant 1 : i32
      %select_n3A_339 = arith.select %eq3A_337, %jit3A_338, %jit3A_335 : i32
      %rem3A_340 = arith.remsi %sub3A_334, %select_n3A_339 : i32
      %ne3A_341 = arith.constant 0 : i32
      %ne3A_342 = arith.cmpi ne, %rem3A_340, %ne3A_341 : i32
      %lt3A = arith.constant 0 : i32
      %lt3A_343 = arith.cmpi slt, %rem3A_340, %lt3A : i32
      %lt3A_344 = arith.constant 0 : i32
      %lt3A_345 = arith.cmpi slt, %select_n3A_339, %lt3A_344 : i32
      %ne3A_346 = arith.xori %lt3A_343, %lt3A_345 : i1
      %and3A_347 = arith.andi %ne3A_346, %ne3A_342 : i1
      %add3A_348 = arith.addi %rem3A_340, %select_n3A_339 : i32
      %select_n3A_349 = arith.select %and3A_347, %add3A_348, %rem3A_340 : i32
      %eq3A_350 = arith.constant 0 : i32
      %eq3A_351 = arith.cmpi eq, %select_n3A_349, %eq3A_350 : i32
      %convert_element_type3A_352 = arith.extui %eq3A_351 : i1 to i32
      %cond3A_353 = arith.constant 0 : i32
      %cond3A_354 = arith.cmpi ne, %convert_element_type3A_352, %cond3A_353 : i32
      scf.if %cond3A_354 {
        %dma_wait3A_370 = arith.constant 0 : i32
        %dma_wait3A_371 = arith.constant 0 : i32
        %dma_wait3A_372 = tpu.memref_slice %arg6[%dma_wait3A_370, %dma_wait3A_371] : memref<5008x128xf32, #tpu.memory_space<vmem_shared>> -> memref<5008x128xf32, #tpu.memory_space<vmem_shared>>
        tpu.wait_indirect_dma semaphore(%arg22 : memref<!tpu.dma_semaphore, #tpu.memory_space<semaphore_mem>>) src(%arg7 : memref<128x128xf32, #tpu.memory_space<vmem>>) dst(%dma_wait3A_372 : memref<5008x128xf32, #tpu.memory_space<vmem_shared>>)
      } else {
      }
      %eq3A_355 = arith.constant 1 : i32
      %eq3A_356 = arith.cmpi eq, %select_n3A_349, %eq3A_355 : i32
      %convert_element_type3A_357 = arith.extui %eq3A_356 : i1 to i32
      %cond3A_358 = arith.constant 0 : i32
      %cond3A_359 = arith.cmpi ne, %convert_element_type3A_357, %cond3A_358 : i32
      scf.if %cond3A_359 {
        %dma_wait3A_370 = arith.constant 0 : i32
        %dma_wait3A_371 = arith.constant 0 : i32
        %dma_wait3A_372 = tpu.memref_slice %arg6[%dma_wait3A_370, %dma_wait3A_371] : memref<5008x128xf32, #tpu.memory_space<vmem_shared>> -> memref<5008x128xf32, #tpu.memory_space<vmem_shared>>
        tpu.wait_indirect_dma semaphore(%arg23 : memref<!tpu.dma_semaphore, #tpu.memory_space<semaphore_mem>>) src(%arg8 : memref<128x128xf32, #tpu.memory_space<vmem>>) dst(%dma_wait3A_372 : memref<5008x128xf32, #tpu.memory_space<vmem_shared>>)
      } else {
      }
      %eq3A_360 = arith.constant 2 : i32
      %eq3A_361 = arith.cmpi eq, %select_n3A_349, %eq3A_360 : i32
      %convert_element_type3A_362 = arith.extui %eq3A_361 : i1 to i32
      %cond3A_363 = arith.constant 0 : i32
      %cond3A_364 = arith.cmpi ne, %convert_element_type3A_362, %cond3A_363 : i32
      scf.if %cond3A_364 {
        %dma_wait3A_370 = arith.constant 0 : i32
        %dma_wait3A_371 = arith.constant 0 : i32
        %dma_wait3A_372 = tpu.memref_slice %arg6[%dma_wait3A_370, %dma_wait3A_371] : memref<5008x128xf32, #tpu.memory_space<vmem_shared>> -> memref<5008x128xf32, #tpu.memory_space<vmem_shared>>
        tpu.wait_indirect_dma semaphore(%arg24 : memref<!tpu.dma_semaphore, #tpu.memory_space<semaphore_mem>>) src(%arg9 : memref<128x128xf32, #tpu.memory_space<vmem>>) dst(%dma_wait3A_372 : memref<5008x128xf32, #tpu.memory_space<vmem_shared>>)
      } else {
      }
      %eq3A_365 = arith.constant 3 : i32
      %eq3A_366 = arith.cmpi eq, %select_n3A_349, %eq3A_365 : i32
      %convert_element_type3A_367 = arith.extui %eq3A_366 : i1 to i32
      %cond3A_368 = arith.constant 0 : i32
      %cond3A_369 = arith.cmpi ne, %convert_element_type3A_367, %cond3A_368 : i32
      scf.if %cond3A_369 {
        %dma_wait3A_370 = arith.constant 0 : i32
        %dma_wait3A_371 = arith.constant 0 : i32
        %dma_wait3A_372 = tpu.memref_slice %arg6[%dma_wait3A_370, %dma_wait3A_371] : memref<5008x128xf32, #tpu.memory_space<vmem_shared>> -> memref<5008x128xf32, #tpu.memory_space<vmem_shared>>
        tpu.wait_indirect_dma semaphore(%arg25 : memref<!tpu.dma_semaphore, #tpu.memory_space<semaphore_mem>>) src(%arg10 : memref<128x128xf32, #tpu.memory_space<vmem>>) dst(%dma_wait3A_372 : memref<5008x128xf32, #tpu.memory_space<vmem_shared>>)
      } else {
      }
    } else {
    }
    %barrier3A_322 = arith.constant 0 : index
    tpu.barrier barrier_id(%barrier3A_322)
    %mul3A_323 = arith.constant 312 : i32
    %mul3A_324 = arith.muli %arg1, %mul3A_323 : i32
    %mul3A_325 = arith.constant 312 : i32
    %mul3A_326 = arith.muli %arg1, %mul3A_325 : i32
    %add3A_327 = arith.addi %mul3A_179, %mul3A_326 : i32
    "tpu.region"() ({
      %run_scoped3A = tpu.sem_alloc : memref<!tpu.dma_semaphore, #tpu.memory_space<semaphore_mem>>
      %dma_start3A_333 = arith.constant 0 : i32
      %dma_start3A_334 = tpu.memref_slice %arg5[%add3A_327, %dma_start3A_333] : memref<10000x128xf32, #tpu.memory_space<hbm>> -> memref<312x128xf32, #tpu.memory_space<hbm>>
      %dma_start3A_335 = arith.constant 0 : i32
      %dma_start3A_336 = tpu.memref_slice %arg6[%mul3A_324, %dma_start3A_335] : memref<5008x128xf32, #tpu.memory_space<vmem_shared>> -> memref<312x128xf32, #tpu.memory_space<vmem_shared>>
      tpu.enqueue_dma source(%dma_start3A_336 : memref<312x128xf32, #tpu.memory_space<vmem_shared>>) target(%dma_start3A_334 : memref<312x128xf32, #tpu.memory_space<hbm>>) target_semaphore(%run_scoped3A : memref<!tpu.dma_semaphore, #tpu.memory_space<semaphore_mem>>)
      %dma_wait3A_337 = arith.constant 0 : i32
      %dma_wait3A_338 = tpu.memref_slice %arg5[%add3A_327, %dma_wait3A_337] : memref<10000x128xf32, #tpu.memory_space<hbm>> -> memref<312x128xf32, #tpu.memory_space<hbm>>
      %dma_wait3A_339 = arith.constant 0 : i32
      %dma_wait3A_340 = tpu.memref_slice %arg6[%mul3A_324, %dma_wait3A_339] : memref<5008x128xf32, #tpu.memory_space<vmem_shared>> -> memref<312x128xf32, #tpu.memory_space<vmem_shared>>
      tpu.wait_dma2 semaphore(%run_scoped3A : memref<!tpu.dma_semaphore, #tpu.memory_space<semaphore_mem>>) src(%dma_wait3A_340 : memref<312x128xf32, #tpu.memory_space<vmem_shared>>) dst(%dma_wait3A_338 : memref<312x128xf32, #tpu.memory_space<hbm>>)
      tpu.yield
    }) : () -> ()
    %eq3A_328 = arith.constant 15 : i32
    %eq3A_329 = arith.cmpi eq, %arg1, %eq3A_328 : i32
    %convert_element_type3A_330 = arith.extui %eq3A_329 : i1 to i32
    %cond3A_331 = arith.constant 0 : i32
    %cond3A_332 = arith.cmpi ne, %convert_element_type3A_330, %cond3A_331 : i32
    scf.if %cond3A_332 {
      %add3A_333 = arith.constant 4992 : i32
      %add3A_334 = arith.addi %mul3A_179, %add3A_333 : i32
      "tpu.region"() ({
        %run_scoped3A = tpu.sem_alloc : memref<!tpu.dma_semaphore, #tpu.memory_space<semaphore_mem>>
        %dma_start3A_335 = arith.constant 0 : i32
        %dma_start3A_336 = tpu.memref_slice %arg5[%add3A_334, %dma_start3A_335] : memref<10000x128xf32, #tpu.memory_space<hbm>> -> memref<8x128xf32, #tpu.memory_space<hbm>>
        %dma_start3A_337 = arith.constant 4992 : i32
        %dma_start3A_338 = arith.constant 0 : i32
        %dma_start3A_339 = tpu.memref_slice %arg6[%dma_start3A_337, %dma_start3A_338] : memref<5008x128xf32, #tpu.memory_space<vmem_shared>> -> memref<8x128xf32, #tpu.memory_space<vmem_shared>>
        tpu.enqueue_dma source(%dma_start3A_339 : memref<8x128xf32, #tpu.memory_space<vmem_shared>>) target(%dma_start3A_336 : memref<8x128xf32, #tpu.memory_space<hbm>>) target_semaphore(%run_scoped3A : memref<!tpu.dma_semaphore, #tpu.memory_space<semaphore_mem>>)
        %dma_wait3A_340 = arith.constant 0 : i32
        %dma_wait3A_341 = tpu.memref_slice %arg5[%add3A_334, %dma_wait3A_340] : memref<10000x128xf32, #tpu.memory_space<hbm>> -> memref<8x128xf32, #tpu.memory_space<hbm>>
        %dma_wait3A_342 = arith.constant 4992 : i32
        %dma_wait3A_343 = arith.constant 0 : i32
        %dma_wait3A_344 = tpu.memref_slice %arg6[%dma_wait3A_342, %dma_wait3A_343] : memref<5008x128xf32, #tpu.memory_space<vmem_shared>> -> memref<8x128xf32, #tpu.memory_space<vmem_shared>>
        tpu.wait_dma2 semaphore(%run_scoped3A : memref<!tpu.dma_semaphore, #tpu.memory_space<semaphore_mem>>) src(%dma_wait3A_344 : memref<8x128xf32, #tpu.memory_space<vmem_shared>>) dst(%dma_wait3A_341 : memref<8x128xf32, #tpu.memory_space<hbm>>)
        tpu.yield
      }) : () -> ()
    } else {
    }
    return
  }
}

</mosaic_0001>

<sc_bundles>
// kernel: kernel.3.cloned.1.call-start
scs
__scs_entry_jumppad:
0x0: {  	(pc) =	sbr.rel $0x88, $3  }
0x1: {  	(tag) =	ssettag $0x0;
	lr =	simm.s32 $0x1  }
0x2: {  	[smem:$0x3F9F] =	sst lr;
	_ =	strace $0xD0000000  }
0x3: {  	_ = 	snop  }
0x4: {  	_ = 	snop  }
0x5: {  	_ = 	snop  }
0x6: {  	_ = 	snop  }
0x7: {  	_ = 	snop  }
__scs_overlays_trampoline_lowered:
0x8: {  	[smem:$0x3FAE] =	sst s0  }
0x9: {  	[smem:$0x3FAF] =	sst s1  }
0xa: {  	[smem:$0x3FB0] =	sst s2  }
0xb: {  	[smem:$0x3FB1] =	sst s3  }
0xc: {  	[smem:$0x3FB2] =	sst s4  }
0xd: {  	[smem:$0x3FB3] =	sst s5  }
0xe: {  	[smem:$0x3FB4] =	sst s6  }
0xf: {  	[smem:$0x3FB5] =	sst s7  }
0x10: {  	[smem:$0x3FB6] =	sst s8  }
0x11: {  	[smem:$0x3FB7] =	sst s9;
	s0 =	simm.s32 @!p0 $0x0  }
0x12: {  	s1 =	sld [smem:$0x3F9D];
	s0 =	simm.s32 @p0 $0x1  }
0x13: {  	[smem:$0x3FB8] =	sst s0;
	s0 =	simm.s32 @!p1 $0x0  }
0x14: {  	s2 =	sld [smem:$0x3F9C];
	s0 =	simm.s32 @p1 $0x1  }
0x15: {  	[smem:$0x3FB9] =	sst s0;
	s0 =	simm.s32 @!p2 $0x0  }
0x16: {  	s3 =	sld [smem:$0x3FDB];
	s0 =	simm.s32 @p2 $0x1  }
0x17: {  	s4 =	simm.s32 $0x1BF5;
	[smem:$0x3FBB] =	sst s0  }
0x18: {  	s0 =	sld [smem:$0x3F9E];
	_ =	swait.ge [sflag:s4], $0x0  }
0x19: {  	s7 =	sld [smem:$0x3F9F]  }
0x1a: {  	s8 =	sadd.s32 $0xFFFFE003, lr  }
0x1b: {  	s9 =	sadd.s32 $0xFFFFFEF7, lr;
	s5 =	simm.s32 $0xFFFFFFFF;
	p2 =	slt.u32 s8, $0xFFFFF086  }
0x1c: {  	p1 =	slt.u32 s9, $0xF7A;
	s5 =	simm.s32 @!p2 $0x0  }
0x1d: {  	s5 =	simm.s32 @p1 $0x1;
	p0 =	seq.s32 s7, s2  }
0x1e: {  	s7 =	smul.u32 @!p0 $0xF7A, s2;
	p2 =	seq.s32 @!p0 s5, $0x0  }
0x1f: {  	s9 =	smul.u32 $0xF7A, s1;
	s8 =	simm.s32 @!p0 $0x1BF5;
	p2 =	por !p2, p0  }
0x20: {  	[sflag:s8] =	ssyncset.s32 @!p0 $0xFFFFF086;
	s6 =	sadd.s32 @!p0 s3, s7;
	s7 =	simm.s32 @!p0 $0x108  }
0x21: {  	s3 =	sadd.s32 s3, s9;
	s6 =	sadd.s32 @!p0 $0x88, s6;
	s7 =	simm.s32 @p2 $0x1082  }
0x22: {  	[simem:s7], [sflag:s8] =	dma.local @!p0 [hbm:s6], $0xF7A  }
0x23: {  	s9 =	sor.u32 $0xD0000000, s2;
	s6 =	simm.s32 $0x108;
	_ =	swait.ge @!p0 [sflag:s8], $0x0  }
0x24: {  	s3 =	sadd.s32 $0x88, s3;
	s6 =	simm.s32 @!p1 $0x1082;
	[sflag:s4] =	ssyncset.s32 $0xFFFFF086  }
0x25: {  	[simem:s6], [sflag:s4] =	dma.local [hbm:s3], $0xF7A  }
0x26: {  	[smem:$0x3F9F] =	sst s1;
	(tag) =	ssettag s2;
	_ =	strace s9  }
0x27: {  	s1 =	sld [smem:$0x3FAF]  }
0x28: {  	s2 =	sld [smem:$0x3FB0]  }
0x29: {  	s4 =	sld [smem:$0x3FB2]  }
0x2a: {  	p0 =	seq.s32 s5, $0x0;
	s5 =	sld [smem:$0x3FB3]  }
0x2b: {  	s6 =	sld [smem:$0x3FB4]  }
0x2c: {  	s7 =	sld [smem:$0x3FB5]  }
0x2d: {  	s3 =	simm.s32 $0x108;
	s8 =	sld [smem:$0x3FB6]  }
0x2e: {  	s3 =	simm.s32 @!p0 $0x1082;
	s9 =	sld [smem:$0x3FB7]  }
0x2f: {  	lr =	sadd.s32 s0, s3;
	s0 =	sld [smem:$0x3FAE]  }
0x30: {  	s3 =	sld [smem:$0x3FB1]  }
0x31: {  	[smem:$0x3FBA] =	sst s10  }
0x32: {  	s10 =	sld [smem:$0x3FB8];
	_ =	sdelay $0x3  }
0x33: {  	p0 =	seq.s32 s10, $0x1;
	s10 =	sld [smem:$0x3FBA];
	_ =	sdelay $0x3  }
0x34: {  	[smem:$0x3FBA] =	sst s10  }
0x35: {  	s10 =	sld [smem:$0x3FB9];
	_ =	sdelay $0x3  }
0x36: {  	p1 =	seq.s32 s10, $0x1;
	s10 =	sld [smem:$0x3FBA];
	_ =	sdelay $0x3  }
0x37: {  	[smem:$0x3FBA] =	sst s10  }
0x38: {  	s10 =	sld [smem:$0x3FBB]  }
0x39: {  	_ = 	snop;
	(pc) =	sbr.ind lr, $3  }
0x3a: {  	_ = 	snop  }
0x3b: {  	_ = 	snop  }
0x3c: {  	p2 =	seq.s32 s10, $0x1;
	s10 =	sld [smem:$0x3FBA]  }
0x3d: {  	_ =	shalt  }
0x3e: {  	_ =	shalt  }
0x3f: {  	_ =	shalt  }
0x40: {  	_ =	shalt  }
0x41: {  	_ =	shalt  }
0x42: {  	_ =	shalt  }
0x43: {  	_ =	shalt  }
0x44: {  	_ =	shalt  }
0x45: {  	_ =	shalt  }
0x46: {  	_ =	shalt  }
0x47: {  	_ =	shalt  }
0x48: {  	_ =	shalt  }
0x49: {  	_ =	shalt  }
0x4a: {  	_ =	shalt  }
0x4b: {  	_ =	shalt  }
0x4c: {  	_ =	shalt  }
0x4d: {  	_ =	shalt  }
0x4e: {  	_ =	shalt  }
0x4f: {  	_ =	shalt  }
0x50: {  	_ =	shalt  }
0x51: {  	_ =	shalt  }
0x52: {  	_ =	shalt  }
0x53: {  	_ =	shalt  }
0x54: {  	_ =	shalt  }
0x55: {  	_ =	shalt  }
0x56: {  	_ =	shalt  }
0x57: {  	_ =	shalt  }
0x58: {  	_ =	shalt  }
0x59: {  	_ =	shalt  }
0x5a: {  	_ =	shalt  }
0x5b: {  	_ =	shalt  }
0x5c: {  	_ =	shalt  }
0x5d: {  	_ =	shalt  }
0x5e: {  	_ =	shalt  }
0x5f: {  	_ =	shalt  }
0x60: {  	_ =	shalt  }
0x61: {  	_ =	shalt  }
0x62: {  	_ =	shalt  }
0x63: {  	_ =	shalt  }
0x64: {  	_ =	shalt  }
0x65: {  	_ =	shalt  }
0x66: {  	_ =	shalt  }
0x67: {  	_ =	shalt  }
0x68: {  	_ =	shalt  }
0x69: {  	_ =	shalt  }
0x6a: {  	_ =	shalt  }
0x6b: {  	_ =	shalt  }
0x6c: {  	_ =	shalt  }
0x6d: {  	_ =	shalt  }
0x6e: {  	_ =	shalt  }
0x6f: {  	_ =	shalt  }
0x70: {  	_ =	shalt  }
0x71: {  	_ =	shalt  }
0x72: {  	_ =	shalt  }
0x73: {  	_ =	shalt  }
0x74: {  	_ =	shalt  }
0x75: {  	_ =	shalt  }
0x76: {  	_ =	shalt  }
0x77: {  	_ =	shalt  }
0x78: {  	_ =	shalt  }
0x79: {  	_ =	shalt  }
0x7a: {  	_ =	shalt  }
0x7b: {  	_ =	shalt  }
0x7c: {  	_ =	shalt  }
0x7d: {  	_ =	shalt  }
0x7e: {  	_ =	shalt  }
0x7f: {  	_ =	shalt  }
0x80: {  	_ =	shalt  }
0x81: {  	_ =	shalt  }
0x82: {  	_ =	shalt  }
0x83: {  	_ =	shalt  }
0x84: {  	_ =	shalt  }
0x85: {  	_ =	shalt  }
0x86: {  	_ =	shalt  }
0x87: {  	_ =	shalt  }
.Lfunc_end0:
.L_simem_size_0:
called_computation_lowered:
.L_overlay_start_0:
0x88: {  	s2 =	sld [smem:$0x3FD9]  }
0x89: {  	s3 =	sld [smem:$0x3FFE];
	_ =	sdelay $0x1  }
0x8a: {  	s1 =	srdreg.scid  }
0x8b: {  	s0 =	sand.u32 $0x1, s1  }
0x8c: {  	s17 =	sshll.u32 s0, $0xA;
	s2 =	sadd.s32 s3, s2  }
0x8d: {  	s2 =	sadd.s32 s2, s17  }
0x8e: {  	[smem:$0x3FC6] =	sst s2  }
0x8f: {  	_ = 	snop  }
0x90: {  	s2 =	sld [smem:$0x3FC9]  }
0x91: {  	s18 =	sld [smem:$0x3FC8]  }
0x92: {  	s4 =	sld [smem:$0x3FD0];
	(tm) =	ssettm $0x1  }
0x93: {  	s5 =	sld [smem:$0x3FFB];
	_ =	sdelay $0x3  }
0x94: {  	_ =	strace s5  }
0x95: {  	s5 =	sld [smem:$0x3FFC];
	_ =	sdelay $0x3  }
0x96: {  	_ =	strace s5  }
0x97: {  	s5 =	sld [smem:$0x3FFD];
	_ =	sdelay $0x3  }
0x98: {  	_ =	strace s5  }
0x99: {  	_ =	strace $0x8FFFFFFF  }
0x9a: {  	s19 =	sld [smem:$0x3FDB];
	_ =	sdelay $0x1  }
0x9b: {  	s6 =	simm.s32 $_scs_section_size  }
0x9c: {  	s7 =	simm.s32 $_size__tile_overlayer_lowered;
	s8 =	simm.s32 $_tile_overlayer_lowered  }
0x9d: {  	s22 =	simm.s32 $0x1BFF;
	s21 =	sshll.u32 s8, $0x1;
	s5 =	sadd.s32 s6, s19  }
0x9e: {  	s9 =	simm.s32 $0x0;
	s20 =	sshll.u32 s7, $0x1;
	s7 =	sadd.s32 s21, s5  }
0x9f: {  	[timem:s9], [sflag:s22] =	dma.local [hbm:s7], s20  }
0xa0: {  	_ =	swait.ge [sflag:s22], s20  }
0xa1: {  	s6 =	ssub.s32 $0x0, s20;
	[sflag:s22] =	ssyncset.done $0x0  }
0xa2: {  	[sflag:s22] =	ssyncadd.s32 s6;
	_ =	sdelay $0x1  }
0xa3: {  	s23 =	simm.s32 $0x1B8B  }
0xa4: {  	_ =	swait.ge [sflag:s23], $0x1  }
0xa5: {  	[sflag:s23] =	ssyncset.done $0x0  }
0xa6: {  	s25 =	simm.s32 $0x1B8E;
	s24 =	sld [smem:$0x3FFE];
	[sflag:s23] =	ssyncadd.s32 $0xFFFFFFFF  }
0xa7: {  	s26 =	simm.s32 $execute0_lowered;
	[smem:$0x3FD2] =	sst s25  }
0xa8: {  	s7 =	sshll.u32 s26, $0x1;
	_ =	strace $0x80000046;
	[dreg:$0x1] =	wrdreg $0xFFFFFFFF  }
0xa9: {  	s28 =	simm.s32 $_size_execute0_lowered;
	s5 =	sadd.s32 s5, s7;
	[dreg:$0x0] =	wrdreg $0x0  }
0xaa: {  	s7 =	sshll.u32 s28, $0x1;
	[dreg:$0x2] =	wrdreg s5  }
0xab: {  	[dreg:$0x3] =	wrdreg s7  }
0xac: {  	[dreg:$0x4] =	wrdreg $0xC0  }
0xad: {  	_ =	task [dreg:s9], $0x5FFFF  }
0xae: {  	[dreg:$0x1] =	wrdreg $0xFFFFFFFF  }
0xaf: {  	[dreg:$0x0] =	wrdreg $0x60  }
0xb0: {  	[dreg:$0x2] =	wrdreg s2  }
0xb1: {  	[dreg:$0x3] =	wrdreg s18  }
0xb2: {  	[dreg:$0x4] =	wrdreg s24  }
0xb3: {  	[dreg:$0x5] =	wrdreg s4  }
0xb4: {  	[dreg:$0x6] =	wrdreg $0x0  }
0xb5: {  	[dreg:$0x7] =	wrdreg $0x9  }
0xb6: {  	_ =	task.clear_ibuf [dreg:s9], $0x8FFFF;
	_ =	strace $0x90000046  }
0xb7: {  	s29 =	simm.s32 $0x9;
	_ =	strace $0x80000048  }
0xb8: {  	_ =	swait.ge [sflag:s29], $0x1  }
0xb9: {  	[sflag:s29] =	ssyncadd.s32 $0xFFFFFFFF  }
0xba: {  	_ =	strace $0x90000048  }
0xbb: {  	_ =	sfence  }
0xbc: {  	s30 =	sld [smem:$0x0];
	_ =	sdelay $0x2  }
0xbd: {  	s31 =	sshll.u32 s1, $0xD;
	s1 =	sshrl.u32 s1, $0x2  }
0xbe: {  	s3 =	sand.u32 $0x4000, s31;
	s1 =	sadd.s32 s1, s30  }
0xbf: {  	s0 =	sor.u32 s3, s0;
	s1 =	sshll.u32 s1, $0x11  }
0xc0: {  	s0 =	sor.u32 s1, s0  }
0xc1: {  	s0 =	sadd.s32 $0x8F2B, s0  }
0xc2: {  	[sflag:s0] =	ssyncadd.remote.s32 $0x1  }
0xc3: {  	_ =	sfence.sel $0xFFFF  }
0xc4: {  	[dreg:$0x0] =	wrdreg $0xFFFFFFFF;
	(pc) =	sbr.abs _section_cstart, $3  }
0xc5: {  	[dreg:$0x1] =	wrdreg $0xFFFFFFFF  }
0xc6: {  	_ =	task.clear_ibuf [dreg:s9], $0x2FFFF;
	_ =	strace $0x9FFFFFFF  }
0xc7: {  	(tm) =	ssettm $0x7FFFFFFF  }
tec
execute0_lowered:
.L_overlay_start_1:
0x0: {  	(tag) =	ssettag $0x1  }
0x1: {  	s1 =	rddreg [dreg:$0x0]  }
0x2: {  	s2 =	rddreg [dreg:$0x1]  }
0x3: {  	s12 =	rddreg [dreg:$0x2]  }
0x4: {  	s14 =	rddreg [dreg:$0x3]  }
0x5: {  	s4 =	rddreg [dreg:$0x4];
	s3 =	stileid.u32;
	s5 =	simm.s32 $0x0  }
0x6: {  	s6 =	srdreg.scid;
	s20 =	simm.s32 $0x9;
	s7 =	smul.u32 $0x27000, s3  }
0x7: {  	s21 =	simm.s32 $0xA;
	s23 =	simm.s32 $0x0;
	s11 =	smul.u32 $0x138, s3  }
0x8: {  	[smem:$0x7FF] =	sst s5;
	s18 =	sand.u32 $0x1, s6;
	s16 =	smul.u32 $0x14, s3  }
0x9: {  	p0 =	seq.s32 s3, $0x0;
	s31 =	sadd.s32 $0x30000, s1;
	p3 =	sne.s32 s3, $0xF  }
0xa: {  	_ =	strace $0x80000047;
	s8 =	ssub.s32 $0x2, s18;
	s22 =	smul.u32 $0x1388, s18  }
0xb: {  	s13 =	smul.u32 $0x9C400, s18;
	[dreg:$0xa] =	wrdreg s31;
	p1 =	sne.s32 @!p0 s3, $0xF  }
0xc: {  	p2 =	seq.s32 s18, $0x0;
	s29 =	sshrl.u32 s7, $0x2;
	s30 =	sshrl.u32 s8, $0x1  }
0xd: {  	s12 =	sadd.s32 s12, s16;
	p1 =	por p1, p0;
	s6 =	sadd.s32 s29, s4  }
0xe: {  	s15 =	ssub.s32 s8, s30;
	s17 =	sadd.s32 s11, s22;
	s11 =	sadd.s32 $0x9C000, s4  }
0xf: {  	s19 =	sshrl.u32 s13, $0x3;
	v0 =	vmov s22;
	s22 =	simm.s32 $0x5;
	s0 =	sadd.s32 $0x2000, s6  }
.Ltmp0:
0x10: {  	s8 =	sadd.s32 $0x4000, s6;
	s9 =	sadd.s32 $0x6000, s6;
	(pc) =	sbr.rel .LBB2_1-.Ltmp0, $4  }
0x11: {  	s10 =	sadd.s32 $0x8000, s6;
	s17 =	sshll.u32 s17, $0x4;
	s15 =	smax.u32 s15, $0x1  }
0x12: {  	[dreg:$0x9] =	wrdreg s0;
	s13 =	sadd.s32 s14, s17;
	s0 =	simm.s32 @!p1 $0x0  }
0x13: {  	s14 =	sadd.s32 s14, s19;
	s17 =	simm.s32 $0x19E80;
	s0 =	simm.s32 @p1 $0x1  }
0x14: {  	v1 =	vimm.f32 $0.0e+00;
	v2 =	vimm.s32 $0x0;
	s19 =	simm.s32 $0xB;
	s14 =	sadd.s32 $0x13800, s14;
	[smem:$0x7FD] =	sst s0  }
.LBB2_8:
0x15: {  	s0 =	sshll.u32 s3, $0x6  }
0x16: {  	[bflag:$0x0] =	sbarrier.arrive $0xFFFF;
	s7 =	sshrl.u32 s6, $0x3;
	s0 =	sor.u32 $0x1C0B, s0  }
0x17: {  	[hbm:s13], [sflag:s0] =	dma.local [spmem:s7], $0x1380  }
0x18: {  	_ =	swait.ge [sflag:s19], $0x1380  }
0x19: {  	s23 =	sadd.s32 $0x1, s23;
	[sflag:s19] =	ssyncset.done $0x0  }
0x1a: {  	p1 =	sne.s32 s23, s15;
	s7 =	sshrl.u32 @!p3 s11, $0x3;
	[sflag:s19] =	ssyncadd.s32 $0xFFFFEC80  }
0x1b: {  	[hbm:s14], [sflag:s0] =	dma.local @!p3 [spmem:s7], $0x80  }
.Ltmp1:
0x1c: {  	_ = 	snop;
	(pc) =	sbr.rel @!p1 .LBB2_9-.Ltmp1, $4  }
0x1d: {  	s0 =	simm.s32 @!p3 $0xB  }
0x1e: {  	_ =	swait.ge @!p3 [sflag:s0], $0x80  }
0x1f: {  	[sflag:s0] =	ssyncset.done @!p3 $0x0  }
0x20: {  	[sflag:s0] =	ssyncadd.s32 @!p3 $0xFFFFFF80  }
.LBB2_1:
0x21: {  	s24 =	simm.s32 $0x0;
	s25 =	simm.s32 $0x200  }
.LBB2_2:
0x22: {  	p4 =	sne.s32 s25, $0x7E00;
	[tilespmem:s24+$0x19EF0] =	vst v1  }
0x23: {  	[tilespmem:s24+$0x19E80] =	vst v1  }
0x24: {  	[tilespmem:s24+$0x19E90] =	vst v1  }
.Ltmp2:
0x25: {  	[tilespmem:s24+$0x19EA0] =	vst v1;
	(pc) =	sbr.rel @p4 .LBB2_2-.Ltmp2, $4  }
0x26: {  	[tilespmem:s24+$0x19EB0] =	vst v1  }
0x27: {  	[tilespmem:s24+$0x19EC0] =	vst v1  }
0x28: {  	[tilespmem:s24+$0x19ED0] =	vst v1  }
0x29: {  	[tilespmem:s24+$0x19EE0] =	vst v1;
	s24 =	sshra.s32 s25, $0x2;
	s25 =	sadd.s32 $0x200, s25  }
0x2a: {  	[tilespmem:s24+$0x19EF0] =	vst v1  }
0x2b: {  	[tilespmem:s24+$0x19E80] =	vst v1  }
0x2c: {  	[tilespmem:s24+$0x19E90] =	vst v1  }
0x2d: {  	[tilespmem:s24+$0x19EA0] =	vst v1  }
0x2e: {  	[tilespmem:s24+$0x19EB0] =	vst v1  }
0x2f: {  	[tilespmem:s24+$0x19EC0] =	vst v1  }
0x30: {  	[tilespmem:s24+$0x19ED0] =	vst v1  }
0x31: {  	[tilespmem:s24+$0x19EE0] =	vst v1  }
0x32: {  	[spmem:s6] =	stream.linear.scatter [tilespmem:s17], [sflag:$0x5], $0x2000, $0x38;
	[tilespmem:$0x1BF80] =	vst v63  }
0x33: {  	s0 =	rddreg [dreg:$0x9]  }
0x34: {  	[spmem:s0] =	stream.linear.scatter [tilespmem:s17], [sflag:$0x5], $0x2000, $0x38;
	[tilespmem:$0x1BF80] =	vst v63  }
0x35: {  	s30 =	sld [smem:$0x7FD]  }
0x36: {  	[spmem:s8] =	stream.linear.scatter [tilespmem:s17], [sflag:$0x5], $0x2000, $0x38;
	[tilespmem:$0x1BF80] =	vst v63  }
0x37: {  	_ = 	snop  }
0x38: {  	[spmem:s9] =	stream.linear.scatter [tilespmem:s17], [sflag:$0x5], $0x2000, $0x38;
	[tilespmem:$0x1BF80] =	vst v63  }
0x39: {  	s24 =	simm.s32 @p0 $0x0;
	p1 =	seq.s32 s30, $0x1  }
0x3a: {  	[spmem:s10] =	stream.linear.scatter [tilespmem:s17], [sflag:$0x5], $0x1C00, $0x38;
	[tilespmem:$0x1BF80] =	vst v63  }
0x3b: {  	[smem:$0x0] =	sst @p0 s24;
	s24 =	simm.s32 @!p1 $0x19E80  }
0x3c: {  	[spmem:s11] =	stream.linear.scatter @!p1 [tilespmem:s24], [sflag:$0x5], $0x400, $0x38;
	[tilespmem:$0x1BF80] =	vst v63  }
0x3d: {  	s31 =	simm.s32 $0x1BE80;
	[bflag:$0x0] =	sbarrier.arrive $0xFFFF  }
0x3e: {  	[tilespmem:s31], [sflag:$0xB] =	stream.linear.gather [hbm4b:s12+s5], $0xA0, $0x38;
	[tilespmem:$0x1BF80] =	vst v63  }
0x3f: {  	_ =	swait.ge [sflag:s19], $0xA0  }
0x40: {  	[sflag:s19] =	ssyncset.done $0x0  }
0x41: {  	[sflag:s19] =	ssyncadd.s32 $0xFFFFFF60  }
0x42: {  	v3 =	vld [tilespmem:$0x1BE80]  }
0x43: {  	v4 =	vld [tilespmem:$0x1BE90]  }
0x44: {  	v5 =	vld [tilespmem:$0x1BEA0]  }
0x45: {  	v6 =	vld [tilespmem:$0x1BEB0]  }
0x46: {  	v7 =	vld [tilespmem:$0x1BEC0]  }
0x47: {  	v8 =	vld [tilespmem:$0x1BED0]  }
0x48: {  	vm0 =	vlt.s32 v3, $0x1388;
	vm1 =	vlt.s32 v4, $0x1388;
	v3 =	vld [tilespmem:$0x1BEE0]  }
0x49: {  	v52 =	vld [tilespmem:$0x1BEF0];
	vm8 =	vlt.s32 v5, $0x1388;
	v51 =	vsel vm0, $0x1, v2;
	v9 =	vsel vm1, $0x1, v2  }
0x4a: {  	v53 =	vld [tilespmem:$0x1BF00];
	vm9 =	vlt.s32 v6, $0x1388;
	v10 =	vsel vm8, $0x1, v2;
	v9 =	vadd.s32 v9, v51  }
0x4b: {  	v54 =	vld [tilespmem:$0x1BF10];
	vm10 =	vlt.s32 v7, $0x1388;
	v11 =	vsel vm9, $0x1, v2;
	v10 =	vadd.s32 v10, v9  }
0x4c: {  	vm11 =	vlt.s32 v8, $0x1388;
	v12 =	vsel vm10, $0x1, v2;
	v11 =	vadd.s32 v11, v10  }
0x4d: {  	v56 =	vsel vm11, $0x1, v2;
	v55 =	vadd.s32 v12, v11;
	vm12 =	vlt.s32 v3, $0x1388  }
0x4e: {  	vm13 =	vlt.s32 v52, $0x1388;
	v3 =	vadd.s32 v56, v55;
	v57 =	vsel vm12, $0x1, v2  }
0x4f: {  	vm14 =	vlt.s32 v53, $0x1388;
	v59 =	vsel vm13, $0x1, v2;
	v58 =	vadd.s32 v57, v3  }
0x50: {  	vm15 =	vlt.s32 v54, $0x1388;
	v61 =	vsel vm14, $0x1, v2;
	v60 =	vadd.s32 v59, v58  }
0x51: {  	v63 =	vsel vm15, $0x1, v2;
	v62 =	vadd.s32 v61, v60  }
0x52: {  	v12 =	vadd.s32 v63, v62  }
0x53: {  	(v2sf) =	vpush v12, $0x0  }
0x54: {  	(v2sf) =	vpush v12, $0x1  }
0x55: {  	(v2sf) =	vpush v12, $0x2  }
0x56: {  	(v2sf) =	vpush v12, $0x3  }
0x57: {  	(v2sf) =	vpush v12, $0x4  }
0x58: {  	(v2sf) =	vpush v12, $0x5  }
0x59: {  	(v2sf) =	vpush v12, $0x6  }
0x5a: {  	(v2sf) =	vpush v12, $0x7  }
0x5b: {  	(v2sf) =	vpush v12, $0x8  }
0x5c: {  	(v2sf) =	vpush v12, $0x9  }
0x5d: {  	(v2sf) =	vpush v12, $0xA  }
0x5e: {  	(v2sf) =	vpush v12, $0xB  }
0x5f: {  	(v2sf) =	vpush v12, $0xC  }
0x60: {  	(v2sf) =	vpush v12, $0xD  }
0x61: {  	(v2sf) =	vpush v12, $0xE  }
0x62: {  	s0 =	spop (v2sf);
	(v2sf) =	vpush v12, $0xF  }
0x63: {  	s25 =	spop (v2sf)  }
0x64: {  	s26 =	spop (v2sf);
	s24 =	sadd.s32 s25, s0  }
0x65: {  	s7 =	spop (v2sf);
	s24 =	sadd.s32 s26, s24  }
0x66: {  	s16 =	spop (v2sf);
	s24 =	sadd.s32 s7, s24  }
0x67: {  	s18 =	spop (v2sf);
	s24 =	sadd.s32 s16, s24  }
0x68: {  	[tilespmem:$0x19C80] =	vst v2;
	s29 =	spop (v2sf);
	s24 =	sadd.s32 s18, s24  }
0x69: {  	[tilespmem:$0x19C80] =	vst v51;
	s30 =	spop (v2sf);
	s24 =	sadd.s32 s29, s24  }
0x6a: {  	[tilespmem:$0x19C80] =	vst v9;
	s31 =	spop (v2sf);
	s24 =	sadd.s32 s30, s24  }
0x6b: {  	[tilespmem:$0x19C80] =	vst v10;
	s0 =	spop (v2sf);
	s24 =	sadd.s32 s31, s24  }
0x6c: {  	[tilespmem:$0x19C80] =	vst v11;
	s7 =	spop (v2sf);
	s24 =	sadd.s32 s0, s24  }
0x6d: {  	[tilespmem:$0x19C80] =	vst v55;
	s16 =	spop (v2sf);
	s24 =	sadd.s32 s7, s24  }
0x6e: {  	[tilespmem:$0x19C80] =	vst v3;
	s18 =	spop (v2sf);
	s24 =	sadd.s32 s16, s24  }
0x6f: {  	[tilespmem:$0x19C80] =	vst v58;
	s29 =	spop (v2sf);
	s24 =	sadd.s32 s18, s24  }
0x70: {  	[tilespmem:$0x19C80] =	vst v60;
	s30 =	spop (v2sf);
	s24 =	sadd.s32 s29, s24  }
0x71: {  	[tilespmem:$0x19C80] =	vst v62;
	s24 =	sadd.s32 s30, s24;
	s31 =	spop (v2sf)  }
0x72: {  	[tilespmem:$0x19C80] =	vst v12;
	[sflag:s20] =	ssyncset.done $0x0;
	s24 =	sadd.s32 s31, s24  }
0x73: {  	[smem:s5], [sflag:$0x9] =	smem.add.s32 s24  }
0x74: {  	_ =	swait.done [sflag:s20]  }
0x75: {  	[sflag:s20] =	ssyncset.s32 $0x0  }
0x76: {  	[sflag:s20] =	ssyncset.done $0x0  }
0x77: {  	[bflag:$0x0] =	sbarrier.arrive $0xFFFF  }
0x78: {  	[sflag:s21] =	ssyncset.done $0x0  }
0x79: {  	[smem:s5], [sflag:$0xA] =	smem.add.s32 $0x0  }
0x7a: {  	_ =	swait.done [sflag:s21]  }
0x7b: {  	s24 =	ssyncread [sflag:$0xA];
	_ =	sdelay $0x2  }
0x7c: {  	s25 =	sadd.s32 $0xFFFFFFFF, s24  }
0x7d: {  	p4 =	sgt.s32 s25, $0x0  }
0x7e: {  	s25 =	simm.s32 @!p4 $0x0  }
0x7f: {  	s25 =	simm.s32 @p2 $0x0  }
0x80: {  	s24 =	simm.s32 @!p2 $0x9C4;
	s28 =	sadd.s32 s3, s25  }
0x81: {  	s24 =	ssub.s32 s24, s28  }
0x82: {  	p4 =	sgt.s32 s24, $0x0  }
0x83: {  	s24 =	simm.s32 @!p4 $0x0  }
0x84: {  	s24 =	sadd.s32 $0xF, s24  }
0x85: {  	s0 =	sand.u32 $0xF, s24  }
0x86: {  	s7 =	sshra.s32 s24, $0x1F;
	p1 =	slt.s32 s24, $0x0;
	p5 =	sne.s32 s0, $0x0  }
0x87: {  	s16 =	sshrl.u32 s7, $0x1C;
	p4 =	por !p1, !p5  }
0x88: {  	s25 =	simm.s32 $0x1;
	s24 =	sadd.s32 s16, s24;
	p4 =	por !p4, !p4  }
0x89: {  	s24 =	sshra.s32 s24, $0x4;
	s25 =	simm.s32 @!p4 $0x0  }
0x8a: {  	s24 =	ssub.s32 s24, s25  }
0x8b: {  	p4 =	slt.s32 s24, $0x1  }
0x8c: {  	[sflag:s21] =	ssyncset.s32 $0x0;
	s25 =	sshll.u32 @!p4 s28, $0xB  }
0x8d: {  	[sflag:s21] =	ssyncset.done $0x0;
	s25 =	sand.u32 @!p4 $0x1FFFF800, s25  }
0x8e: {  	s26 =	simm.s32 @!p4 $0x0;
	s29 =	simm.s32 @!p4 $0x9C80;
	s25 =	sadd.s32 @!p4 s1, s25  }
0x8f: {  	[tilespmem:s29], [sflag:$0x1] =	stream.linear.gather @!p4 [hbm4b:s25+s26], $0x4000, $0x38;
	[tilespmem:$0x1BF80] =	vst v63  }
0x90: {  	s25 =	sshll.u32 @!p4 s28, $0x4  }
0x91: {  	p5 =	seq.s32 @!p4 s24, $0x1;
	s25 =	sand.u32 @!p4 $0x1FFFFFF0, s25  }
0x92: {  	p6 =	por p5, p4;
	s29 =	simm.s32 @!p4 $0x19C80;
	s25 =	sadd.s32 @!p4 s2, s25  }
0x93: {  	[tilespmem:s29], [sflag:$0x1] =	stream.linear.gather @!p4 [hbm4b:s25+s26], $0x80, $0x38;
	[tilespmem:$0x1BF80] =	vst v63  }
0x94: {  	s25 =	sshll.u32 @!p6 s28, $0x7  }
0x95: {  	s26 =	sadd.s32 @!p6 $0x800, s25  }
0x96: {  	s30 =	simm.s32 @!p6 $0x0;
	s29 =	sshll.u32 @!p6 s26, $0x4  }
0x97: {  	s31 =	simm.s32 @!p6 $0xDC80;
	s26 =	sshrl.u32 @!p6 s26, $0x3;
	s29 =	sadd.s32 @!p6 s1, s29  }
0x98: {  	[tilespmem:s31], [sflag:$0x2] =	stream.linear.gather @!p6 [hbm4b:s29+s30], $0x4000, $0x38;
	[tilespmem:$0x1BF80] =	vst v63  }
0x99: {  	s26 =	sadd.s32 @!p6 s2, s26;
	s29 =	simm.s32 @!p6 $0x19D00  }
0x9a: {  	[tilespmem:s29], [sflag:$0x2] =	stream.linear.gather @!p6 [hbm4b:s26+s30], $0x80, $0x38;
	[tilespmem:$0x1BF80] =	vst v63  }
0x9b: {  	p6 =	slt.u32 @!p6 s24, $0x3  }
0x9c: {  	p5 =	por @!p4 p6, p5  }
0x9d: {  	p5 =	por p5, p4  }
0x9e: {  	s25 =	sadd.s32 @!p5 $0x1000, s25  }
0x9f: {  	s29 =	simm.s32 @!p5 $0x0;
	s26 =	sshll.u32 @!p5 s25, $0x4  }
0xa0: {  	s30 =	simm.s32 @!p5 $0x11C80;
	s25 =	sshrl.u32 @!p5 s25, $0x3;
	s26 =	sadd.s32 @!p5 s1, s26  }
0xa1: {  	[tilespmem:s30], [sflag:$0x3] =	stream.linear.gather @!p5 [hbm4b:s26+s29], $0x4000, $0x38;
	[tilespmem:$0x1BF80] =	vst v63  }
0xa2: {  	s25 =	sadd.s32 @!p5 s2, s25;
	s26 =	simm.s32 @!p5 $0x19D80  }
0xa3: {  	[tilespmem:s26], [sflag:$0x3] =	stream.linear.gather @!p5 [hbm4b:s25+s29], $0x80, $0x38;
	[tilespmem:$0x1BF80] =	vst v63  }
0xa4: {  	_ =	swait.ge [sflag:s22], $0x2000  }
0xa5: {  	[sflag:s22] =	ssyncset.done $0x0  }
0xa6: {  	[sflag:s22] =	ssyncadd.s32 $0xFFFFE000  }
0xa7: {  	_ =	swait.ge [sflag:s22], $0x2000  }
0xa8: {  	[sflag:s22] =	ssyncset.done $0x0  }
0xa9: {  	[sflag:s22] =	ssyncadd.s32 $0xFFFFE000  }
0xaa: {  	_ =	swait.ge [sflag:s22], $0x2000  }
0xab: {  	s18 =	sadd.s32 $0x3, s24;
	[sflag:s22] =	ssyncset.done $0x0  }
0xac: {  	s31 =	sshrl.u32 s18, $0x1E;
	s25 =	sand.u32 $0x3, s18;
	[sflag:s22] =	ssyncadd.s32 $0xFFFFE000  }
0xad: {  	p6 =	slt.s32 s24, $0xFFFFFFFE;
	p1 =	sne.s32 s25, $0x0;
	_ =	swait.ge [sflag:s22], $0x2000  }
0xae: {  	s30 =	simm.s32 $0x1;
	p5 =	por !p6, !p1;
	[sflag:s22] =	ssyncset.done $0x0  }
0xaf: {  	s26 =	sadd.s32 s31, s18;
	p5 =	por !p5, !p5;
	[sflag:s22] =	ssyncadd.s32 $0xFFFFE000  }
0xb0: {  	s26 =	sshra.s32 s26, $0x2;
	s30 =	simm.s32 @!p5 $0x0;
	_ =	swait.ge [sflag:s22], $0x1C00  }
0xb1: {  	s26 =	ssub.s32 s26, s30;
	[sflag:s22] =	ssyncset.done $0x0  }
0xb2: {  	s29 =	simm.s32 @!p3 $0x5;
	p5 =	slt.s32 s26, $0x1;
	[sflag:s22] =	ssyncadd.s32 $0xFFFFE400  }
.Ltmp3:
0xb3: {  	_ =	swait.ge @!p3 [sflag:s29], $0x400;
	(pc) =	sbr.rel @p5 .LBB2_6-.Ltmp3, $3  }
0xb4: {  	[sflag:s29] =	ssyncset.done @!p3 $0x0  }
0xb5: {  	[sflag:s29] =	ssyncadd.s32 @!p3 $0xFFFFFC00  }
0xb6: {  	[bflag:$0x0] =	sbarrier.arrive $0xFFFF;
	_ =	sdelay $0x1  }
0xb7: {  	s29 =	sadd.s32 $0xFFFFFFFF, s24;
	s0 =	rddreg [dreg:$0xa]  }
0xb8: {  	[dreg:$0x6] =	wrdreg s29;
	s29 =	sadd.s32 $0xFFFFFFFE, s24  }
0xb9: {  	[dreg:$0x7] =	wrdreg s29;
	s29 =	sadd.s32 $0xFFFFFFFD, s24  }
0xba: {  	[dreg:$0x8] =	wrdreg s29;
	s29 =	sshll.u32 s28, $0x7;
	s28 =	sshll.u32 s28, $0xB  }
0xbb: {  	s30 =	simm.s32 $0x6;
	s28 =	sadd.s32 s28, s0;
	s29 =	sadd.s32 $0x3000, s29  }
.LBB2_5:
0xbc: {  	s31 =	sadd.s32 $0xFFFFFFFA, s30  }
0xbd: {  	p5 =	sge.s32 s31, s24  }
0xbe: {  	s0 =	simm.s32 @!p5 $0x1  }
0xbf: {  	_ =	swait.ge @!p5 [sflag:s0], $0x4000  }
0xc0: {  	[sflag:s0] =	ssyncset.done @!p5 $0x0  }
0xc1: {  	[sflag:s0] =	ssyncadd.s32 @!p5 $0xFFFFC000  }
0xc2: {  	_ =	swait.ge @!p5 [sflag:s0], $0x80  }
0xc3: {  	[sflag:s0] =	ssyncset.done @!p5 $0x0  }
0xc4: {  	[sflag:s0] =	ssyncadd.s32 @!p5 $0xFFFFFF80  }
0xc5: {  	v3 =	vld @!p5 [tilespmem:$0x19C80]  }
0xc6: {  	v4 =	vld @!p5 [tilespmem:$0x19C90]  }
0xc7: {  	v5 =	vld @!p5 [tilespmem:$0x19CA0]  }
0xc8: {  	v6 =	vld @!p5 [tilespmem:$0x19CB0]  }
0xc9: {  	v7 =	vld @!p5 [tilespmem:$0x19CC0]  }
0xca: {  	v8 =	vld @!p5 [tilespmem:$0x19CD0];
	v3 =	vsub.s32 @!p5 v3, v0  }
0xcb: {  	v9 =	vld @!p5 [tilespmem:$0x19CE0];
	v4 =	vsub.s32 @!p5 v4, v0;
	v3 =	vmin.u32 @!p5 v3, $0x1388  }
0xcc: {  	[tilespmem:$0x19C80] =	vst @!p5 v3;
	v3 =	vmin.u32 @!p5 v4, $0x1388;
	v4 =	vsub.s32 @!p5 v5, v0;
	v5 =	vld @!p5 [tilespmem:$0x19CF0]  }
0xcd: {  	[tilespmem:$0x19C90] =	vst @!p5 v3;
	v3 =	vmin.u32 @!p5 v4, $0x1388;
	v4 =	vsub.s32 @!p5 v6, v0  }
0xce: {  	[tilespmem:$0x19CA0] =	vst @!p5 v3;
	v3 =	vmin.u32 @!p5 v4, $0x1388;
	v4 =	vsub.s32 @!p5 v7, v0  }
0xcf: {  	[tilespmem:$0x19CB0] =	vst @!p5 v3;
	v3 =	vmin.u32 @!p5 v4, $0x1388;
	v4 =	vsub.s32 @!p5 v8, v0  }
0xd0: {  	[tilespmem:$0x19CC0] =	vst @!p5 v3;
	v3 =	vmin.u32 @!p5 v4, $0x1388;
	v4 =	vsub.s32 @!p5 v9, v0  }
0xd1: {  	[tilespmem:$0x19CD0] =	vst @!p5 v3;
	v3 =	vmin.u32 @!p5 v4, $0x1388;
	v4 =	vsub.s32 @!p5 v5, v0  }
0xd2: {  	s18 =	simm.s32 @!p5 $0x19C80;
	p6 =	seq.s32 @!p5 s30, $0x6;
	[tilespmem:$0x19CE0] =	vst @!p5 v3;
	v3 =	vmin.u32 @!p5 v4, $0x1388  }
0xd3: {  	s16 =	simm.s32 @!p5 $0x9C80;
	p6 =	por p6, p5;
	s0 =	simm.s32 @!p5 $0x80;
	[tilespmem:$0x19CF0] =	vst @!p5 v3  }
0xd4: {  	[spmem:s4] =	stream.indirect.scatter.add.f32 @!p5 [tilespmem:s16], [sflag:$0x5], $0x80, s18, s0, $0xb8;
	[tilespmem:$0x1BF80] =	vst v63  }
0xd5: {  	s0 =	simm.s32 @!p6 $0x8;
	s16 =	sadd.s32 @!p5 $0xFFFFFFFD, s30  }
0xd6: {  	_ =	swait.ge @!p6 [sflag:s0], $0x4000;
	p1 =	sge.s32 @!p5 s16, s24  }
0xd7: {  	p1 =	por p1, p5;
	[sflag:s0] =	ssyncset.done @!p6 $0x0  }
0xd8: {  	[sflag:s0] =	ssyncadd.s32 @!p6 $0xFFFFC000;
	s0 =	sadd.s32 @!p1 $0xFFFFE800, s29  }
0xd9: {  	s16 =	sadd.s32 @!p1 $0xFFFE8000, s28;
	s18 =	simm.s32 @!p1 $0x0;
	s7 =	simm.s32 @!p1 $0x15C80  }
0xda: {  	[tilespmem:s7], [sflag:$0x4] =	stream.linear.gather @!p1 [hbm4b:s16+s18], $0x4000, $0x38;
	[tilespmem:$0x1BF80] =	vst v63  }
0xdb: {  	s0 =	sshrl.u32 @!p1 s0, $0x3;
	s7 =	rddreg [dreg:$0x6]  }
0xdc: {  	s16 =	simm.s32 @!p1 $0x19E00;
	s0 =	sadd.s32 @!p1 s2, s0;
	p5 =	sge.s32 s31, s7  }
0xdd: {  	[tilespmem:s16], [sflag:$0x4] =	stream.linear.gather @!p1 [hbm4b:s0+s18], $0x80, $0x38;
	[tilespmem:$0x1BF80] =	vst v63  }
0xde: {  	s0 =	simm.s32 @!p5 $0x2  }
0xdf: {  	_ =	swait.ge @!p5 [sflag:s0], $0x4000  }
0xe0: {  	[sflag:s0] =	ssyncset.done @!p5 $0x0  }
0xe1: {  	[sflag:s0] =	ssyncadd.s32 @!p5 $0xFFFFC000  }
0xe2: {  	_ =	swait.ge @!p5 [sflag:s0], $0x80  }
0xe3: {  	[sflag:s0] =	ssyncset.done @!p5 $0x0  }
0xe4: {  	[sflag:s0] =	ssyncadd.s32 @!p5 $0xFFFFFF80  }
0xe5: {  	v3 =	vld @!p5 [tilespmem:$0x19D00]  }
0xe6: {  	v4 =	vld @!p5 [tilespmem:$0x19D10]  }
0xe7: {  	v5 =	vld @!p5 [tilespmem:$0x19D20]  }
0xe8: {  	v6 =	vld @!p5 [tilespmem:$0x19D30]  }
0xe9: {  	v7 =	vld @!p5 [tilespmem:$0x19D40]  }
0xea: {  	v8 =	vld @!p5 [tilespmem:$0x19D50];
	v3 =	vsub.s32 @!p5 v3, v0  }
0xeb: {  	v9 =	vld @!p5 [tilespmem:$0x19D60];
	v4 =	vsub.s32 @!p5 v4, v0;
	v3 =	vmin.u32 @!p5 v3, $0x1388  }
0xec: {  	[tilespmem:$0x19D00] =	vst @!p5 v3;
	v3 =	vmin.u32 @!p5 v4, $0x1388;
	v4 =	vsub.s32 @!p5 v5, v0;
	v5 =	vld @!p5 [tilespmem:$0x19D70]  }
0xed: {  	[tilespmem:$0x19D10] =	vst @!p5 v3;
	v3 =	vmin.u32 @!p5 v4, $0x1388;
	v4 =	vsub.s32 @!p5 v6, v0  }
0xee: {  	[tilespmem:$0x19D20] =	vst @!p5 v3;
	v3 =	vmin.u32 @!p5 v4, $0x1388;
	v4 =	vsub.s32 @!p5 v7, v0  }
0xef: {  	[tilespmem:$0x19D30] =	vst @!p5 v3;
	v3 =	vmin.u32 @!p5 v4, $0x1388;
	v4 =	vsub.s32 @!p5 v8, v0  }
0xf0: {  	[tilespmem:$0x19D40] =	vst @!p5 v3;
	v3 =	vmin.u32 @!p5 v4, $0x1388;
	v4 =	vsub.s32 @!p5 v9, v0  }
0xf1: {  	[tilespmem:$0x19D50] =	vst @!p5 v3;
	v3 =	vmin.u32 @!p5 v4, $0x1388;
	v4 =	vsub.s32 @!p5 v5, v0  }
0xf2: {  	[tilespmem:$0x19D60] =	vst @!p5 v3;
	v3 =	vmin.u32 @!p5 v4, $0x1388  }
0xf3: {  	s7 =	simm.s32 @!p5 $0x19D00;
	s16 =	simm.s32 @!p5 $0xDC80;
	s0 =	simm.s32 @!p5 $0x80;
	[tilespmem:$0x19D70] =	vst @!p5 v3  }
0xf4: {  	[spmem:s4] =	stream.indirect.scatter.add.f32 @!p5 [tilespmem:s16], [sflag:$0x6], $0x80, s7, s0, $0xb8;
	[tilespmem:$0x1BF80] =	vst v63  }
0xf5: {  	s0 =	simm.s32 @!p5 $0x5;
	s7 =	sadd.s32 @!p5 $0xFFFFFFFE, s30  }
0xf6: {  	_ =	swait.ge @!p5 [sflag:s0], $0x4000;
	p1 =	sge.s32 @!p5 s7, s24  }
0xf7: {  	[sflag:s0] =	ssyncset.done @!p5 $0x0;
	p1 =	por p1, p5  }
0xf8: {  	[sflag:s0] =	ssyncadd.s32 @!p5 $0xFFFFC000;
	s0 =	sadd.s32 @!p1 $0xFFFFF000, s29  }
0xf9: {  	s7 =	sadd.s32 @!p1 $0xFFFF0000, s28;
	s16 =	simm.s32 @!p1 $0x0;
	s18 =	simm.s32 @!p1 $0x9C80  }
0xfa: {  	[tilespmem:s18], [sflag:$0x1] =	stream.linear.gather @!p1 [hbm4b:s7+s16], $0x4000, $0x38;
	[tilespmem:$0x1BF80] =	vst v63  }
0xfb: {  	s0 =	sshrl.u32 @!p1 s0, $0x3;
	s7 =	rddreg [dreg:$0x7]  }
0xfc: {  	s18 =	simm.s32 @!p1 $0x19C80;
	s0 =	sadd.s32 @!p1 s2, s0;
	p5 =	sge.s32 s31, s7  }
0xfd: {  	[tilespmem:s18], [sflag:$0x1] =	stream.linear.gather @!p1 [hbm4b:s0+s16], $0x80, $0x38;
	[tilespmem:$0x1BF80] =	vst v63  }
0xfe: {  	s0 =	simm.s32 @!p5 $0x3  }
0xff: {  	_ =	swait.ge @!p5 [sflag:s0], $0x4000  }
0x100: {  	[sflag:s0] =	ssyncset.done @!p5 $0x0  }
0x101: {  	[sflag:s0] =	ssyncadd.s32 @!p5 $0xFFFFC000  }
0x102: {  	_ =	swait.ge @!p5 [sflag:s0], $0x80  }
0x103: {  	[sflag:s0] =	ssyncset.done @!p5 $0x0  }
0x104: {  	[sflag:s0] =	ssyncadd.s32 @!p5 $0xFFFFFF80  }
0x105: {  	v3 =	vld @!p5 [tilespmem:$0x19D80]  }
0x106: {  	v4 =	vld @!p5 [tilespmem:$0x19D90]  }
0x107: {  	v5 =	vld @!p5 [tilespmem:$0x19DA0]  }
0x108: {  	v6 =	vld @!p5 [tilespmem:$0x19DB0]  }
0x109: {  	v7 =	vld @!p5 [tilespmem:$0x19DC0]  }
0x10a: {  	v8 =	vld @!p5 [tilespmem:$0x19DD0];
	v3 =	vsub.s32 @!p5 v3, v0  }
0x10b: {  	v9 =	vld @!p5 [tilespmem:$0x19DE0];
	v4 =	vsub.s32 @!p5 v4, v0;
	v3 =	vmin.u32 @!p5 v3, $0x1388  }
0x10c: {  	[tilespmem:$0x19D80] =	vst @!p5 v3;
	v3 =	vmin.u32 @!p5 v4, $0x1388;
	v4 =	vsub.s32 @!p5 v5, v0;
	v5 =	vld @!p5 [tilespmem:$0x19DF0]  }
0x10d: {  	[tilespmem:$0x19D90] =	vst @!p5 v3;
	v3 =	vmin.u32 @!p5 v4, $0x1388;
	v4 =	vsub.s32 @!p5 v6, v0  }
0x10e: {  	[tilespmem:$0x19DA0] =	vst @!p5 v3;
	v3 =	vmin.u32 @!p5 v4, $0x1388;
	v4 =	vsub.s32 @!p5 v7, v0  }
0x10f: {  	[tilespmem:$0x19DB0] =	vst @!p5 v3;
	v3 =	vmin.u32 @!p5 v4, $0x1388;
	v4 =	vsub.s32 @!p5 v8, v0  }
0x110: {  	[tilespmem:$0x19DC0] =	vst @!p5 v3;
	v3 =	vmin.u32 @!p5 v4, $0x1388;
	v4 =	vsub.s32 @!p5 v9, v0  }
0x111: {  	[tilespmem:$0x19DD0] =	vst @!p5 v3;
	v3 =	vmin.u32 @!p5 v4, $0x1388;
	v4 =	vsub.s32 @!p5 v5, v0  }
0x112: {  	[tilespmem:$0x19DE0] =	vst @!p5 v3;
	v3 =	vmin.u32 @!p5 v4, $0x1388  }
0x113: {  	s7 =	simm.s32 @!p5 $0x19D80;
	s16 =	simm.s32 @!p5 $0x11C80;
	s0 =	simm.s32 @!p5 $0x80;
	[tilespmem:$0x19DF0] =	vst @!p5 v3  }
0x114: {  	[spmem:s4] =	stream.indirect.scatter.add.f32 @!p5 [tilespmem:s16], [sflag:$0x7], $0x80, s7, s0, $0xb8;
	[tilespmem:$0x1BF80] =	vst v63  }
0x115: {  	s0 =	simm.s32 @!p5 $0x6;
	s7 =	sadd.s32 @!p5 $0xFFFFFFFF, s30  }
0x116: {  	_ =	swait.ge @!p5 [sflag:s0], $0x4000;
	p1 =	sge.s32 @!p5 s7, s24  }
0x117: {  	[sflag:s0] =	ssyncset.done @!p5 $0x0;
	p1 =	por p1, p5  }
0x118: {  	[sflag:s0] =	ssyncadd.s32 @!p5 $0xFFFFC000;
	s0 =	sadd.s32 @!p1 $0xFFFFF800, s29  }
0x119: {  	s7 =	sadd.s32 @!p1 $0xFFFF8000, s28;
	s16 =	simm.s32 @!p1 $0x0;
	s18 =	simm.s32 @!p1 $0xDC80  }
0x11a: {  	[tilespmem:s18], [sflag:$0x2] =	stream.linear.gather @!p1 [hbm4b:s7+s16], $0x4000, $0x38;
	[tilespmem:$0x1BF80] =	vst v63  }
0x11b: {  	s0 =	sshrl.u32 @!p1 s0, $0x3;
	s7 =	rddreg [dreg:$0x8]  }
0x11c: {  	s18 =	simm.s32 @!p1 $0x19D00;
	s0 =	sadd.s32 @!p1 s2, s0;
	p5 =	sge.s32 s31, s7  }
0x11d: {  	[tilespmem:s18], [sflag:$0x2] =	stream.linear.gather @!p1 [hbm4b:s0+s16], $0x80, $0x38;
	[tilespmem:$0x1BF80] =	vst v63  }
0x11e: {  	s0 =	simm.s32 @!p5 $0x4  }
0x11f: {  	_ =	swait.ge @!p5 [sflag:s0], $0x4000  }
0x120: {  	[sflag:s0] =	ssyncset.done @!p5 $0x0  }
0x121: {  	[sflag:s0] =	ssyncadd.s32 @!p5 $0xFFFFC000  }
0x122: {  	_ =	swait.ge @!p5 [sflag:s0], $0x80  }
0x123: {  	[sflag:s0] =	ssyncset.done @!p5 $0x0  }
0x124: {  	[sflag:s0] =	ssyncadd.s32 @!p5 $0xFFFFFF80  }
0x125: {  	v3 =	vld @!p5 [tilespmem:$0x19E00]  }
0x126: {  	v4 =	vld @!p5 [tilespmem:$0x19E10]  }
0x127: {  	v5 =	vld @!p5 [tilespmem:$0x19E20]  }
0x128: {  	v6 =	vld @!p5 [tilespmem:$0x19E30]  }
0x129: {  	v7 =	vld @!p5 [tilespmem:$0x19E40]  }
0x12a: {  	v8 =	vld @!p5 [tilespmem:$0x19E50];
	v3 =	vsub.s32 @!p5 v3, v0  }
0x12b: {  	v9 =	vld @!p5 [tilespmem:$0x19E60];
	v4 =	vsub.s32 @!p5 v4, v0;
	v3 =	vmin.u32 @!p5 v3, $0x1388  }
0x12c: {  	[tilespmem:$0x19E00] =	vst @!p5 v3;
	v3 =	vmin.u32 @!p5 v4, $0x1388;
	v4 =	vsub.s32 @!p5 v5, v0;
	v5 =	vld @!p5 [tilespmem:$0x19E70]  }
0x12d: {  	[tilespmem:$0x19E10] =	vst @!p5 v3;
	v3 =	vmin.u32 @!p5 v4, $0x1388;
	v4 =	vsub.s32 @!p5 v6, v0  }
0x12e: {  	[tilespmem:$0x19E20] =	vst @!p5 v3;
	v3 =	vmin.u32 @!p5 v4, $0x1388;
	v4 =	vsub.s32 @!p5 v7, v0  }
0x12f: {  	[tilespmem:$0x19E30] =	vst @!p5 v3;
	v3 =	vmin.u32 @!p5 v4, $0x1388;
	v4 =	vsub.s32 @!p5 v8, v0  }
0x130: {  	[tilespmem:$0x19E40] =	vst @!p5 v3;
	v3 =	vmin.u32 @!p5 v4, $0x1388;
	v4 =	vsub.s32 @!p5 v9, v0  }
0x131: {  	[tilespmem:$0x19E50] =	vst @!p5 v3;
	v3 =	vmin.u32 @!p5 v4, $0x1388;
	v4 =	vsub.s32 @!p5 v5, v0  }
0x132: {  	[tilespmem:$0x19E60] =	vst @!p5 v3;
	v3 =	vmin.u32 @!p5 v4, $0x1388  }
0x133: {  	s7 =	simm.s32 @!p5 $0x19E00;
	s16 =	simm.s32 @!p5 $0x15C80;
	s0 =	simm.s32 @!p5 $0x80;
	[tilespmem:$0x19E70] =	vst @!p5 v3  }
0x134: {  	[spmem:s4] =	stream.indirect.scatter.add.f32 @!p5 [tilespmem:s16], [sflag:$0x8], $0x80, s7, s0, $0xb8;
	[tilespmem:$0x1BF80] =	vst v63  }
0x135: {  	s0 =	simm.s32 @!p5 $0x7  }
0x136: {  	p1 =	sge.s32 @!p5 s30, s24;
	_ =	swait.ge @!p5 [sflag:s0], $0x4000  }
0x137: {  	p1 =	por p1, p5;
	[sflag:s0] =	ssyncset.done @!p5 $0x0  }
0x138: {  	s7 =	simm.s32 @!p1 $0x11C80;
	[sflag:s0] =	ssyncadd.s32 @!p5 $0xFFFFC000;
	s0 =	simm.s32 @!p1 $0x0  }
0x139: {  	[tilespmem:s7], [sflag:$0x3] =	stream.linear.gather @!p1 [hbm4b:s28+s0], $0x4000, $0x38;
	[tilespmem:$0x1BF80] =	vst v63  }
0x13a: {  	s7 =	sshrl.u32 @!p1 s29, $0x3  }
0x13b: {  	s26 =	sadd.s32 $0xFFFFFFFF, s26;
	s16 =	simm.s32 @!p1 $0x19D80;
	s7 =	sadd.s32 @!p1 s2, s7  }
0x13c: {  	[tilespmem:s16], [sflag:$0x3] =	stream.linear.gather @!p1 [hbm4b:s7+s0], $0x80, $0x38;
	[tilespmem:$0x1BF80] =	vst v63  }
0x13d: {  	p1 =	sne.s32 s26, $0x0  }
.Ltmp4:
0x13e: {  	_ = 	snop;
	(pc) =	sbr.rel @p1 .LBB2_5-.Ltmp4, $2  }
0x13f: {  	_ =	sdelay $0x2  }
0x140: {  	s30 =	sadd.s32 $0x4, s30;
	s28 =	sadd.s32 $0x20000, s28;
	s29 =	sadd.s32 $0x2000, s29  }
.LBB2_6:
.Ltmp5:
0x141: {  	(pc) =	sbr.rel @p4 .LBB2_8-.Ltmp5, $1  }
0x142: {  	_ =	sdelay $0x3  }
0x143: {  	p1 =	sgt.s32 s25, $0x1  }
0x144: {  	p4 =	seq.s32 @p1 s25, $0x2  }
0x145: {  	p5 =	seq.s32 @!p1 s25, $0x0;
	p4 =	por !p4, !p1  }
0x146: {  	s24 =	simm.s32 $0x5;
	p5 =	por !p5, p1;
	s0 =	simm.s32 @!p4 $0x7  }
.Ltmp6:
0x147: {  	s24 =	simm.s32 @p5 $0x6;
	s0 =	simm.s32 @p4 $0x8;
	(pc) =	sbr.rel .LBB2_8-.Ltmp6, $4  }
0x148: {  	s24 =	smov.u32 @p1 s0  }
0x149: {  	_ =	swait.ge [sflag:s24], $0x4000  }
0x14a: {  	[sflag:s24] =	ssyncset.done $0x0  }
0x14b: {  	[sflag:s24] =	ssyncadd.s32 $0xFFFFC000  }
.LBB2_9:
0x14c: {  	_ =	sfence.sel $0x180000  }
0x14d: {  	[bflag:$0x0] =	sbarrier.arrive $0xFFFF  }
0x14e: {  	_ =	strace $0x90000047  }
0x14f: {  	[bflag:$0x2] =	sbarrier.arrive $0xFFFF  }
0x150: {  	p0 =	sne.s32 s3, $0x0;
	s0 =	rddreg [dreg:$0x5]  }
0x151: {  	s0 =	sadd.s32 @!p0 $0x100000, s0  }
0x152: {  	[sflag:s0] =	ssyncadd.tile.s32 @!p0 $0x1;
	_ =	shalt  }
.Lfunc_end2:
_tile_overlayer_lowered:
.L_overlay_start_2:
0x153: {  	(tag) =	ssettag $0x2  }
0x154: {  	s0 =	rddreg [dreg:$0x0];
	s2 =	stileid.u32  }
0x155: {  	s1 =	rddreg [dreg:$0x1];
	p0 =	sne.s32 s2, $0x0  }
0x156: {  	s3 =	rddreg [dreg:$0x2];
	[bflag:$0x3] =	sbarrier.arrive $0xFFFF;
	s2 =	simm.s32 @!p0 $0x1C09  }
0x157: {  	[timem:s3], [sflag:s2] =	dma.local @!p0 [hbm:s0], s1  }
0x158: {  	s0 =	simm.s32 @!p0 $0x9  }
0x159: {  	_ =	swait.ge @!p0 [sflag:s0], s1  }
0x15a: {  	s1 =	ssub.s32 @!p0 $0x0, s1;
	[sflag:s0] =	ssyncset.done @!p0 $0x0  }
0x15b: {  	[sflag:s0] =	ssyncadd.s32 @!p0 s1  }
0x15c: {  	[bflag:$0x3] =	sbarrier.arrive $0xFFFF  }
0x15d: {  	_ =	shalt  }

</sc_bundles>
